<compile_context>
chip_gen: v7x
topology: tpu7x:2x2x1
jax: 0.10.2.dev20260603
libtpu: 0.0.44.dev20260713+nightly
codegen_flags: <defaults>
</compile_context>

<pallas_src>
import functools

import jax
import jax.numpy as jnp
from jax import lax
from jax.experimental import pallas as pl
from jax.experimental.pallas import tpu as pltpu
from jax.experimental.pallas import tpu_sc as plsc

NC = 2
NS = 16
LANES = 16
W = 128


def _make_gin_agg(N, E, feature_split):
    K = 80
    NB = 50 if feature_split else 25
    nworkers = NS if feature_split else NC * NS
    EPS = E // nworkers
    assert E % nworkers == 0 and EPS % (K * NB) == 0
    NCH = EPS // K
    NSTG = NCH // NB
    RPS = (N // NS) // 8 * 8
    TAIL = N - NS * RPS
    mesh = plsc.VectorSubcoreMesh(
        core_axis_name="c", subcore_axis_name="s",
        num_cores=NC, num_subcores=NS)

    def _copy_rows(src_ref, soff, dst_ref, doff, s):
        r0 = pl.multiple_of(s * RPS, 8)
        pltpu.sync_copy(src_ref.at[pl.ds(pl.multiple_of(soff + r0, 8), RPS)],
                        dst_ref.at[pl.ds(pl.multiple_of(doff + r0, 8), RPS)])
        if TAIL:
            @pl.when(s == NS - 1)
            def _tail():
                tr = NS * RPS
                pltpu.sync_copy(
                    src_ref.at[pl.ds(pl.multiple_of(soff + tr, 8), TAIL)],
                    dst_ref.at[pl.ds(pl.multiple_of(doff + tr, 8), TAIL)])

    DEPTH = 3 if feature_split else 4
    scratch = [
        pltpu.VMEM_SHARED((N, W), jnp.float32),
        pltpu.VMEM((NB, K), jnp.int32),
        pltpu.VMEM((NB, K), jnp.int32),
    ] + [pltpu.VMEM((K, W), jnp.float32)] * DEPTH \
      + [pltpu.SemaphoreType.DMA] * DEPTH
    out_type = jax.ShapeDtypeStruct((2 * N, W), jnp.float32)

    def _edge_loop(table_hbm, src_at, dst_at, acc, srcb, dstb, rows, gsems):
        def stage(t, carry):
            pltpu.sync_copy(src_at(t), srcb)
            pltpu.sync_copy(dst_at(t), dstb)
            for d in range(DEPTH - 1):
                pltpu.async_copy(table_hbm.at[srcb.at[d]], rows[d], gsems[d])

            def outer(g, c2):
                for b in range(DEPTH):
                    i = g * DEPTH + b
                    nb = (b + DEPTH - 1) % DEPTH

                    @pl.when(i < NB)
                    def _proc():
                        @pl.when(i + DEPTH - 1 < NB)
                        def _pref():
                            pltpu.async_copy(
                                table_hbm.at[srcb.at[i + DEPTH - 1]],
                                rows[nb], gsems[nb])
                        pltpu.make_async_copy(table_hbm.at[srcb.at[i]],
                                              rows[b], gsems[b]).wait()
                        pltpu.sync_copy(rows[b], acc.at[dstb.at[i]], add=True)
                return c2

            lax.fori_loop(0, (NB + DEPTH - 1) // DEPTH, outer, 0)
            return carry

        lax.fori_loop(0, NSTG, stage, 0)

    if feature_split:
        @functools.partial(
            pl.kernel, out_type=out_type, mesh=mesh, scratch_types=scratch)
        def agg_kernel(hs_hbm, src5_hbm, dst4_hbm, zs_hbm, acc, srcb, dstb,
                       *bufs):
            rows, gsems = bufs[:DEPTH], bufs[DEPTH:]
            c = lax.axis_index("c")
            s = lax.axis_index("s")
            cN = c * N
            _copy_rows(hs_hbm, cN, acc, 0, s)
            plsc.subcore_barrier()
            _edge_loop(hs_hbm,
                       lambda t: src5_hbm.at[c, s, t],
                       lambda t: dst4_hbm.at[s, t],
                       acc, srcb, dstb, rows, gsems)
            plsc.subcore_barrier()
            _copy_rows(acc, 0, zs_hbm, cN, s)
    else:
        @functools.partial(
            pl.kernel, out_type=out_type, mesh=mesh, scratch_types=scratch)
        def agg_kernel(h_hbm, zero_hbm, src4_hbm, dst4_hbm, zs_hbm, acc,
                       srcb, dstb, *bufs):
            rows, gsems = bufs[:DEPTH], bufs[DEPTH:]
            c = lax.axis_index("c")
            s = lax.axis_index("s")
            w = c * NS + s

            @pl.when(c == 0)
            def _seed_h():
                _copy_rows(h_hbm, 0, acc, 0, s)
            @pl.when(c == 1)
            def _seed_zero():
                _copy_rows(zero_hbm, 0, acc, 0, s)
            plsc.subcore_barrier()
            _edge_loop(h_hbm,
                       lambda t: src4_hbm.at[w, t],
                       lambda t: dst4_hbm.at[w, t],
                       acc, srcb, dstb, rows, gsems)
            plsc.subcore_barrier()
            _copy_rows(acc, 0, zs_hbm, c * N, s)

    return agg_kernel


def _make_mlp(N, Din, combine, R=400):
    H = 256
    Wh = Din if combine == "add" else Din // 2
    nblk = N // R

    def body(z0_ref, z1_ref, wa_ref, wb_ref, out_ref):
        if combine == "add":
            z = z0_ref[...] + z1_ref[...]
        else:
            z = jnp.concatenate([z0_ref[...], z1_ref[...]], axis=1)
        t = jnp.dot(z, wa_ref[...], preferred_element_type=jnp.float32)
        t = jnp.maximum(t, 0.0)
        t = jnp.dot(t, wb_ref[...], preferred_element_type=jnp.float32)
        t = jnp.maximum(t, 0.0)
        out_ref[...] = jnp.stack([t[:, :128], t[:, 128:]], axis=0)

    return pl.pallas_call(
        body,
        grid=(nblk,),
        in_specs=[
            pl.BlockSpec((R, Wh), lambda i: (i, 0)),
            pl.BlockSpec((R, Wh), lambda i: (i + nblk, 0)),
            pl.BlockSpec((Din, H), lambda i: (0, 0)),
            pl.BlockSpec((H, H), lambda i: (0, 0)),
        ],
        out_specs=pl.BlockSpec((2, R, 128), lambda i: (0, i, 0)),
        out_shape=jax.ShapeDtypeStruct((2, N, 128), jnp.float32),
    )


def _make_head(N, G=128, H=256, R=400):
    nblk = N // R
    NEG = float("-inf")

    def body(h0_ref, h1_ref, b_ref, m1w_ref, m1b_ref, m2w_ref, m2b_ref,
             owt_ref, ob_ref, out_ref, sum_acc, max_acc):
        i = pl.program_id(0)

        @pl.when(i == 0)
        def _init():
            sum_acc[...] = jnp.zeros_like(sum_acc)
            max_acc[...] = jnp.full_like(max_acc, NEG)

        h = jnp.concatenate([h0_ref[...], h1_ref[...]], axis=1)
        brow = b_ref[...].reshape(1, R)
        seg = lax.broadcasted_iota(jnp.int32, (G, R), 0)
        mask = (seg == jnp.broadcast_to(brow, (G, R))).astype(jnp.float32)
        haug = jnp.concatenate(
            [h, jnp.ones((R, 128), jnp.float32)], axis=1)
        sum_acc[...] = sum_acc[...] + jnp.dot(
            mask, haug, preferred_element_type=jnp.float32)

        g_lo = b_ref[0, 0, 0]
        g_hi = b_ref[0, 0, R - 1]
        bcol = brow.reshape(R, 1)

        def upd(g, carry):
            vals = jnp.where(bcol == g, h, NEG)
            m = jnp.max(vals, axis=0, keepdims=True)
            cur = max_acc[pl.ds(g, 1), :]
            max_acc[pl.ds(g, 1), :] = jnp.maximum(cur, m)
            return carry

        lax.fori_loop(g_lo, g_hi + 1, upd, 0)

        @pl.when(i == nblk - 1)
        def _final():
            sums = sum_acc[...]
            cnt = jnp.max(sums[:, H:], axis=1, keepdims=True)
            sump = sums[:, :H]
            meanp = sump / jnp.maximum(cnt, 1.0)
            hid = jnp.concatenate([max_acc[...], meanp, sump], axis=1)
            t = jnp.dot(hid, m1w_ref[...], preferred_element_type=jnp.float32)
            t = jnp.maximum(t + m1b_ref[...], 0.0)
            t = jnp.dot(t, m2w_ref[...], preferred_element_type=jnp.float32)
            t = jnp.maximum(t + m2b_ref[...], 0.0)
            out = jnp.sum(t * owt_ref[...], axis=1, keepdims=True) + ob_ref[...]
            out_ref[...] = out

    return pl.pallas_call(
        body,
        grid=(nblk,),
        in_specs=[
            pl.BlockSpec((R, 128), lambda i: (i, 0)),
            pl.BlockSpec((R, 128), lambda i: (i + nblk, 0)),
            pl.BlockSpec((1, 1, R), lambda i: (i, 0, 0)),
            pl.BlockSpec((3 * H, 256), lambda i: (0, 0)),
            pl.BlockSpec((1, 256), lambda i: (0, 0)),
            pl.BlockSpec((256, 128), lambda i: (0, 0)),
            pl.BlockSpec((1, 128), lambda i: (0, 0)),
            pl.BlockSpec((1, 128), lambda i: (0, 0)),
            pl.BlockSpec((1, 1), lambda i: (0, 0)),
        ],
        out_specs=pl.BlockSpec((G, 1), lambda i: (0, 0)),
        out_shape=jax.ShapeDtypeStruct((G, 1), jnp.float32),
        scratch_shapes=[
            pltpu.VMEM((G, H + 128), jnp.float32),
            pltpu.VMEM((G, H), jnp.float32),
        ],
    )


def kernel(x, edge_index, batch_index, W1a, W1b, W2a, W2b, W3a, W3b,
           M1w, M1b, M2w, M2b, Ow, Ob):
    N, D = x.shape
    E = edge_index.shape[1]
    H = 256
    G = 128
    K = 80
    src = edge_index[0]
    dst = edge_index[1]
    src_e = src.reshape(NC * NS, -1, 25, K)
    dst_e = dst.reshape(NC * NS, -1, 25, K)
    src_f = jnp.stack([src, src + N]).reshape(NC, NS, -1, 50, K)
    dst_f = dst.reshape(NS, -1, 50, K)
    zero = jnp.zeros((N, D), jnp.float32)

    agg1 = _make_gin_agg(N, E, feature_split=False)
    agg23 = _make_gin_agg(N, E, feature_split=True)
    mlp1 = _make_mlp(N, D, combine="add")
    mlp23 = _make_mlp(N, H, combine="cat")
    head = _make_head(N, G, H)

    z1 = agg1(x, zero, src_e, dst_e)
    h1 = mlp1(z1, z1, W1a, W1b).reshape(2 * N, 128)
    z2 = agg23(h1, src_f, dst_f)
    h2 = mlp23(z2, z2, W2a, W2b).reshape(2 * N, 128)
    z3 = agg23(h2, src_f, dst_f)
    h3 = mlp23(z3, z3, W3a, W3b).reshape(2 * N, 128)

    bi3 = batch_index.reshape(N // 400, 1, 400)
    out = head(h3, h3, bi3, M1w, M1b.reshape(1, -1), M2w, M2b.reshape(1, -1),
               Ow.reshape(1, -1), Ob.reshape(1, 1))
    return out

# --- scband reference (transcript-rebuilt; emitter-appended) ---
"""Pipeline reference for scband-gin-29231547416665 (READ-ONLY COPY).

The authoritative reference and input builder live on the scoring server;
editing this copy changes nothing except your own understanding.
"""

import jax, jax.numpy as jnp
import numpy as np

N = 10000
E = 320000
D = 128
H = 256
G = 128
DENSE = 256


def setup_inputs(seed: int = 0) -> dict:
    key = jax.random.key(seed)
    ks = jax.random.split(key, 20)
    x = jax.random.normal(ks[0], (N, D), dtype=jnp.float32)
    edge_index = jax.random.randint(ks[1], (2, E), 0, N, dtype=jnp.int32)
    batch_index = jnp.sort(jax.random.randint(ks[2], (N,), 0, G, dtype=jnp.int32))
    s = 0.05
    W1a = jax.random.normal(ks[3], (D, H), dtype=jnp.float32) * s
    W1b = jax.random.normal(ks[4], (H, H), dtype=jnp.float32) * s
    W2a = jax.random.normal(ks[5], (H, H), dtype=jnp.float32) * s
    W2b = jax.random.normal(ks[6], (H, H), dtype=jnp.float32) * s
    W3a = jax.random.normal(ks[7], (H, H), dtype=jnp.float32) * s
    W3b = jax.random.normal(ks[8], (H, H), dtype=jnp.float32) * s
    M1w = jax.random.normal(ks[9], (3 * H, DENSE), dtype=jnp.float32) * s
    M1b = jax.random.normal(ks[10], (DENSE,), dtype=jnp.float32) * s
    M2w = jax.random.normal(ks[11], (DENSE, DENSE // 2), dtype=jnp.float32) * s
    M2b = jax.random.normal(ks[12], (DENSE // 2,), dtype=jnp.float32) * s
    Ow = jax.random.normal(ks[13], (DENSE // 2, 1), dtype=jnp.float32) * s
    Ob = jax.random.normal(ks[14], (1,), dtype=jnp.float32) * s
    return {"x": x, "edge_index": edge_index, "batch_index": batch_index,
            "W1a": W1a, "W1b": W1b, "W2a": W2a, "W2b": W2b, "W3a": W3a, "W3b": W3b,
            "M1w": M1w, "M1b": M1b, "M2w": M2w, "M2b": M2b, "Ow": Ow, "Ob": Ob}


def _gin_conv(h, src, dst, Wa, Wb):
    # GINConv: mlp((1 + eps) * x + sum_{j in N(i)} x_j), eps = 0
    agg = jnp.zeros_like(h).at[dst].add(h[src])
    z = h + agg
    z = jnp.maximum(z @ Wa, 0.0)
    z = z @ Wb
    return z


def reference(x, edge_index, batch_index, W1a, W1b, W2a, W2b, W3a, W3b, M1w, M1b, M2w, M2b, Ow, Ob):
    src = edge_index[0]
    dst = edge_index[1]
    # initial_conv + relu (dropout p=0 -> identity)
    h = jnp.maximum(_gin_conv(x, src, dst, W1a, W1b), 0.0)
    # two more GIN layers (num_gin_layers=3)
    h = jnp.maximum(_gin_conv(h, src, dst, W2a, W2b), 0.0)
    h = jnp.maximum(_gin_conv(h, src, dst, W3a, W3b), 0.0)
    # global pooling: [max, mean, add]
    sum_p = jax.ops.segment_sum(h, batch_index, num_segments=G)
    cnt = jax.ops.segment_sum(jnp.ones((N, 1), dtype=h.dtype), batch_index, num_segments=G)
    mean_p = sum_p / jnp.maximum(cnt, 1.0)
    max_p = jax.ops.segment_max(h, batch_index, num_segments=G, indices_are_sorted=True)
    hid = jnp.concatenate([max_p, mean_p, sum_p], axis=1)
    # MLP head (dropout_mlp p=0 -> identity)
    hid = jnp.maximum(hid @ M1w + M1b, 0.0)
    hid = jnp.maximum(hid @ M2w + M2b, 0.0)
    out = hid @ Ow + Ob
    return out

if __name__ == "__main__":
    import jax
    _d = setup_inputs()
    print(jax.jit(kernel)(*tuple(_d.values())))

</pallas_src>

<mosaic_0001>
#map = affine_map<(d0, d1) -> (0, 0)>
#map1 = affine_map<(d0, d1) -> (0, 0, 0, 0, 0)>
#map2 = affine_map<(d0, d1) -> (0, 0, 0, 0)>
module attributes {stable_mosaic.version = 14 : i64} {
  func.func @agg_kernel(%arg0: i32, %arg1: i32, %arg2: memref<20000x128xf32, #tpu.memory_space<hbm>>, %arg3: memref<2x16x5x50x80xi32, #tpu.memory_space<hbm>>, %arg4: memref<16x5x50x80xi32, #tpu.memory_space<hbm>>, %arg5: memref<20000x128xf32, #tpu.memory_space<hbm>>, %arg6: memref<10000x128xf32, #tpu.memory_space<vmem_shared>>, %arg7: memref<50x80xi32, #tpu.memory_space<vmem>>, %arg8: memref<50x80xi32, #tpu.memory_space<vmem>>, %arg9: memref<80x128xf32, #tpu.memory_space<vmem>>, %arg10: memref<80x128xf32, #tpu.memory_space<vmem>>, %arg11: memref<80x128xf32, #tpu.memory_space<vmem>>, %arg12: memref<!tpu.dma_semaphore, #tpu.memory_space<semaphore_mem>>, %arg13: memref<!tpu.dma_semaphore, #tpu.memory_space<semaphore_mem>>, %arg14: memref<!tpu.dma_semaphore, #tpu.memory_space<semaphore_mem>>) attributes {dimension_semantics = [#tpu.dimension_semantics<core_parallel>, #tpu.dimension_semantics<subcore_parallel>], iteration_bounds = array<i64: 2, 16>, scalar_prefetch = 0 : i64, scratch_operands = 9 : i64, tpu.core_type = #tpu.core_type<sc_vector_subcore>, window_params = [{transform_indices = #map}, {transform_indices = #map1}, {transform_indices = #map2}, {transform_indices = #map}]} {
    %mul3A = arith.constant 10000 : i32
    %mul3A_0 = arith.muli %arg0, %mul3A : i32
    %mul3A_1 = arith.constant 624 : i32
    %mul3A_2 = arith.muli %arg1, %mul3A_1 : i32
    %multiple_of3A = tpu.assume_multiple %mul3A_2, 8 : i32
    %add3A = arith.addi %mul3A_0, %multiple_of3A : i32
    %multiple_of3A_3 = tpu.assume_multiple %add3A, 8 : i32
    %add3A_4 = arith.constant 0 : i32
    %add3A_5 = arith.addi %add3A_4, %multiple_of3A : i32
    %multiple_of3A_6 = tpu.assume_multiple %add3A_5, 8 : i32
    "tpu.region"() ({
      %run_scoped3A = tpu.sem_alloc : memref<!tpu.dma_semaphore, #tpu.memory_space<semaphore_mem>>
      %dma_start3A = arith.constant 0 : i32
      %dma_start3A_28 = tpu.memref_slice %arg6[%multiple_of3A_6, %dma_start3A] : memref<10000x128xf32, #tpu.memory_space<vmem_shared>> -> memref<624x128xf32, #tpu.memory_space<vmem_shared>>
      %dma_start3A_29 = arith.constant 0 : i32
      %dma_start3A_30 = tpu.memref_slice %arg2[%multiple_of3A_3, %dma_start3A_29] : memref<20000x128xf32, #tpu.memory_space<hbm>> -> memref<624x128xf32, #tpu.memory_space<hbm>>
      tpu.enqueue_dma source(%dma_start3A_30 : memref<624x128xf32, #tpu.memory_space<hbm>>) target(%dma_start3A_28 : memref<624x128xf32, #tpu.memory_space<vmem_shared>>) target_semaphore(%run_scoped3A : memref<!tpu.dma_semaphore, #tpu.memory_space<semaphore_mem>>)
      %dma_wait3A = arith.constant 0 : i32
      %dma_wait3A_31 = tpu.memref_slice %arg6[%multiple_of3A_6, %dma_wait3A] : memref<10000x128xf32, #tpu.memory_space<vmem_shared>> -> memref<624x128xf32, #tpu.memory_space<vmem_shared>>
      %dma_wait3A_32 = arith.constant 0 : i32
      %dma_wait3A_33 = tpu.memref_slice %arg2[%multiple_of3A_3, %dma_wait3A_32] : memref<20000x128xf32, #tpu.memory_space<hbm>> -> memref<624x128xf32, #tpu.memory_space<hbm>>
      tpu.wait_dma2 semaphore(%run_scoped3A : memref<!tpu.dma_semaphore, #tpu.memory_space<semaphore_mem>>) src(%dma_wait3A_33 : memref<624x128xf32, #tpu.memory_space<hbm>>) dst(%dma_wait3A_31 : memref<624x128xf32, #tpu.memory_space<vmem_shared>>)
      tpu.yield
    }) : () -> ()
    %eq3A = arith.constant 15 : i32
    %eq3A_7 = arith.cmpi eq, %arg1, %eq3A : i32
    %convert_element_type3A = arith.extui %eq3A_7 : i1 to i32
    %cond3A = arith.constant 0 : i32
    %cond3A_8 = arith.cmpi ne, %convert_element_type3A, %cond3A : i32
    scf.if %cond3A_8 {
      %add3A_28 = arith.constant 9984 : i32
      %add3A_29 = arith.addi %mul3A_0, %add3A_28 : i32
      %multiple_of3A_30 = tpu.assume_multiple %add3A_29, 8 : i32
      %multiple_of3A_31 = arith.constant 9984 : i32
      %multiple_of3A_32 = tpu.assume_multiple %multiple_of3A_31, 8 : i32
      "tpu.region"() ({
        %run_scoped3A = tpu.sem_alloc : memref<!tpu.dma_semaphore, #tpu.memory_space<semaphore_mem>>
        %dma_start3A = arith.constant 0 : i32
        %dma_start3A_33 = tpu.memref_slice %arg6[%multiple_of3A_32, %dma_start3A] : memref<10000x128xf32, #tpu.memory_space<vmem_shared>> -> memref<16x128xf32, #tpu.memory_space<vmem_shared>>
        %dma_start3A_34 = arith.constant 0 : i32
        %dma_start3A_35 = tpu.memref_slice %arg2[%multiple_of3A_30, %dma_start3A_34] : memref<20000x128xf32, #tpu.memory_space<hbm>> -> memref<16x128xf32, #tpu.memory_space<hbm>>
        tpu.enqueue_dma source(%dma_start3A_35 : memref<16x128xf32, #tpu.memory_space<hbm>>) target(%dma_start3A_33 : memref<16x128xf32, #tpu.memory_space<vmem_shared>>) target_semaphore(%run_scoped3A : memref<!tpu.dma_semaphore, #tpu.memory_space<semaphore_mem>>)
        %dma_wait3A = arith.constant 0 : i32
        %dma_wait3A_36 = tpu.memref_slice %arg6[%multiple_of3A_32, %dma_wait3A] : memref<10000x128xf32, #tpu.memory_space<vmem_shared>> -> memref<16x128xf32, #tpu.memory_space<vmem_shared>>
        %dma_wait3A_37 = arith.constant 0 : i32
        %dma_wait3A_38 = tpu.memref_slice %arg2[%multiple_of3A_30, %dma_wait3A_37] : memref<20000x128xf32, #tpu.memory_space<hbm>> -> memref<16x128xf32, #tpu.memory_space<hbm>>
        tpu.wait_dma2 semaphore(%run_scoped3A : memref<!tpu.dma_semaphore, #tpu.memory_space<semaphore_mem>>) src(%dma_wait3A_38 : memref<16x128xf32, #tpu.memory_space<hbm>>) dst(%dma_wait3A_36 : memref<16x128xf32, #tpu.memory_space<vmem_shared>>)
        tpu.yield
      }) : () -> ()
    } else {
    }
    %barrier3A = arith.constant 0 : index
    tpu.barrier barrier_id(%barrier3A)
    %scan3A = arith.constant 0 : i32
    %scan3A_9 = arith.constant 0 : i32
    %scan3A_10 = arith.constant 5 : i32
    %scan3A_11 = arith.addi %scan3A_9, %scan3A_10 : i32
    %scan3A_12 = arith.constant 1 : i32
    scf.for %scan3A_28 = %scan3A_9 to %scan3A_11 step %scan3A_12  : i32 {
      "tpu.region"() ({
        %run_scoped3A = tpu.sem_alloc : memref<!tpu.dma_semaphore, #tpu.memory_space<semaphore_mem>>
        %dma_start3A_48 = arith.constant 0 : i32
        %dma_start3A_49 = arith.constant 0 : i32
        %dma_start3A_50 = tpu.memref_slice %arg3[%arg0, %arg1, %scan3A_28, %dma_start3A_48, %dma_start3A_49] : memref<2x16x5x50x80xi32, #tpu.memory_space<hbm>> -> memref<1x1x1x50x80xi32, #tpu.memory_space<hbm>>
        %dma_start3A_51 = tpu.memref_squeeze %dma_start3A_50 : memref<1x1x1x50x80xi32, #tpu.memory_space<hbm>> -> memref<50x80xi32, #tpu.memory_space<hbm>>
        %dma_start3A_52 = arith.constant 0 : i32
        %dma_start3A_53 = arith.constant 0 : i32
        %dma_start3A_54 = tpu.memref_slice %arg3[%arg0, %arg1, %scan3A_28, %dma_start3A_52, %dma_start3A_53] : memref<2x16x5x50x80xi32, #tpu.memory_space<hbm>> -> memref<1x1x1x50x80xi32, #tpu.memory_space<hbm>>
        %dma_start3A_55 = tpu.memref_squeeze %dma_start3A_54 : memref<1x1x1x50x80xi32, #tpu.memory_space<hbm>> -> memref<50x80xi32, #tpu.memory_space<hbm>>
        tpu.enqueue_dma source(%dma_start3A_55 : memref<50x80xi32, #tpu.memory_space<hbm>>) target(%arg7 : memref<50x80xi32, #tpu.memory_space<vmem>>) target_semaphore(%run_scoped3A : memref<!tpu.dma_semaphore, #tpu.memory_space<semaphore_mem>>)
        %dma_wait3A = arith.constant 0 : i32
        %dma_wait3A_56 = arith.constant 0 : i32
        %dma_wait3A_57 = tpu.memref_slice %arg3[%arg0, %arg1, %scan3A_28, %dma_wait3A, %dma_wait3A_56] : memref<2x16x5x50x80xi32, #tpu.memory_space<hbm>> -> memref<1x1x1x50x80xi32, #tpu.memory_space<hbm>>
        %dma_wait3A_58 = tpu.memref_squeeze %dma_wait3A_57 : memref<1x1x1x50x80xi32, #tpu.memory_space<hbm>> -> memref<50x80xi32, #tpu.memory_space<hbm>>
        %dma_wait3A_59 = arith.constant 0 : i32
        %dma_wait3A_60 = arith.constant 0 : i32
        %dma_wait3A_61 = tpu.memref_slice %arg3[%arg0, %arg1, %scan3A_28, %dma_wait3A_59, %dma_wait3A_60] : memref<2x16x5x50x80xi32, #tpu.memory_space<hbm>> -> memref<1x1x1x50x80xi32, #tpu.memory_space<hbm>>
        %dma_wait3A_62 = tpu.memref_squeeze %dma_wait3A_61 : memref<1x1x1x50x80xi32, #tpu.memory_space<hbm>> -> memref<50x80xi32, #tpu.memory_space<hbm>>
        tpu.wait_dma2 semaphore(%run_scoped3A : memref<!tpu.dma_semaphore, #tpu.memory_space<semaphore_mem>>) src(%dma_wait3A_62 : memref<50x80xi32, #tpu.memory_space<hbm>>) dst(%arg7 : memref<50x80xi32, #tpu.memory_space<vmem>>)
        tpu.yield
      }) : () -> ()
      "tpu.region"() ({
        %run_scoped3A = tpu.sem_alloc : memref<!tpu.dma_semaphore, #tpu.memory_space<semaphore_mem>>
        %dma_start3A_48 = arith.constant 0 : i32
        %dma_start3A_49 = arith.constant 0 : i32
        %dma_start3A_50 = tpu.memref_slice %arg4[%arg1, %scan3A_28, %dma_start3A_48, %dma_start3A_49] : memref<16x5x50x80xi32, #tpu.memory_space<hbm>> -> memref<1x1x50x80xi32, #tpu.memory_space<hbm>>
        %dma_start3A_51 = tpu.memref_squeeze %dma_start3A_50 : memref<1x1x50x80xi32, #tpu.memory_space<hbm>> -> memref<50x80xi32, #tpu.memory_space<hbm>>
        %dma_start3A_52 = arith.constant 0 : i32
        %dma_start3A_53 = arith.constant 0 : i32
        %dma_start3A_54 = tpu.memref_slice %arg4[%arg1, %scan3A_28, %dma_start3A_52, %dma_start3A_53] : memref<16x5x50x80xi32, #tpu.memory_space<hbm>> -> memref<1x1x50x80xi32, #tpu.memory_space<hbm>>
        %dma_start3A_55 = tpu.memref_squeeze %dma_start3A_54 : memref<1x1x50x80xi32, #tpu.memory_space<hbm>> -> memref<50x80xi32, #tpu.memory_space<hbm>>
        tpu.enqueue_dma source(%dma_start3A_55 : memref<50x80xi32, #tpu.memory_space<hbm>>) target(%arg8 : memref<50x80xi32, #tpu.memory_space<vmem>>) target_semaphore(%run_scoped3A : memref<!tpu.dma_semaphore, #tpu.memory_space<semaphore_mem>>)
        %dma_wait3A = arith.constant 0 : i32
        %dma_wait3A_56 = arith.constant 0 : i32
        %dma_wait3A_57 = tpu.memref_slice %arg4[%arg1, %scan3A_28, %dma_wait3A, %dma_wait3A_56] : memref<16x5x50x80xi32, #tpu.memory_space<hbm>> -> memref<1x1x50x80xi32, #tpu.memory_space<hbm>>
        %dma_wait3A_58 = tpu.memref_squeeze %dma_wait3A_57 : memref<1x1x50x80xi32, #tpu.memory_space<hbm>> -> memref<50x80xi32, #tpu.memory_space<hbm>>
        %dma_wait3A_59 = arith.constant 0 : i32
        %dma_wait3A_60 = arith.constant 0 : i32
        %dma_wait3A_61 = tpu.memref_slice %arg4[%arg1, %scan3A_28, %dma_wait3A_59, %dma_wait3A_60] : memref<16x5x50x80xi32, #tpu.memory_space<hbm>> -> memref<1x1x50x80xi32, #tpu.memory_space<hbm>>
        %dma_wait3A_62 = tpu.memref_squeeze %dma_wait3A_61 : memref<1x1x50x80xi32, #tpu.memory_space<hbm>> -> memref<50x80xi32, #tpu.memory_space<hbm>>
        tpu.wait_dma2 semaphore(%run_scoped3A : memref<!tpu.dma_semaphore, #tpu.memory_space<semaphore_mem>>) src(%dma_wait3A_62 : memref<50x80xi32, #tpu.memory_space<hbm>>) dst(%arg8 : memref<50x80xi32, #tpu.memory_space<vmem>>)
        tpu.yield
      }) : () -> ()
      %dma_start3A = arith.constant 0 : i32
      %dma_start3A_29 = arith.constant 0 : i32
      %dma_start3A_30 = tpu.memref_slice %arg7[%dma_start3A, %dma_start3A_29] : memref<50x80xi32, #tpu.memory_space<vmem>> -> memref<1x80xi32, #tpu.memory_space<vmem>>
      %dma_start3A_31 = tpu.memref_squeeze %dma_start3A_30 : memref<1x80xi32, #tpu.memory_space<vmem>> -> memref<80xi32, #tpu.memory_space<vmem>>
      %dma_start3A_32 = arith.constant 0 : i32
      %dma_start3A_33 = arith.constant 0 : i32
      %dma_start3A_34 = tpu.memref_slice %arg2[%dma_start3A_32, %dma_start3A_33] : memref<20000x128xf32, #tpu.memory_space<hbm>> -> memref<20000x128xf32, #tpu.memory_space<hbm>>
      tpu.enqueue_indirect_dma source(%dma_start3A_34 : memref<20000x128xf32, #tpu.memory_space<hbm>>) target(%arg9 : memref<80x128xf32, #tpu.memory_space<vmem>>) offsets(%dma_start3A_31 : memref<80xi32, #tpu.memory_space<vmem>>) semaphore(%arg12 : memref<!tpu.dma_semaphore, #tpu.memory_space<semaphore_mem>>)
      %dma_start3A_35 = arith.constant 1 : i32
      %dma_start3A_36 = arith.constant 0 : i32
      %dma_start3A_37 = tpu.memref_slice %arg7[%dma_start3A_35, %dma_start3A_36] : memref<50x80xi32, #tpu.memory_space<vmem>> -> memref<1x80xi32, #tpu.memory_space<vmem>>
      %dma_start3A_38 = tpu.memref_squeeze %dma_start3A_37 : memref<1x80xi32, #tpu.memory_space<vmem>> -> memref<80xi32, #tpu.memory_space<vmem>>
      %dma_start3A_39 = arith.constant 0 : i32
      %dma_start3A_40 = arith.constant 0 : i32
      %dma_start3A_41 = tpu.memref_slice %arg2[%dma_start3A_39, %dma_start3A_40] : memref<20000x128xf32, #tpu.memory_space<hbm>> -> memref<20000x128xf32, #tpu.memory_space<hbm>>
      tpu.enqueue_indirect_dma source(%dma_start3A_41 : memref<20000x128xf32, #tpu.memory_space<hbm>>) target(%arg10 : memref<80x128xf32, #tpu.memory_space<vmem>>) offsets(%dma_start3A_38 : memref<80xi32, #tpu.memory_space<vmem>>) semaphore(%arg13 : memref<!tpu.dma_semaphore, #tpu.memory_space<semaphore_mem>>)
      %scan3A_42 = arith.constant 0 : i32
      %scan3A_43 = arith.constant 0 : i32
      %scan3A_44 = arith.constant 17 : i32
      %scan3A_45 = arith.addi %scan3A_43, %scan3A_44 : i32
      %scan3A_46 = arith.constant 1 : i32
      scf.for %scan3A_48 = %scan3A_43 to %scan3A_45 step %scan3A_46  : i32 {
        %mul3A_49 = arith.constant 3 : i32
        %mul3A_50 = arith.muli %scan3A_48, %mul3A_49 : i32
        %add3A_51 = arith.constant 0 : i32
        %add3A_52 = arith.addi %mul3A_50, %add3A_51 : i32
        %lt3A = arith.constant 50 : i32
        %lt3A_53 = arith.cmpi slt, %add3A_52, %lt3A : i32
        %convert_element_type3A_54 = arith.extui %lt3A_53 : i1 to i32
        %cond3A_55 = arith.constant 0 : i32
        %cond3A_56 = arith.cmpi ne, %convert_element_type3A_54, %cond3A_55 : i32
        scf.if %cond3A_56 {
          %add3A_75 = arith.constant 3 : i32
          %add3A_76 = arith.addi %add3A_52, %add3A_75 : i32
          %sub3A = arith.constant 1 : i32
          %sub3A_77 = arith.subi %add3A_76, %sub3A : i32
          %lt3A_78 = arith.constant 50 : i32
          %lt3A_79 = arith.cmpi slt, %sub3A_77, %lt3A_78 : i32
          %convert_element_type3A_80 = arith.extui %lt3A_79 : i1 to i32
          %cond3A_81 = arith.constant 0 : i32
          %cond3A_82 = arith.cmpi ne, %convert_element_type3A_80, %cond3A_81 : i32
          scf.if %cond3A_82 {
            %add3A_88 = arith.constant 3 : i32
            %add3A_89 = arith.addi %add3A_52, %add3A_88 : i32
            %sub3A_90 = arith.constant 1 : i32
            %sub3A_91 = arith.subi %add3A_89, %sub3A_90 : i32
            %dma_start3A_92 = arith.constant 0 : i32
            %dma_start3A_93 = tpu.memref_slice %arg7[%sub3A_91, %dma_start3A_92] : memref<50x80xi32, #tpu.memory_space<vmem>> -> memref<1x80xi32, #tpu.memory_space<vmem>>
            %dma_start3A_94 = tpu.memref_squeeze %dma_start3A_93 : memref<1x80xi32, #tpu.memory_space<vmem>> -> memref<80xi32, #tpu.memory_space<vmem>>
            %dma_start3A_95 = arith.constant 0 : i32
            %dma_start3A_96 = arith.constant 0 : i32
            %dma_start3A_97 = tpu.memref_slice %arg2[%dma_start3A_95, %dma_start3A_96] : memref<20000x128xf32, #tpu.memory_space<hbm>> -> memref<20000x128xf32, #tpu.memory_space<hbm>>
            tpu.enqueue_indirect_dma source(%dma_start3A_97 : memref<20000x128xf32, #tpu.memory_space<hbm>>) target(%arg11 : memref<80x128xf32, #tpu.memory_space<vmem>>) offsets(%dma_start3A_94 : memref<80xi32, #tpu.memory_space<vmem>>) semaphore(%arg14 : memref<!tpu.dma_semaphore, #tpu.memory_space<semaphore_mem>>)
          } else {
          }
          %dma_wait3A = arith.constant 0 : i32
          %dma_wait3A_83 = tpu.memref_slice %arg7[%add3A_52, %dma_wait3A] : memref<50x80xi32, #tpu.memory_space<vmem>> -> memref<1x80xi32, #tpu.memory_space<vmem>>
          %dma_wait3A_84 = tpu.memref_squeeze %dma_wait3A_83 : memref<1x80xi32, #tpu.memory_space<vmem>> -> memref<80xi32, #tpu.memory_space<vmem>>
          %dma_wait3A_85 = arith.constant 0 : i32
          %dma_wait3A_86 = arith.constant 0 : i32
          %dma_wait3A_87 = tpu.memref_slice %arg2[%dma_wait3A_85, %dma_wait3A_86] : memref<20000x128xf32, #tpu.memory_space<hbm>> -> memref<20000x128xf32, #tpu.memory_space<hbm>>
          tpu.wait_indirect_dma semaphore(%arg12 : memref<!tpu.dma_semaphore, #tpu.memory_space<semaphore_mem>>) src(%dma_wait3A_87 : memref<20000x128xf32, #tpu.memory_space<hbm>>) dst(%arg9 : memref<80x128xf32, #tpu.memory_space<vmem>>)
          "tpu.region"() ({
            %run_scoped3A = tpu.sem_alloc : memref<!tpu.dma_semaphore, #tpu.memory_space<semaphore_mem>>
            %dma_start3A_88 = arith.constant 0 : i32
            %dma_start3A_89 = tpu.memref_slice %arg8[%add3A_52, %dma_start3A_88] : memref<50x80xi32, #tpu.memory_space<vmem>> -> memref<1x80xi32, #tpu.memory_space<vmem>>
            %dma_start3A_90 = tpu.memref_squeeze %dma_start3A_89 : memref<1x80xi32, #tpu.memory_space<vmem>> -> memref<80xi32, #tpu.memory_space<vmem>>
            %dma_start3A_91 = arith.constant 0 : i32
            %dma_start3A_92 = arith.constant 0 : i32
            %dma_start3A_93 = tpu.memref_slice %arg6[%dma_start3A_91, %dma_start3A_92] : memref<10000x128xf32, #tpu.memory_space<vmem_shared>> -> memref<10000x128xf32, #tpu.memory_space<vmem_shared>>
            tpu.enqueue_indirect_dma source(%arg9 : memref<80x128xf32, #tpu.memory_space<vmem>>) target(%dma_start3A_93 : memref<10000x128xf32, #tpu.memory_space<vmem_shared>>) offsets(%dma_start3A_90 : memref<80xi32, #tpu.memory_space<vmem>>) semaphore(%run_scoped3A : memref<!tpu.dma_semaphore, #tpu.memory_space<semaphore_mem>>) {add = true}
            %dma_wait3A_94 = arith.constant 0 : i32
            %dma_wait3A_95 = tpu.memref_slice %arg8[%add3A_52, %dma_wait3A_94] : memref<50x80xi32, #tpu.memory_space<vmem>> -> memref<1x80xi32, #tpu.memory_space<vmem>>
            %dma_wait3A_96 = tpu.memref_squeeze %dma_wait3A_95 : memref<1x80xi32, #tpu.memory_space<vmem>> -> memref<80xi32, #tpu.memory_space<vmem>>
            %dma_wait3A_97 = arith.constant 0 : i32
            %dma_wait3A_98 = arith.constant 0 : i32
            %dma_wait3A_99 = tpu.memref_slice %arg6[%dma_wait3A_97, %dma_wait3A_98] : memref<10000x128xf32, #tpu.memory_space<vmem_shared>> -> memref<10000x128xf32, #tpu.memory_space<vmem_shared>>
            tpu.wait_indirect_dma semaphore(%run_scoped3A : memref<!tpu.dma_semaphore, #tpu.memory_space<semaphore_mem>>) src(%arg9 : memref<80x128xf32, #tpu.memory_space<vmem>>) dst(%dma_wait3A_99 : memref<10000x128xf32, #tpu.memory_space<vmem_shared>>)
            tpu.yield
          }) : () -> ()
        } else {
        }
        %mul3A_57 = arith.constant 3 : i32
        %mul3A_58 = arith.muli %scan3A_48, %mul3A_57 : i32
        %add3A_59 = arith.constant 1 : i32
        %add3A_60 = arith.addi %mul3A_58, %add3A_59 : i32
        %lt3A_61 = arith.constant 50 : i32
        %lt3A_62 = arith.cmpi slt, %add3A_60, %lt3A_61 : i32
        %convert_element_type3A_63 = arith.extui %lt3A_62 : i1 to i32
        %cond3A_64 = arith.constant 0 : i32
        %cond3A_65 = arith.cmpi ne, %convert_element_type3A_63, %cond3A_64 : i32
        scf.if %cond3A_65 {
          %add3A_75 = arith.constant 3 : i32
          %add3A_76 = arith.addi %add3A_60, %add3A_75 : i32
          %sub3A = arith.constant 1 : i32
          %sub3A_77 = arith.subi %add3A_76, %sub3A : i32
          %lt3A_78 = arith.constant 50 : i32
          %lt3A_79 = arith.cmpi slt, %sub3A_77, %lt3A_78 : i32
          %convert_element_type3A_80 = arith.extui %lt3A_79 : i1 to i32
          %cond3A_81 = arith.constant 0 : i32
          %cond3A_82 = arith.cmpi ne, %convert_element_type3A_80, %cond3A_81 : i32
          scf.if %cond3A_82 {
            %add3A_88 = arith.constant 3 : i32
            %add3A_89 = arith.addi %add3A_60, %add3A_88 : i32
            %sub3A_90 = arith.constant 1 : i32
            %sub3A_91 = arith.subi %add3A_89, %sub3A_90 : i32
            %dma_start3A_92 = arith.constant 0 : i32
            %dma_start3A_93 = tpu.memref_slice %arg7[%sub3A_91, %dma_start3A_92] : memref<50x80xi32, #tpu.memory_space<vmem>> -> memref<1x80xi32, #tpu.memory_space<vmem>>
            %dma_start3A_94 = tpu.memref_squeeze %dma_start3A_93 : memref<1x80xi32, #tpu.memory_space<vmem>> -> memref<80xi32, #tpu.memory_space<vmem>>
            %dma_start3A_95 = arith.constant 0 : i32
            %dma_start3A_96 = arith.constant 0 : i32
            %dma_start3A_97 = tpu.memref_slice %arg2[%dma_start3A_95, %dma_start3A_96] : memref<20000x128xf32, #tpu.memory_space<hbm>> -> memref<20000x128xf32, #tpu.memory_space<hbm>>
            tpu.enqueue_indirect_dma source(%dma_start3A_97 : memref<20000x128xf32, #tpu.memory_space<hbm>>) target(%arg9 : memref<80x128xf32, #tpu.memory_space<vmem>>) offsets(%dma_start3A_94 : memref<80xi32, #tpu.memory_space<vmem>>) semaphore(%arg12 : memref<!tpu.dma_semaphore, #tpu.memory_space<semaphore_mem>>)
          } else {
          }
          %dma_wait3A = arith.constant 0 : i32
          %dma_wait3A_83 = tpu.memref_slice %arg7[%add3A_60, %dma_wait3A] : memref<50x80xi32, #tpu.memory_space<vmem>> -> memref<1x80xi32, #tpu.memory_space<vmem>>
          %dma_wait3A_84 = tpu.memref_squeeze %dma_wait3A_83 : memref<1x80xi32, #tpu.memory_space<vmem>> -> memref<80xi32, #tpu.memory_space<vmem>>
          %dma_wait3A_85 = arith.constant 0 : i32
          %dma_wait3A_86 = arith.constant 0 : i32
          %dma_wait3A_87 = tpu.memref_slice %arg2[%dma_wait3A_85, %dma_wait3A_86] : memref<20000x128xf32, #tpu.memory_space<hbm>> -> memref<20000x128xf32, #tpu.memory_space<hbm>>
          tpu.wait_indirect_dma semaphore(%arg13 : memref<!tpu.dma_semaphore, #tpu.memory_space<semaphore_mem>>) src(%dma_wait3A_87 : memref<20000x128xf32, #tpu.memory_space<hbm>>) dst(%arg10 : memref<80x128xf32, #tpu.memory_space<vmem>>)
          "tpu.region"() ({
            %run_scoped3A = tpu.sem_alloc : memref<!tpu.dma_semaphore, #tpu.memory_space<semaphore_mem>>
            %dma_start3A_88 = arith.constant 0 : i32
            %dma_start3A_89 = tpu.memref_slice %arg8[%add3A_60, %dma_start3A_88] : memref<50x80xi32, #tpu.memory_space<vmem>> -> memref<1x80xi32, #tpu.memory_space<vmem>>
            %dma_start3A_90 = tpu.memref_squeeze %dma_start3A_89 : memref<1x80xi32, #tpu.memory_space<vmem>> -> memref<80xi32, #tpu.memory_space<vmem>>
            %dma_start3A_91 = arith.constant 0 : i32
            %dma_start3A_92 = arith.constant 0 : i32
            %dma_start3A_93 = tpu.memref_slice %arg6[%dma_start3A_91, %dma_start3A_92] : memref<10000x128xf32, #tpu.memory_space<vmem_shared>> -> memref<10000x128xf32, #tpu.memory_space<vmem_shared>>
            tpu.enqueue_indirect_dma source(%arg10 : memref<80x128xf32, #tpu.memory_space<vmem>>) target(%dma_start3A_93 : memref<10000x128xf32, #tpu.memory_space<vmem_shared>>) offsets(%dma_start3A_90 : memref<80xi32, #tpu.memory_space<vmem>>) semaphore(%run_scoped3A : memref<!tpu.dma_semaphore, #tpu.memory_space<semaphore_mem>>) {add = true}
            %dma_wait3A_94 = arith.constant 0 : i32
            %dma_wait3A_95 = tpu.memref_slice %arg8[%add3A_60, %dma_wait3A_94] : memref<50x80xi32, #tpu.memory_space<vmem>> -> memref<1x80xi32, #tpu.memory_space<vmem>>
            %dma_wait3A_96 = tpu.memref_squeeze %dma_wait3A_95 : memref<1x80xi32, #tpu.memory_space<vmem>> -> memref<80xi32, #tpu.memory_space<vmem>>
            %dma_wait3A_97 = arith.constant 0 : i32
            %dma_wait3A_98 = arith.constant 0 : i32
            %dma_wait3A_99 = tpu.memref_slice %arg6[%dma_wait3A_97, %dma_wait3A_98] : memref<10000x128xf32, #tpu.memory_space<vmem_shared>> -> memref<10000x128xf32, #tpu.memory_space<vmem_shared>>
            tpu.wait_indirect_dma semaphore(%run_scoped3A : memref<!tpu.dma_semaphore, #tpu.memory_space<semaphore_mem>>) src(%arg10 : memref<80x128xf32, #tpu.memory_space<vmem>>) dst(%dma_wait3A_99 : memref<10000x128xf32, #tpu.memory_space<vmem_shared>>)
            tpu.yield
          }) : () -> ()
        } else {
        }
        %mul3A_66 = arith.constant 3 : i32
        %mul3A_67 = arith.muli %scan3A_48, %mul3A_66 : i32
        %add3A_68 = arith.constant 2 : i32
        %add3A_69 = arith.addi %mul3A_67, %add3A_68 : i32
        %lt3A_70 = arith.constant 50 : i32
        %lt3A_71 = arith.cmpi slt, %add3A_69, %lt3A_70 : i32
        %convert_element_type3A_72 = arith.extui %lt3A_71 : i1 to i32
        %cond3A_73 = arith.constant 0 : i32
        %cond3A_74 = arith.cmpi ne, %convert_element_type3A_72, %cond3A_73 : i32
        scf.if %cond3A_74 {
          %add3A_75 = arith.constant 3 : i32
          %add3A_76 = arith.addi %add3A_69, %add3A_75 : i32
          %sub3A = arith.constant 1 : i32
          %sub3A_77 = arith.subi %add3A_76, %sub3A : i32
          %lt3A_78 = arith.constant 50 : i32
          %lt3A_79 = arith.cmpi slt, %sub3A_77, %lt3A_78 : i32
          %convert_element_type3A_80 = arith.extui %lt3A_79 : i1 to i32
          %cond3A_81 = arith.constant 0 : i32
          %cond3A_82 = arith.cmpi ne, %convert_element_type3A_80, %cond3A_81 : i32
          scf.if %cond3A_82 {
            %add3A_88 = arith.constant 3 : i32
            %add3A_89 = arith.addi %add3A_69, %add3A_88 : i32
            %sub3A_90 = arith.constant 1 : i32
            %sub3A_91 = arith.subi %add3A_89, %sub3A_90 : i32
            %dma_start3A_92 = arith.constant 0 : i32
            %dma_start3A_93 = tpu.memref_slice %arg7[%sub3A_91, %dma_start3A_92] : memref<50x80xi32, #tpu.memory_space<vmem>> -> memref<1x80xi32, #tpu.memory_space<vmem>>
            %dma_start3A_94 = tpu.memref_squeeze %dma_start3A_93 : memref<1x80xi32, #tpu.memory_space<vmem>> -> memref<80xi32, #tpu.memory_space<vmem>>
            %dma_start3A_95 = arith.constant 0 : i32
            %dma_start3A_96 = arith.constant 0 : i32
            %dma_start3A_97 = tpu.memref_slice %arg2[%dma_start3A_95, %dma_start3A_96] : memref<20000x128xf32, #tpu.memory_space<hbm>> -> memref<20000x128xf32, #tpu.memory_space<hbm>>
            tpu.enqueue_indirect_dma source(%dma_start3A_97 : memref<20000x128xf32, #tpu.memory_space<hbm>>) target(%arg10 : memref<80x128xf32, #tpu.memory_space<vmem>>) offsets(%dma_start3A_94 : memref<80xi32, #tpu.memory_space<vmem>>) semaphore(%arg13 : memref<!tpu.dma_semaphore, #tpu.memory_space<semaphore_mem>>)
          } else {
          }
          %dma_wait3A = arith.constant 0 : i32
          %dma_wait3A_83 = tpu.memref_slice %arg7[%add3A_69, %dma_wait3A] : memref<50x80xi32, #tpu.memory_space<vmem>> -> memref<1x80xi32, #tpu.memory_space<vmem>>
          %dma_wait3A_84 = tpu.memref_squeeze %dma_wait3A_83 : memref<1x80xi32, #tpu.memory_space<vmem>> -> memref<80xi32, #tpu.memory_space<vmem>>
          %dma_wait3A_85 = arith.constant 0 : i32
          %dma_wait3A_86 = arith.constant 0 : i32
          %dma_wait3A_87 = tpu.memref_slice %arg2[%dma_wait3A_85, %dma_wait3A_86] : memref<20000x128xf32, #tpu.memory_space<hbm>> -> memref<20000x128xf32, #tpu.memory_space<hbm>>
          tpu.wait_indirect_dma semaphore(%arg14 : memref<!tpu.dma_semaphore, #tpu.memory_space<semaphore_mem>>) src(%dma_wait3A_87 : memref<20000x128xf32, #tpu.memory_space<hbm>>) dst(%arg11 : memref<80x128xf32, #tpu.memory_space<vmem>>)
          "tpu.region"() ({
            %run_scoped3A = tpu.sem_alloc : memref<!tpu.dma_semaphore, #tpu.memory_space<semaphore_mem>>
            %dma_start3A_88 = arith.constant 0 : i32
            %dma_start3A_89 = tpu.memref_slice %arg8[%add3A_69, %dma_start3A_88] : memref<50x80xi32, #tpu.memory_space<vmem>> -> memref<1x80xi32, #tpu.memory_space<vmem>>
            %dma_start3A_90 = tpu.memref_squeeze %dma_start3A_89 : memref<1x80xi32, #tpu.memory_space<vmem>> -> memref<80xi32, #tpu.memory_space<vmem>>
            %dma_start3A_91 = arith.constant 0 : i32
            %dma_start3A_92 = arith.constant 0 : i32
            %dma_start3A_93 = tpu.memref_slice %arg6[%dma_start3A_91, %dma_start3A_92] : memref<10000x128xf32, #tpu.memory_space<vmem_shared>> -> memref<10000x128xf32, #tpu.memory_space<vmem_shared>>
            tpu.enqueue_indirect_dma source(%arg11 : memref<80x128xf32, #tpu.memory_space<vmem>>) target(%dma_start3A_93 : memref<10000x128xf32, #tpu.memory_space<vmem_shared>>) offsets(%dma_start3A_90 : memref<80xi32, #tpu.memory_space<vmem>>) semaphore(%run_scoped3A : memref<!tpu.dma_semaphore, #tpu.memory_space<semaphore_mem>>) {add = true}
            %dma_wait3A_94 = arith.constant 0 : i32
            %dma_wait3A_95 = tpu.memref_slice %arg8[%add3A_69, %dma_wait3A_94] : memref<50x80xi32, #tpu.memory_space<vmem>> -> memref<1x80xi32, #tpu.memory_space<vmem>>
            %dma_wait3A_96 = tpu.memref_squeeze %dma_wait3A_95 : memref<1x80xi32, #tpu.memory_space<vmem>> -> memref<80xi32, #tpu.memory_space<vmem>>
            %dma_wait3A_97 = arith.constant 0 : i32
            %dma_wait3A_98 = arith.constant 0 : i32
            %dma_wait3A_99 = tpu.memref_slice %arg6[%dma_wait3A_97, %dma_wait3A_98] : memref<10000x128xf32, #tpu.memory_space<vmem_shared>> -> memref<10000x128xf32, #tpu.memory_space<vmem_shared>>
            tpu.wait_indirect_dma semaphore(%run_scoped3A : memref<!tpu.dma_semaphore, #tpu.memory_space<semaphore_mem>>) src(%arg11 : memref<80x128xf32, #tpu.memory_space<vmem>>) dst(%dma_wait3A_99 : memref<10000x128xf32, #tpu.memory_space<vmem_shared>>)
            tpu.yield
          }) : () -> ()
        } else {
        }
      }
      %scan3A_47 = arith.constant 17 : i32
    }
    %scan3A_13 = arith.constant 5 : i32
    %barrier3A_14 = arith.constant 0 : index
    tpu.barrier barrier_id(%barrier3A_14)
    %mul3A_15 = arith.constant 624 : i32
    %mul3A_16 = arith.muli %arg1, %mul3A_15 : i32
    %multiple_of3A_17 = tpu.assume_multiple %mul3A_16, 8 : i32
    %add3A_18 = arith.constant 0 : i32
    %add3A_19 = arith.addi %add3A_18, %multiple_of3A_17 : i32
    %multiple_of3A_20 = tpu.assume_multiple %add3A_19, 8 : i32
    %add3A_21 = arith.addi %mul3A_0, %multiple_of3A_17 : i32
    %multiple_of3A_22 = tpu.assume_multiple %add3A_21, 8 : i32
    "tpu.region"() ({
      %run_scoped3A = tpu.sem_alloc : memref<!tpu.dma_semaphore, #tpu.memory_space<semaphore_mem>>
      %dma_start3A = arith.constant 0 : i32
      %dma_start3A_28 = tpu.memref_slice %arg5[%multiple_of3A_22, %dma_start3A] : memref<20000x128xf32, #tpu.memory_space<hbm>> -> memref<624x128xf32, #tpu.memory_space<hbm>>
      %dma_start3A_29 = arith.constant 0 : i32
      %dma_start3A_30 = tpu.memref_slice %arg6[%multiple_of3A_20, %dma_start3A_29] : memref<10000x128xf32, #tpu.memory_space<vmem_shared>> -> memref<624x128xf32, #tpu.memory_space<vmem_shared>>
      tpu.enqueue_dma source(%dma_start3A_30 : memref<624x128xf32, #tpu.memory_space<vmem_shared>>) target(%dma_start3A_28 : memref<624x128xf32, #tpu.memory_space<hbm>>) target_semaphore(%run_scoped3A : memref<!tpu.dma_semaphore, #tpu.memory_space<semaphore_mem>>)
      %dma_wait3A = arith.constant 0 : i32
      %dma_wait3A_31 = tpu.memref_slice %arg5[%multiple_of3A_22, %dma_wait3A] : memref<20000x128xf32, #tpu.memory_space<hbm>> -> memref<624x128xf32, #tpu.memory_space<hbm>>
      %dma_wait3A_32 = arith.constant 0 : i32
      %dma_wait3A_33 = tpu.memref_slice %arg6[%multiple_of3A_20, %dma_wait3A_32] : memref<10000x128xf32, #tpu.memory_space<vmem_shared>> -> memref<624x128xf32, #tpu.memory_space<vmem_shared>>
      tpu.wait_dma2 semaphore(%run_scoped3A : memref<!tpu.dma_semaphore, #tpu.memory_space<semaphore_mem>>) src(%dma_wait3A_33 : memref<624x128xf32, #tpu.memory_space<vmem_shared>>) dst(%dma_wait3A_31 : memref<624x128xf32, #tpu.memory_space<hbm>>)
      tpu.yield
    }) : () -> ()
    %eq3A_23 = arith.constant 15 : i32
    %eq3A_24 = arith.cmpi eq, %arg1, %eq3A_23 : i32
    %convert_element_type3A_25 = arith.extui %eq3A_24 : i1 to i32
    %cond3A_26 = arith.constant 0 : i32
    %cond3A_27 = arith.cmpi ne, %convert_element_type3A_25, %cond3A_26 : i32
    scf.if %cond3A_27 {
      %multiple_of3A_28 = arith.constant 9984 : i32
      %multiple_of3A_29 = tpu.assume_multiple %multiple_of3A_28, 8 : i32
      %add3A_30 = arith.constant 9984 : i32
      %add3A_31 = arith.addi %mul3A_0, %add3A_30 : i32
      %multiple_of3A_32 = tpu.assume_multiple %add3A_31, 8 : i32
      "tpu.region"() ({
        %run_scoped3A = tpu.sem_alloc : memref<!tpu.dma_semaphore, #tpu.memory_space<semaphore_mem>>
        %dma_start3A = arith.constant 0 : i32
        %dma_start3A_33 = tpu.memref_slice %arg5[%multiple_of3A_32, %dma_start3A] : memref<20000x128xf32, #tpu.memory_space<hbm>> -> memref<16x128xf32, #tpu.memory_space<hbm>>
        %dma_start3A_34 = arith.constant 0 : i32
        %dma_start3A_35 = tpu.memref_slice %arg6[%multiple_of3A_29, %dma_start3A_34] : memref<10000x128xf32, #tpu.memory_space<vmem_shared>> -> memref<16x128xf32, #tpu.memory_space<vmem_shared>>
        tpu.enqueue_dma source(%dma_start3A_35 : memref<16x128xf32, #tpu.memory_space<vmem_shared>>) target(%dma_start3A_33 : memref<16x128xf32, #tpu.memory_space<hbm>>) target_semaphore(%run_scoped3A : memref<!tpu.dma_semaphore, #tpu.memory_space<semaphore_mem>>)
        %dma_wait3A = arith.constant 0 : i32
        %dma_wait3A_36 = tpu.memref_slice %arg5[%multiple_of3A_32, %dma_wait3A] : memref<20000x128xf32, #tpu.memory_space<hbm>> -> memref<16x128xf32, #tpu.memory_space<hbm>>
        %dma_wait3A_37 = arith.constant 0 : i32
        %dma_wait3A_38 = tpu.memref_slice %arg6[%multiple_of3A_29, %dma_wait3A_37] : memref<10000x128xf32, #tpu.memory_space<vmem_shared>> -> memref<16x128xf32, #tpu.memory_space<vmem_shared>>
        tpu.wait_dma2 semaphore(%run_scoped3A : memref<!tpu.dma_semaphore, #tpu.memory_space<semaphore_mem>>) src(%dma_wait3A_38 : memref<16x128xf32, #tpu.memory_space<vmem_shared>>) dst(%dma_wait3A_36 : memref<16x128xf32, #tpu.memory_space<hbm>>)
        tpu.yield
      }) : () -> ()
    } else {
    }
    return
  }
}

#map = affine_map<(d0, d1) -> (0, 0)>
#map1 = affine_map<(d0, d1) -> (0, 0, 0, 0)>
module attributes {stable_mosaic.version = 14 : i64} {
  func.func @agg_kernel(%arg0: i32, %arg1: i32, %arg2: memref<10000x128xf32, #tpu.memory_space<hbm>>, %arg3: memref<10000x128xf32, #tpu.memory_space<hbm>>, %arg4: memref<32x5x25x80xi32, #tpu.memory_space<hbm>>, %arg5: memref<32x5x25x80xi32, #tpu.memory_space<hbm>>, %arg6: memref<20000x128xf32, #tpu.memory_space<hbm>>, %arg7: memref<10000x128xf32, #tpu.memory_space<vmem_shared>>, %arg8: memref<25x80xi32, #tpu.memory_space<vmem>>, %arg9: memref<25x80xi32, #tpu.memory_space<vmem>>, %arg10: memref<80x128xf32, #tpu.memory_space<vmem>>, %arg11: memref<80x128xf32, #tpu.memory_space<vmem>>, %arg12: memref<80x128xf32, #tpu.memory_space<vmem>>, %arg13: memref<80x128xf32, #tpu.memory_space<vmem>>, %arg14: memref<!tpu.dma_semaphore, #tpu.memory_space<semaphore_mem>>, %arg15: memref<!tpu.dma_semaphore, #tpu.memory_space<semaphore_mem>>, %arg16: memref<!tpu.dma_semaphore, #tpu.memory_space<semaphore_mem>>, %arg17: memref<!tpu.dma_semaphore, #tpu.memory_space<semaphore_mem>>) attributes {dimension_semantics = [#tpu.dimension_semantics<core_parallel>, #tpu.dimension_semantics<subcore_parallel>], iteration_bounds = array<i64: 2, 16>, scalar_prefetch = 0 : i64, scratch_operands = 11 : i64, tpu.core_type = #tpu.core_type<sc_vector_subcore>, window_params = [{transform_indices = #map}, {transform_indices = #map}, {transform_indices = #map1}, {transform_indices = #map1}, {transform_indices = #map}]} {
    %mul3A = arith.constant 16 : i32
    %mul3A_0 = arith.muli %arg0, %mul3A : i32
    %add3A = arith.addi %mul3A_0, %arg1 : i32
    %eq3A = arith.constant 0 : i32
    %eq3A_1 = arith.cmpi eq, %arg0, %eq3A : i32
    %convert_element_type3A = arith.extui %eq3A_1 : i1 to i32
    %cond3A = arith.constant 0 : i32
    %cond3A_2 = arith.cmpi ne, %convert_element_type3A, %cond3A : i32
    scf.if %cond3A_2 {
      %mul3A_28 = arith.constant 624 : i32
      %mul3A_29 = arith.muli %arg1, %mul3A_28 : i32
      %multiple_of3A_30 = tpu.assume_multiple %mul3A_29, 8 : i32
      %add3A_31 = arith.constant 0 : i32
      %add3A_32 = arith.addi %add3A_31, %multiple_of3A_30 : i32
      %multiple_of3A_33 = tpu.assume_multiple %add3A_32, 8 : i32
      %add3A_34 = arith.constant 0 : i32
      %add3A_35 = arith.addi %add3A_34, %multiple_of3A_30 : i32
      %multiple_of3A_36 = tpu.assume_multiple %add3A_35, 8 : i32
      "tpu.region"() ({
        %run_scoped3A = tpu.sem_alloc : memref<!tpu.dma_semaphore, #tpu.memory_space<semaphore_mem>>
        %dma_start3A = arith.constant 0 : i32
        %dma_start3A_42 = tpu.memref_slice %arg7[%multiple_of3A_36, %dma_start3A] : memref<10000x128xf32, #tpu.memory_space<vmem_shared>> -> memref<624x128xf32, #tpu.memory_space<vmem_shared>>
        %dma_start3A_43 = arith.constant 0 : i32
        %dma_start3A_44 = tpu.memref_slice %arg2[%multiple_of3A_33, %dma_start3A_43] : memref<10000x128xf32, #tpu.memory_space<hbm>> -> memref<624x128xf32, #tpu.memory_space<hbm>>
        tpu.enqueue_dma source(%dma_start3A_44 : memref<624x128xf32, #tpu.memory_space<hbm>>) target(%dma_start3A_42 : memref<624x128xf32, #tpu.memory_space<vmem_shared>>) target_semaphore(%run_scoped3A : memref<!tpu.dma_semaphore, #tpu.memory_space<semaphore_mem>>)
        %dma_wait3A = arith.constant 0 : i32
        %dma_wait3A_45 = tpu.memref_slice %arg7[%multiple_of3A_36, %dma_wait3A] : memref<10000x128xf32, #tpu.memory_space<vmem_shared>> -> memref<624x128xf32, #tpu.memory_space<vmem_shared>>
        %dma_wait3A_46 = arith.constant 0 : i32
        %dma_wait3A_47 = tpu.memref_slice %arg2[%multiple_of3A_33, %dma_wait3A_46] : memref<10000x128xf32, #tpu.memory_space<hbm>> -> memref<624x128xf32, #tpu.memory_space<hbm>>
        tpu.wait_dma2 semaphore(%run_scoped3A : memref<!tpu.dma_semaphore, #tpu.memory_space<semaphore_mem>>) src(%dma_wait3A_47 : memref<624x128xf32, #tpu.memory_space<hbm>>) dst(%dma_wait3A_45 : memref<624x128xf32, #tpu.memory_space<vmem_shared>>)
        tpu.yield
      }) : () -> ()
      %eq3A_37 = arith.constant 15 : i32
      %eq3A_38 = arith.cmpi eq, %arg1, %eq3A_37 : i32
      %convert_element_type3A_39 = arith.extui %eq3A_38 : i1 to i32
      %cond3A_40 = arith.constant 0 : i32
      %cond3A_41 = arith.cmpi ne, %convert_element_type3A_39, %cond3A_40 : i32
      scf.if %cond3A_41 {
        %multiple_of3A_42 = arith.constant 9984 : i32
        %multiple_of3A_43 = tpu.assume_multiple %multiple_of3A_42, 8 : i32
        %multiple_of3A_44 = arith.constant 9984 : i32
        %multiple_of3A_45 = tpu.assume_multiple %multiple_of3A_44, 8 : i32
        "tpu.region"() ({
          %run_scoped3A = tpu.sem_alloc : memref<!tpu.dma_semaphore, #tpu.memory_space<semaphore_mem>>
          %dma_start3A = arith.constant 0 : i32
          %dma_start3A_46 = tpu.memref_slice %arg7[%multiple_of3A_45, %dma_start3A] : memref<10000x128xf32, #tpu.memory_space<vmem_shared>> -> memref<16x128xf32, #tpu.memory_space<vmem_shared>>
          %dma_start3A_47 = arith.constant 0 : i32
          %dma_start3A_48 = tpu.memref_slice %arg2[%multiple_of3A_43, %dma_start3A_47] : memref<10000x128xf32, #tpu.memory_space<hbm>> -> memref<16x128xf32, #tpu.memory_space<hbm>>
          tpu.enqueue_dma source(%dma_start3A_48 : memref<16x128xf32, #tpu.memory_space<hbm>>) target(%dma_start3A_46 : memref<16x128xf32, #tpu.memory_space<vmem_shared>>) target_semaphore(%run_scoped3A : memref<!tpu.dma_semaphore, #tpu.memory_space<semaphore_mem>>)
          %dma_wait3A = arith.constant 0 : i32
          %dma_wait3A_49 = tpu.memref_slice %arg7[%multiple_of3A_45, %dma_wait3A] : memref<10000x128xf32, #tpu.memory_space<vmem_shared>> -> memref<16x128xf32, #tpu.memory_space<vmem_shared>>
          %dma_wait3A_50 = arith.constant 0 : i32
          %dma_wait3A_51 = tpu.memref_slice %arg2[%multiple_of3A_43, %dma_wait3A_50] : memref<10000x128xf32, #tpu.memory_space<hbm>> -> memref<16x128xf32, #tpu.memory_space<hbm>>
          tpu.wait_dma2 semaphore(%run_scoped3A : memref<!tpu.dma_semaphore, #tpu.memory_space<semaphore_mem>>) src(%dma_wait3A_51 : memref<16x128xf32, #tpu.memory_space<hbm>>) dst(%dma_wait3A_49 : memref<16x128xf32, #tpu.memory_space<vmem_shared>>)
          tpu.yield
        }) : () -> ()
      } else {
      }
    } else {
    }
    %eq3A_3 = arith.constant 1 : i32
    %eq3A_4 = arith.cmpi eq, %arg0, %eq3A_3 : i32
    %convert_element_type3A_5 = arith.extui %eq3A_4 : i1 to i32
    %cond3A_6 = arith.constant 0 : i32
    %cond3A_7 = arith.cmpi ne, %convert_element_type3A_5, %cond3A_6 : i32
    scf.if %cond3A_7 {
      %mul3A_28 = arith.constant 624 : i32
      %mul3A_29 = arith.muli %arg1, %mul3A_28 : i32
      %multiple_of3A_30 = tpu.assume_multiple %mul3A_29, 8 : i32
      %add3A_31 = arith.constant 0 : i32
      %add3A_32 = arith.addi %add3A_31, %multiple_of3A_30 : i32
      %multiple_of3A_33 = tpu.assume_multiple %add3A_32, 8 : i32
      %add3A_34 = arith.constant 0 : i32
      %add3A_35 = arith.addi %add3A_34, %multiple_of3A_30 : i32
      %multiple_of3A_36 = tpu.assume_multiple %add3A_35, 8 : i32
      "tpu.region"() ({
        %run_scoped3A = tpu.sem_alloc : memref<!tpu.dma_semaphore, #tpu.memory_space<semaphore_mem>>
        %dma_start3A = arith.constant 0 : i32
        %dma_start3A_42 = tpu.memref_slice %arg7[%multiple_of3A_36, %dma_start3A] : memref<10000x128xf32, #tpu.memory_space<vmem_shared>> -> memref<624x128xf32, #tpu.memory_space<vmem_shared>>
        %dma_start3A_43 = arith.constant 0 : i32
        %dma_start3A_44 = tpu.memref_slice %arg3[%multiple_of3A_33, %dma_start3A_43] : memref<10000x128xf32, #tpu.memory_space<hbm>> -> memref<624x128xf32, #tpu.memory_space<hbm>>
        tpu.enqueue_dma source(%dma_start3A_44 : memref<624x128xf32, #tpu.memory_space<hbm>>) target(%dma_start3A_42 : memref<624x128xf32, #tpu.memory_space<vmem_shared>>) target_semaphore(%run_scoped3A : memref<!tpu.dma_semaphore, #tpu.memory_space<semaphore_mem>>)
        %dma_wait3A = arith.constant 0 : i32
        %dma_wait3A_45 = tpu.memref_slice %arg7[%multiple_of3A_36, %dma_wait3A] : memref<10000x128xf32, #tpu.memory_space<vmem_shared>> -> memref<624x128xf32, #tpu.memory_space<vmem_shared>>
        %dma_wait3A_46 = arith.constant 0 : i32
        %dma_wait3A_47 = tpu.memref_slice %arg3[%multiple_of3A_33, %dma_wait3A_46] : memref<10000x128xf32, #tpu.memory_space<hbm>> -> memref<624x128xf32, #tpu.memory_space<hbm>>
        tpu.wait_dma2 semaphore(%run_scoped3A : memref<!tpu.dma_semaphore, #tpu.memory_space<semaphore_mem>>) src(%dma_wait3A_47 : memref<624x128xf32, #tpu.memory_space<hbm>>) dst(%dma_wait3A_45 : memref<624x128xf32, #tpu.memory_space<vmem_shared>>)
        tpu.yield
      }) : () -> ()
      %eq3A_37 = arith.constant 15 : i32
      %eq3A_38 = arith.cmpi eq, %arg1, %eq3A_37 : i32
      %convert_element_type3A_39 = arith.extui %eq3A_38 : i1 to i32
      %cond3A_40 = arith.constant 0 : i32
      %cond3A_41 = arith.cmpi ne, %convert_element_type3A_39, %cond3A_40 : i32
      scf.if %cond3A_41 {
        %multiple_of3A_42 = arith.constant 9984 : i32
        %multiple_of3A_43 = tpu.assume_multiple %multiple_of3A_42, 8 : i32
        %multiple_of3A_44 = arith.constant 9984 : i32
        %multiple_of3A_45 = tpu.assume_multiple %multiple_of3A_44, 8 : i32
        "tpu.region"() ({
          %run_scoped3A = tpu.sem_alloc : memref<!tpu.dma_semaphore, #tpu.memory_space<semaphore_mem>>
          %dma_start3A = arith.constant 0 : i32
          %dma_start3A_46 = tpu.memref_slice %arg7[%multiple_of3A_45, %dma_start3A] : memref<10000x128xf32, #tpu.memory_space<vmem_shared>> -> memref<16x128xf32, #tpu.memory_space<vmem_shared>>
          %dma_start3A_47 = arith.constant 0 : i32
          %dma_start3A_48 = tpu.memref_slice %arg3[%multiple_of3A_43, %dma_start3A_47] : memref<10000x128xf32, #tpu.memory_space<hbm>> -> memref<16x128xf32, #tpu.memory_space<hbm>>
          tpu.enqueue_dma source(%dma_start3A_48 : memref<16x128xf32, #tpu.memory_space<hbm>>) target(%dma_start3A_46 : memref<16x128xf32, #tpu.memory_space<vmem_shared>>) target_semaphore(%run_scoped3A : memref<!tpu.dma_semaphore, #tpu.memory_space<semaphore_mem>>)
          %dma_wait3A = arith.constant 0 : i32
          %dma_wait3A_49 = tpu.memref_slice %arg7[%multiple_of3A_45, %dma_wait3A] : memref<10000x128xf32, #tpu.memory_space<vmem_shared>> -> memref<16x128xf32, #tpu.memory_space<vmem_shared>>
          %dma_wait3A_50 = arith.constant 0 : i32
          %dma_wait3A_51 = tpu.memref_slice %arg3[%multiple_of3A_43, %dma_wait3A_50] : memref<10000x128xf32, #tpu.memory_space<hbm>> -> memref<16x128xf32, #tpu.memory_space<hbm>>
          tpu.wait_dma2 semaphore(%run_scoped3A : memref<!tpu.dma_semaphore, #tpu.memory_space<semaphore_mem>>) src(%dma_wait3A_51 : memref<16x128xf32, #tpu.memory_space<hbm>>) dst(%dma_wait3A_49 : memref<16x128xf32, #tpu.memory_space<vmem_shared>>)
          tpu.yield
        }) : () -> ()
      } else {
      }
    } else {
    }
    %barrier3A = arith.constant 0 : index
    tpu.barrier barrier_id(%barrier3A)
    %scan3A = arith.constant 0 : i32
    %scan3A_8 = arith.constant 0 : i32
    %scan3A_9 = arith.constant 5 : i32
    %scan3A_10 = arith.addi %scan3A_8, %scan3A_9 : i32
    %scan3A_11 = arith.constant 1 : i32
    scf.for %scan3A_28 = %scan3A_8 to %scan3A_10 step %scan3A_11  : i32 {
      "tpu.region"() ({
        %run_scoped3A = tpu.sem_alloc : memref<!tpu.dma_semaphore, #tpu.memory_space<semaphore_mem>>
        %dma_start3A_55 = arith.constant 0 : i32
        %dma_start3A_56 = arith.constant 0 : i32
        %dma_start3A_57 = tpu.memref_slice %arg4[%add3A, %scan3A_28, %dma_start3A_55, %dma_start3A_56] : memref<32x5x25x80xi32, #tpu.memory_space<hbm>> -> memref<1x1x25x80xi32, #tpu.memory_space<hbm>>
        %dma_start3A_58 = tpu.memref_squeeze %dma_start3A_57 : memref<1x1x25x80xi32, #tpu.memory_space<hbm>> -> memref<25x80xi32, #tpu.memory_space<hbm>>
        %dma_start3A_59 = arith.constant 0 : i32
        %dma_start3A_60 = arith.constant 0 : i32
        %dma_start3A_61 = tpu.memref_slice %arg4[%add3A, %scan3A_28, %dma_start3A_59, %dma_start3A_60] : memref<32x5x25x80xi32, #tpu.memory_space<hbm>> -> memref<1x1x25x80xi32, #tpu.memory_space<hbm>>
        %dma_start3A_62 = tpu.memref_squeeze %dma_start3A_61 : memref<1x1x25x80xi32, #tpu.memory_space<hbm>> -> memref<25x80xi32, #tpu.memory_space<hbm>>
        tpu.enqueue_dma source(%dma_start3A_62 : memref<25x80xi32, #tpu.memory_space<hbm>>) target(%arg8 : memref<25x80xi32, #tpu.memory_space<vmem>>) target_semaphore(%run_scoped3A : memref<!tpu.dma_semaphore, #tpu.memory_space<semaphore_mem>>)
        %dma_wait3A = arith.constant 0 : i32
        %dma_wait3A_63 = arith.constant 0 : i32
        %dma_wait3A_64 = tpu.memref_slice %arg4[%add3A, %scan3A_28, %dma_wait3A, %dma_wait3A_63] : memref<32x5x25x80xi32, #tpu.memory_space<hbm>> -> memref<1x1x25x80xi32, #tpu.memory_space<hbm>>
        %dma_wait3A_65 = tpu.memref_squeeze %dma_wait3A_64 : memref<1x1x25x80xi32, #tpu.memory_space<hbm>> -> memref<25x80xi32, #tpu.memory_space<hbm>>
        %dma_wait3A_66 = arith.constant 0 : i32
        %dma_wait3A_67 = arith.constant 0 : i32
        %dma_wait3A_68 = tpu.memref_slice %arg4[%add3A, %scan3A_28, %dma_wait3A_66, %dma_wait3A_67] : memref<32x5x25x80xi32, #tpu.memory_space<hbm>> -> memref<1x1x25x80xi32, #tpu.memory_space<hbm>>
        %dma_wait3A_69 = tpu.memref_squeeze %dma_wait3A_68 : memref<1x1x25x80xi32, #tpu.memory_space<hbm>> -> memref<25x80xi32, #tpu.memory_space<hbm>>
        tpu.wait_dma2 semaphore(%run_scoped3A : memref<!tpu.dma_semaphore, #tpu.memory_space<semaphore_mem>>) src(%dma_wait3A_69 : memref<25x80xi32, #tpu.memory_space<hbm>>) dst(%arg8 : memref<25x80xi32, #tpu.memory_space<vmem>>)
        tpu.yield
      }) : () -> ()
      "tpu.region"() ({
        %run_scoped3A = tpu.sem_alloc : memref<!tpu.dma_semaphore, #tpu.memory_space<semaphore_mem>>
        %dma_start3A_55 = arith.constant 0 : i32
        %dma_start3A_56 = arith.constant 0 : i32
        %dma_start3A_57 = tpu.memref_slice %arg5[%add3A, %scan3A_28, %dma_start3A_55, %dma_start3A_56] : memref<32x5x25x80xi32, #tpu.memory_space<hbm>> -> memref<1x1x25x80xi32, #tpu.memory_space<hbm>>
        %dma_start3A_58 = tpu.memref_squeeze %dma_start3A_57 : memref<1x1x25x80xi32, #tpu.memory_space<hbm>> -> memref<25x80xi32, #tpu.memory_space<hbm>>
        %dma_start3A_59 = arith.constant 0 : i32
        %dma_start3A_60 = arith.constant 0 : i32
        %dma_start3A_61 = tpu.memref_slice %arg5[%add3A, %scan3A_28, %dma_start3A_59, %dma_start3A_60] : memref<32x5x25x80xi32, #tpu.memory_space<hbm>> -> memref<1x1x25x80xi32, #tpu.memory_space<hbm>>
        %dma_start3A_62 = tpu.memref_squeeze %dma_start3A_61 : memref<1x1x25x80xi32, #tpu.memory_space<hbm>> -> memref<25x80xi32, #tpu.memory_space<hbm>>
        tpu.enqueue_dma source(%dma_start3A_62 : memref<25x80xi32, #tpu.memory_space<hbm>>) target(%arg9 : memref<25x80xi32, #tpu.memory_space<vmem>>) target_semaphore(%run_scoped3A : memref<!tpu.dma_semaphore, #tpu.memory_space<semaphore_mem>>)
        %dma_wait3A = arith.constant 0 : i32
        %dma_wait3A_63 = arith.constant 0 : i32
        %dma_wait3A_64 = tpu.memref_slice %arg5[%add3A, %scan3A_28, %dma_wait3A, %dma_wait3A_63] : memref<32x5x25x80xi32, #tpu.memory_space<hbm>> -> memref<1x1x25x80xi32, #tpu.memory_space<hbm>>
        %dma_wait3A_65 = tpu.memref_squeeze %dma_wait3A_64 : memref<1x1x25x80xi32, #tpu.memory_space<hbm>> -> memref<25x80xi32, #tpu.memory_space<hbm>>
        %dma_wait3A_66 = arith.constant 0 : i32
        %dma_wait3A_67 = arith.constant 0 : i32
        %dma_wait3A_68 = tpu.memref_slice %arg5[%add3A, %scan3A_28, %dma_wait3A_66, %dma_wait3A_67] : memref<32x5x25x80xi32, #tpu.memory_space<hbm>> -> memref<1x1x25x80xi32, #tpu.memory_space<hbm>>
        %dma_wait3A_69 = tpu.memref_squeeze %dma_wait3A_68 : memref<1x1x25x80xi32, #tpu.memory_space<hbm>> -> memref<25x80xi32, #tpu.memory_space<hbm>>
        tpu.wait_dma2 semaphore(%run_scoped3A : memref<!tpu.dma_semaphore, #tpu.memory_space<semaphore_mem>>) src(%dma_wait3A_69 : memref<25x80xi32, #tpu.memory_space<hbm>>) dst(%arg9 : memref<25x80xi32, #tpu.memory_space<vmem>>)
        tpu.yield
      }) : () -> ()
      %dma_start3A = arith.constant 0 : i32
      %dma_start3A_29 = arith.constant 0 : i32
      %dma_start3A_30 = tpu.memref_slice %arg8[%dma_start3A, %dma_start3A_29] : memref<25x80xi32, #tpu.memory_space<vmem>> -> memref<1x80xi32, #tpu.memory_space<vmem>>
      %dma_start3A_31 = tpu.memref_squeeze %dma_start3A_30 : memref<1x80xi32, #tpu.memory_space<vmem>> -> memref<80xi32, #tpu.memory_space<vmem>>
      %dma_start3A_32 = arith.constant 0 : i32
      %dma_start3A_33 = arith.constant 0 : i32
      %dma_start3A_34 = tpu.memref_slice %arg2[%dma_start3A_32, %dma_start3A_33] : memref<10000x128xf32, #tpu.memory_space<hbm>> -> memref<10000x128xf32, #tpu.memory_space<hbm>>
      tpu.enqueue_indirect_dma source(%dma_start3A_34 : memref<10000x128xf32, #tpu.memory_space<hbm>>) target(%arg10 : memref<80x128xf32, #tpu.memory_space<vmem>>) offsets(%dma_start3A_31 : memref<80xi32, #tpu.memory_space<vmem>>) semaphore(%arg14 : memref<!tpu.dma_semaphore, #tpu.memory_space<semaphore_mem>>)
      %dma_start3A_35 = arith.constant 1 : i32
      %dma_start3A_36 = arith.constant 0 : i32
      %dma_start3A_37 = tpu.memref_slice %arg8[%dma_start3A_35, %dma_start3A_36] : memref<25x80xi32, #tpu.memory_space<vmem>> -> memref<1x80xi32, #tpu.memory_space<vmem>>
      %dma_start3A_38 = tpu.memref_squeeze %dma_start3A_37 : memref<1x80xi32, #tpu.memory_space<vmem>> -> memref<80xi32, #tpu.memory_space<vmem>>
      %dma_start3A_39 = arith.constant 0 : i32
      %dma_start3A_40 = arith.constant 0 : i32
      %dma_start3A_41 = tpu.memref_slice %arg2[%dma_start3A_39, %dma_start3A_40] : memref<10000x128xf32, #tpu.memory_space<hbm>> -> memref<10000x128xf32, #tpu.memory_space<hbm>>
      tpu.enqueue_indirect_dma source(%dma_start3A_41 : memref<10000x128xf32, #tpu.memory_space<hbm>>) target(%arg11 : memref<80x128xf32, #tpu.memory_space<vmem>>) offsets(%dma_start3A_38 : memref<80xi32, #tpu.memory_space<vmem>>) semaphore(%arg15 : memref<!tpu.dma_semaphore, #tpu.memory_space<semaphore_mem>>)
      %dma_start3A_42 = arith.constant 2 : i32
      %dma_start3A_43 = arith.constant 0 : i32
      %dma_start3A_44 = tpu.memref_slice %arg8[%dma_start3A_42, %dma_start3A_43] : memref<25x80xi32, #tpu.memory_space<vmem>> -> memref<1x80xi32, #tpu.memory_space<vmem>>
      %dma_start3A_45 = tpu.memref_squeeze %dma_start3A_44 : memref<1x80xi32, #tpu.memory_space<vmem>> -> memref<80xi32, #tpu.memory_space<vmem>>
      %dma_start3A_46 = arith.constant 0 : i32
      %dma_start3A_47 = arith.constant 0 : i32
      %dma_start3A_48 = tpu.memref_slice %arg2[%dma_start3A_46, %dma_start3A_47] : memref<10000x128xf32, #tpu.memory_space<hbm>> -> memref<10000x128xf32, #tpu.memory_space<hbm>>
      tpu.enqueue_indirect_dma source(%dma_start3A_48 : memref<10000x128xf32, #tpu.memory_space<hbm>>) target(%arg12 : memref<80x128xf32, #tpu.memory_space<vmem>>) offsets(%dma_start3A_45 : memref<80xi32, #tpu.memory_space<vmem>>) semaphore(%arg16 : memref<!tpu.dma_semaphore, #tpu.memory_space<semaphore_mem>>)
      %scan3A_49 = arith.constant 0 : i32
      %scan3A_50 = arith.constant 0 : i32
      %scan3A_51 = arith.constant 7 : i32
      %scan3A_52 = arith.addi %scan3A_50, %scan3A_51 : i32
      %scan3A_53 = arith.constant 1 : i32
      scf.for %scan3A_55 = %scan3A_50 to %scan3A_52 step %scan3A_53  : i32 {
        %mul3A_56 = arith.constant 4 : i32
        %mul3A_57 = arith.muli %scan3A_55, %mul3A_56 : i32
        %add3A_58 = arith.constant 0 : i32
        %add3A_59 = arith.addi %mul3A_57, %add3A_58 : i32
        %lt3A = arith.constant 25 : i32
        %lt3A_60 = arith.cmpi slt, %add3A_59, %lt3A : i32
        %convert_element_type3A_61 = arith.extui %lt3A_60 : i1 to i32
        %cond3A_62 = arith.constant 0 : i32
        %cond3A_63 = arith.cmpi ne, %convert_element_type3A_61, %cond3A_62 : i32
        scf.if %cond3A_63 {
          %add3A_91 = arith.constant 4 : i32
          %add3A_92 = arith.addi %add3A_59, %add3A_91 : i32
          %sub3A = arith.constant 1 : i32
          %sub3A_93 = arith.subi %add3A_92, %sub3A : i32
          %lt3A_94 = arith.constant 25 : i32
          %lt3A_95 = arith.cmpi slt, %sub3A_93, %lt3A_94 : i32
          %convert_element_type3A_96 = arith.extui %lt3A_95 : i1 to i32
          %cond3A_97 = arith.constant 0 : i32
          %cond3A_98 = arith.cmpi ne, %convert_element_type3A_96, %cond3A_97 : i32
          scf.if %cond3A_98 {
            %add3A_104 = arith.constant 4 : i32
            %add3A_105 = arith.addi %add3A_59, %add3A_104 : i32
            %sub3A_106 = arith.constant 1 : i32
            %sub3A_107 = arith.subi %add3A_105, %sub3A_106 : i32
            %dma_start3A_108 = arith.constant 0 : i32
            %dma_start3A_109 = tpu.memref_slice %arg8[%sub3A_107, %dma_start3A_108] : memref<25x80xi32, #tpu.memory_space<vmem>> -> memref<1x80xi32, #tpu.memory_space<vmem>>
            %dma_start3A_110 = tpu.memref_squeeze %dma_start3A_109 : memref<1x80xi32, #tpu.memory_space<vmem>> -> memref<80xi32, #tpu.memory_space<vmem>>
            %dma_start3A_111 = arith.constant 0 : i32
            %dma_start3A_112 = arith.constant 0 : i32
            %dma_start3A_113 = tpu.memref_slice %arg2[%dma_start3A_111, %dma_start3A_112] : memref<10000x128xf32, #tpu.memory_space<hbm>> -> memref<10000x128xf32, #tpu.memory_space<hbm>>
            tpu.enqueue_indirect_dma source(%dma_start3A_113 : memref<10000x128xf32, #tpu.memory_space<hbm>>) target(%arg13 : memref<80x128xf32, #tpu.memory_space<vmem>>) offsets(%dma_start3A_110 : memref<80xi32, #tpu.memory_space<vmem>>) semaphore(%arg17 : memref<!tpu.dma_semaphore, #tpu.memory_space<semaphore_mem>>)
          } else {
          }
          %dma_wait3A = arith.constant 0 : i32
          %dma_wait3A_99 = tpu.memref_slice %arg8[%add3A_59, %dma_wait3A] : memref<25x80xi32, #tpu.memory_space<vmem>> -> memref<1x80xi32, #tpu.memory_space<vmem>>
          %dma_wait3A_100 = tpu.memref_squeeze %dma_wait3A_99 : memref<1x80xi32, #tpu.memory_space<vmem>> -> memref<80xi32, #tpu.memory_space<vmem>>
          %dma_wait3A_101 = arith.constant 0 : i32
          %dma_wait3A_102 = arith.constant 0 : i32
          %dma_wait3A_103 = tpu.memref_slice %arg2[%dma_wait3A_101, %dma_wait3A_102] : memref<10000x128xf32, #tpu.memory_space<hbm>> -> memref<10000x128xf32, #tpu.memory_space<hbm>>
          tpu.wait_indirect_dma semaphore(%arg14 : memref<!tpu.dma_semaphore, #tpu.memory_space<semaphore_mem>>) src(%dma_wait3A_103 : memref<10000x128xf32, #tpu.memory_space<hbm>>) dst(%arg10 : memref<80x128xf32, #tpu.memory_space<vmem>>)
          "tpu.region"() ({
            %run_scoped3A = tpu.sem_alloc : memref<!tpu.dma_semaphore, #tpu.memory_space<semaphore_mem>>
            %dma_start3A_104 = arith.constant 0 : i32
            %dma_start3A_105 = tpu.memref_slice %arg9[%add3A_59, %dma_start3A_104] : memref<25x80xi32, #tpu.memory_space<vmem>> -> memref<1x80xi32, #tpu.memory_space<vmem>>
            %dma_start3A_106 = tpu.memref_squeeze %dma_start3A_105 : memref<1x80xi32, #tpu.memory_space<vmem>> -> memref<80xi32, #tpu.memory_space<vmem>>
            %dma_start3A_107 = arith.constant 0 : i32
            %dma_start3A_108 = arith.constant 0 : i32
            %dma_start3A_109 = tpu.memref_slice %arg7[%dma_start3A_107, %dma_start3A_108] : memref<10000x128xf32, #tpu.memory_space<vmem_shared>> -> memref<10000x128xf32, #tpu.memory_space<vmem_shared>>
            tpu.enqueue_indirect_dma source(%arg10 : memref<80x128xf32, #tpu.memory_space<vmem>>) target(%dma_start3A_109 : memref<10000x128xf32, #tpu.memory_space<vmem_shared>>) offsets(%dma_start3A_106 : memref<80xi32, #tpu.memory_space<vmem>>) semaphore(%run_scoped3A : memref<!tpu.dma_semaphore, #tpu.memory_space<semaphore_mem>>) {add = true}
            %dma_wait3A_110 = arith.constant 0 : i32
            %dma_wait3A_111 = tpu.memref_slice %arg9[%add3A_59, %dma_wait3A_110] : memref<25x80xi32, #tpu.memory_space<vmem>> -> memref<1x80xi32, #tpu.memory_space<vmem>>
            %dma_wait3A_112 = tpu.memref_squeeze %dma_wait3A_111 : memref<1x80xi32, #tpu.memory_space<vmem>> -> memref<80xi32, #tpu.memory_space<vmem>>
            %dma_wait3A_113 = arith.constant 0 : i32
            %dma_wait3A_114 = arith.constant 0 : i32
            %dma_wait3A_115 = tpu.memref_slice %arg7[%dma_wait3A_113, %dma_wait3A_114] : memref<10000x128xf32, #tpu.memory_space<vmem_shared>> -> memref<10000x128xf32, #tpu.memory_space<vmem_shared>>
            tpu.wait_indirect_dma semaphore(%run_scoped3A : memref<!tpu.dma_semaphore, #tpu.memory_space<semaphore_mem>>) src(%arg10 : memref<80x128xf32, #tpu.memory_space<vmem>>) dst(%dma_wait3A_115 : memref<10000x128xf32, #tpu.memory_space<vmem_shared>>)
            tpu.yield
          }) : () -> ()
        } else {
        }
        %mul3A_64 = arith.constant 4 : i32
        %mul3A_65 = arith.muli %scan3A_55, %mul3A_64 : i32
        %add3A_66 = arith.constant 1 : i32
        %add3A_67 = arith.addi %mul3A_65, %add3A_66 : i32
        %lt3A_68 = arith.constant 25 : i32
        %lt3A_69 = arith.cmpi slt, %add3A_67, %lt3A_68 : i32
        %convert_element_type3A_70 = arith.extui %lt3A_69 : i1 to i32
        %cond3A_71 = arith.constant 0 : i32
        %cond3A_72 = arith.cmpi ne, %convert_element_type3A_70, %cond3A_71 : i32
        scf.if %cond3A_72 {
          %add3A_91 = arith.constant 4 : i32
          %add3A_92 = arith.addi %add3A_67, %add3A_91 : i32
          %sub3A = arith.constant 1 : i32
          %sub3A_93 = arith.subi %add3A_92, %sub3A : i32
          %lt3A_94 = arith.constant 25 : i32
          %lt3A_95 = arith.cmpi slt, %sub3A_93, %lt3A_94 : i32
          %convert_element_type3A_96 = arith.extui %lt3A_95 : i1 to i32
          %cond3A_97 = arith.constant 0 : i32
          %cond3A_98 = arith.cmpi ne, %convert_element_type3A_96, %cond3A_97 : i32
          scf.if %cond3A_98 {
            %add3A_104 = arith.constant 4 : i32
            %add3A_105 = arith.addi %add3A_67, %add3A_104 : i32
            %sub3A_106 = arith.constant 1 : i32
            %sub3A_107 = arith.subi %add3A_105, %sub3A_106 : i32
            %dma_start3A_108 = arith.constant 0 : i32
            %dma_start3A_109 = tpu.memref_slice %arg8[%sub3A_107, %dma_start3A_108] : memref<25x80xi32, #tpu.memory_space<vmem>> -> memref<1x80xi32, #tpu.memory_space<vmem>>
            %dma_start3A_110 = tpu.memref_squeeze %dma_start3A_109 : memref<1x80xi32, #tpu.memory_space<vmem>> -> memref<80xi32, #tpu.memory_space<vmem>>
            %dma_start3A_111 = arith.constant 0 : i32
            %dma_start3A_112 = arith.constant 0 : i32
            %dma_start3A_113 = tpu.memref_slice %arg2[%dma_start3A_111, %dma_start3A_112] : memref<10000x128xf32, #tpu.memory_space<hbm>> -> memref<10000x128xf32, #tpu.memory_space<hbm>>
            tpu.enqueue_indirect_dma source(%dma_start3A_113 : memref<10000x128xf32, #tpu.memory_space<hbm>>) target(%arg10 : memref<80x128xf32, #tpu.memory_space<vmem>>) offsets(%dma_start3A_110 : memref<80xi32, #tpu.memory_space<vmem>>) semaphore(%arg14 : memref<!tpu.dma_semaphore, #tpu.memory_space<semaphore_mem>>)
          } else {
          }
          %dma_wait3A = arith.constant 0 : i32
          %dma_wait3A_99 = tpu.memref_slice %arg8[%add3A_67, %dma_wait3A] : memref<25x80xi32, #tpu.memory_space<vmem>> -> memref<1x80xi32, #tpu.memory_space<vmem>>
          %dma_wait3A_100 = tpu.memref_squeeze %dma_wait3A_99 : memref<1x80xi32, #tpu.memory_space<vmem>> -> memref<80xi32, #tpu.memory_space<vmem>>
          %dma_wait3A_101 = arith.constant 0 : i32
          %dma_wait3A_102 = arith.constant 0 : i32
          %dma_wait3A_103 = tpu.memref_slice %arg2[%dma_wait3A_101, %dma_wait3A_102] : memref<10000x128xf32, #tpu.memory_space<hbm>> -> memref<10000x128xf32, #tpu.memory_space<hbm>>
          tpu.wait_indirect_dma semaphore(%arg15 : memref<!tpu.dma_semaphore, #tpu.memory_space<semaphore_mem>>) src(%dma_wait3A_103 : memref<10000x128xf32, #tpu.memory_space<hbm>>) dst(%arg11 : memref<80x128xf32, #tpu.memory_space<vmem>>)
          "tpu.region"() ({
            %run_scoped3A = tpu.sem_alloc : memref<!tpu.dma_semaphore, #tpu.memory_space<semaphore_mem>>
            %dma_start3A_104 = arith.constant 0 : i32
            %dma_start3A_105 = tpu.memref_slice %arg9[%add3A_67, %dma_start3A_104] : memref<25x80xi32, #tpu.memory_space<vmem>> -> memref<1x80xi32, #tpu.memory_space<vmem>>
            %dma_start3A_106 = tpu.memref_squeeze %dma_start3A_105 : memref<1x80xi32, #tpu.memory_space<vmem>> -> memref<80xi32, #tpu.memory_space<vmem>>
            %dma_start3A_107 = arith.constant 0 : i32
            %dma_start3A_108 = arith.constant 0 : i32
            %dma_start3A_109 = tpu.memref_slice %arg7[%dma_start3A_107, %dma_start3A_108] : memref<10000x128xf32, #tpu.memory_space<vmem_shared>> -> memref<10000x128xf32, #tpu.memory_space<vmem_shared>>
            tpu.enqueue_indirect_dma source(%arg11 : memref<80x128xf32, #tpu.memory_space<vmem>>) target(%dma_start3A_109 : memref<10000x128xf32, #tpu.memory_space<vmem_shared>>) offsets(%dma_start3A_106 : memref<80xi32, #tpu.memory_space<vmem>>) semaphore(%run_scoped3A : memref<!tpu.dma_semaphore, #tpu.memory_space<semaphore_mem>>) {add = true}
            %dma_wait3A_110 = arith.constant 0 : i32
            %dma_wait3A_111 = tpu.memref_slice %arg9[%add3A_67, %dma_wait3A_110] : memref<25x80xi32, #tpu.memory_space<vmem>> -> memref<1x80xi32, #tpu.memory_space<vmem>>
            %dma_wait3A_112 = tpu.memref_squeeze %dma_wait3A_111 : memref<1x80xi32, #tpu.memory_space<vmem>> -> memref<80xi32, #tpu.memory_space<vmem>>
            %dma_wait3A_113 = arith.constant 0 : i32
            %dma_wait3A_114 = arith.constant 0 : i32
            %dma_wait3A_115 = tpu.memref_slice %arg7[%dma_wait3A_113, %dma_wait3A_114] : memref<10000x128xf32, #tpu.memory_space<vmem_shared>> -> memref<10000x128xf32, #tpu.memory_space<vmem_shared>>
            tpu.wait_indirect_dma semaphore(%run_scoped3A : memref<!tpu.dma_semaphore, #tpu.memory_space<semaphore_mem>>) src(%arg11 : memref<80x128xf32, #tpu.memory_space<vmem>>) dst(%dma_wait3A_115 : memref<10000x128xf32, #tpu.memory_space<vmem_shared>>)
            tpu.yield
          }) : () -> ()
        } else {
        }
        %mul3A_73 = arith.constant 4 : i32
        %mul3A_74 = arith.muli %scan3A_55, %mul3A_73 : i32
        %add3A_75 = arith.constant 2 : i32
        %add3A_76 = arith.addi %mul3A_74, %add3A_75 : i32
        %lt3A_77 = arith.constant 25 : i32
        %lt3A_78 = arith.cmpi slt, %add3A_76, %lt3A_77 : i32
        %convert_element_type3A_79 = arith.extui %lt3A_78 : i1 to i32
        %cond3A_80 = arith.constant 0 : i32
        %cond3A_81 = arith.cmpi ne, %convert_element_type3A_79, %cond3A_80 : i32
        scf.if %cond3A_81 {
          %add3A_91 = arith.constant 4 : i32
          %add3A_92 = arith.addi %add3A_76, %add3A_91 : i32
          %sub3A = arith.constant 1 : i32
          %sub3A_93 = arith.subi %add3A_92, %sub3A : i32
          %lt3A_94 = arith.constant 25 : i32
          %lt3A_95 = arith.cmpi slt, %sub3A_93, %lt3A_94 : i32
          %convert_element_type3A_96 = arith.extui %lt3A_95 : i1 to i32
          %cond3A_97 = arith.constant 0 : i32
          %cond3A_98 = arith.cmpi ne, %convert_element_type3A_96, %cond3A_97 : i32
          scf.if %cond3A_98 {
            %add3A_104 = arith.constant 4 : i32
            %add3A_105 = arith.addi %add3A_76, %add3A_104 : i32
            %sub3A_106 = arith.constant 1 : i32
            %sub3A_107 = arith.subi %add3A_105, %sub3A_106 : i32
            %dma_start3A_108 = arith.constant 0 : i32
            %dma_start3A_109 = tpu.memref_slice %arg8[%sub3A_107, %dma_start3A_108] : memref<25x80xi32, #tpu.memory_space<vmem>> -> memref<1x80xi32, #tpu.memory_space<vmem>>
            %dma_start3A_110 = tpu.memref_squeeze %dma_start3A_109 : memref<1x80xi32, #tpu.memory_space<vmem>> -> memref<80xi32, #tpu.memory_space<vmem>>
            %dma_start3A_111 = arith.constant 0 : i32
            %dma_start3A_112 = arith.constant 0 : i32
            %dma_start3A_113 = tpu.memref_slice %arg2[%dma_start3A_111, %dma_start3A_112] : memref<10000x128xf32, #tpu.memory_space<hbm>> -> memref<10000x128xf32, #tpu.memory_space<hbm>>
            tpu.enqueue_indirect_dma source(%dma_start3A_113 : memref<10000x128xf32, #tpu.memory_space<hbm>>) target(%arg11 : memref<80x128xf32, #tpu.memory_space<vmem>>) offsets(%dma_start3A_110 : memref<80xi32, #tpu.memory_space<vmem>>) semaphore(%arg15 : memref<!tpu.dma_semaphore, #tpu.memory_space<semaphore_mem>>)
          } else {
          }
          %dma_wait3A = arith.constant 0 : i32
          %dma_wait3A_99 = tpu.memref_slice %arg8[%add3A_76, %dma_wait3A] : memref<25x80xi32, #tpu.memory_space<vmem>> -> memref<1x80xi32, #tpu.memory_space<vmem>>
          %dma_wait3A_100 = tpu.memref_squeeze %dma_wait3A_99 : memref<1x80xi32, #tpu.memory_space<vmem>> -> memref<80xi32, #tpu.memory_space<vmem>>
          %dma_wait3A_101 = arith.constant 0 : i32
          %dma_wait3A_102 = arith.constant 0 : i32
          %dma_wait3A_103 = tpu.memref_slice %arg2[%dma_wait3A_101, %dma_wait3A_102] : memref<10000x128xf32, #tpu.memory_space<hbm>> -> memref<10000x128xf32, #tpu.memory_space<hbm>>
          tpu.wait_indirect_dma semaphore(%arg16 : memref<!tpu.dma_semaphore, #tpu.memory_space<semaphore_mem>>) src(%dma_wait3A_103 : memref<10000x128xf32, #tpu.memory_space<hbm>>) dst(%arg12 : memref<80x128xf32, #tpu.memory_space<vmem>>)
          "tpu.region"() ({
            %run_scoped3A = tpu.sem_alloc : memref<!tpu.dma_semaphore, #tpu.memory_space<semaphore_mem>>
            %dma_start3A_104 = arith.constant 0 : i32
            %dma_start3A_105 = tpu.memref_slice %arg9[%add3A_76, %dma_start3A_104] : memref<25x80xi32, #tpu.memory_space<vmem>> -> memref<1x80xi32, #tpu.memory_space<vmem>>
            %dma_start3A_106 = tpu.memref_squeeze %dma_start3A_105 : memref<1x80xi32, #tpu.memory_space<vmem>> -> memref<80xi32, #tpu.memory_space<vmem>>
            %dma_start3A_107 = arith.constant 0 : i32
            %dma_start3A_108 = arith.constant 0 : i32
            %dma_start3A_109 = tpu.memref_slice %arg7[%dma_start3A_107, %dma_start3A_108] : memref<10000x128xf32, #tpu.memory_space<vmem_shared>> -> memref<10000x128xf32, #tpu.memory_space<vmem_shared>>
            tpu.enqueue_indirect_dma source(%arg12 : memref<80x128xf32, #tpu.memory_space<vmem>>) target(%dma_start3A_109 : memref<10000x128xf32, #tpu.memory_space<vmem_shared>>) offsets(%dma_start3A_106 : memref<80xi32, #tpu.memory_space<vmem>>) semaphore(%run_scoped3A : memref<!tpu.dma_semaphore, #tpu.memory_space<semaphore_mem>>) {add = true}
            %dma_wait3A_110 = arith.constant 0 : i32
            %dma_wait3A_111 = tpu.memref_slice %arg9[%add3A_76, %dma_wait3A_110] : memref<25x80xi32, #tpu.memory_space<vmem>> -> memref<1x80xi32, #tpu.memory_space<vmem>>
            %dma_wait3A_112 = tpu.memref_squeeze %dma_wait3A_111 : memref<1x80xi32, #tpu.memory_space<vmem>> -> memref<80xi32, #tpu.memory_space<vmem>>
            %dma_wait3A_113 = arith.constant 0 : i32
            %dma_wait3A_114 = arith.constant 0 : i32
            %dma_wait3A_115 = tpu.memref_slice %arg7[%dma_wait3A_113, %dma_wait3A_114] : memref<10000x128xf32, #tpu.memory_space<vmem_shared>> -> memref<10000x128xf32, #tpu.memory_space<vmem_shared>>
            tpu.wait_indirect_dma semaphore(%run_scoped3A : memref<!tpu.dma_semaphore, #tpu.memory_space<semaphore_mem>>) src(%arg12 : memref<80x128xf32, #tpu.memory_space<vmem>>) dst(%dma_wait3A_115 : memref<10000x128xf32, #tpu.memory_space<vmem_shared>>)
            tpu.yield
          }) : () -> ()
        } else {
        }
        %mul3A_82 = arith.constant 4 : i32
        %mul3A_83 = arith.muli %scan3A_55, %mul3A_82 : i32
        %add3A_84 = arith.constant 3 : i32
        %add3A_85 = arith.addi %mul3A_83, %add3A_84 : i32
        %lt3A_86 = arith.constant 25 : i32
        %lt3A_87 = arith.cmpi slt, %add3A_85, %lt3A_86 : i32
        %convert_element_type3A_88 = arith.extui %lt3A_87 : i1 to i32
        %cond3A_89 = arith.constant 0 : i32
        %cond3A_90 = arith.cmpi ne, %convert_element_type3A_88, %cond3A_89 : i32
        scf.if %cond3A_90 {
          %add3A_91 = arith.constant 4 : i32
          %add3A_92 = arith.addi %add3A_85, %add3A_91 : i32
          %sub3A = arith.constant 1 : i32
          %sub3A_93 = arith.subi %add3A_92, %sub3A : i32
          %lt3A_94 = arith.constant 25 : i32
          %lt3A_95 = arith.cmpi slt, %sub3A_93, %lt3A_94 : i32
          %convert_element_type3A_96 = arith.extui %lt3A_95 : i1 to i32
          %cond3A_97 = arith.constant 0 : i32
          %cond3A_98 = arith.cmpi ne, %convert_element_type3A_96, %cond3A_97 : i32
          scf.if %cond3A_98 {
            %add3A_104 = arith.constant 4 : i32
            %add3A_105 = arith.addi %add3A_85, %add3A_104 : i32
            %sub3A_106 = arith.constant 1 : i32
            %sub3A_107 = arith.subi %add3A_105, %sub3A_106 : i32
            %dma_start3A_108 = arith.constant 0 : i32
            %dma_start3A_109 = tpu.memref_slice %arg8[%sub3A_107, %dma_start3A_108] : memref<25x80xi32, #tpu.memory_space<vmem>> -> memref<1x80xi32, #tpu.memory_space<vmem>>
            %dma_start3A_110 = tpu.memref_squeeze %dma_start3A_109 : memref<1x80xi32, #tpu.memory_space<vmem>> -> memref<80xi32, #tpu.memory_space<vmem>>
            %dma_start3A_111 = arith.constant 0 : i32
            %dma_start3A_112 = arith.constant 0 : i32
            %dma_start3A_113 = tpu.memref_slice %arg2[%dma_start3A_111, %dma_start3A_112] : memref<10000x128xf32, #tpu.memory_space<hbm>> -> memref<10000x128xf32, #tpu.memory_space<hbm>>
            tpu.enqueue_indirect_dma source(%dma_start3A_113 : memref<10000x128xf32, #tpu.memory_space<hbm>>) target(%arg12 : memref<80x128xf32, #tpu.memory_space<vmem>>) offsets(%dma_start3A_110 : memref<80xi32, #tpu.memory_space<vmem>>) semaphore(%arg16 : memref<!tpu.dma_semaphore, #tpu.memory_space<semaphore_mem>>)
          } else {
          }
          %dma_wait3A = arith.constant 0 : i32
          %dma_wait3A_99 = tpu.memref_slice %arg8[%add3A_85, %dma_wait3A] : memref<25x80xi32, #tpu.memory_space<vmem>> -> memref<1x80xi32, #tpu.memory_space<vmem>>
          %dma_wait3A_100 = tpu.memref_squeeze %dma_wait3A_99 : memref<1x80xi32, #tpu.memory_space<vmem>> -> memref<80xi32, #tpu.memory_space<vmem>>
          %dma_wait3A_101 = arith.constant 0 : i32
          %dma_wait3A_102 = arith.constant 0 : i32
          %dma_wait3A_103 = tpu.memref_slice %arg2[%dma_wait3A_101, %dma_wait3A_102] : memref<10000x128xf32, #tpu.memory_space<hbm>> -> memref<10000x128xf32, #tpu.memory_space<hbm>>
          tpu.wait_indirect_dma semaphore(%arg17 : memref<!tpu.dma_semaphore, #tpu.memory_space<semaphore_mem>>) src(%dma_wait3A_103 : memref<10000x128xf32, #tpu.memory_space<hbm>>) dst(%arg13 : memref<80x128xf32, #tpu.memory_space<vmem>>)
          "tpu.region"() ({
            %run_scoped3A = tpu.sem_alloc : memref<!tpu.dma_semaphore, #tpu.memory_space<semaphore_mem>>
            %dma_start3A_104 = arith.constant 0 : i32
            %dma_start3A_105 = tpu.memref_slice %arg9[%add3A_85, %dma_start3A_104] : memref<25x80xi32, #tpu.memory_space<vmem>> -> memref<1x80xi32, #tpu.memory_space<vmem>>
            %dma_start3A_106 = tpu.memref_squeeze %dma_start3A_105 : memref<1x80xi32, #tpu.memory_space<vmem>> -> memref<80xi32, #tpu.memory_space<vmem>>
            %dma_start3A_107 = arith.constant 0 : i32
            %dma_start3A_108 = arith.constant 0 : i32
            %dma_start3A_109 = tpu.memref_slice %arg7[%dma_start3A_107, %dma_start3A_108] : memref<10000x128xf32, #tpu.memory_space<vmem_shared>> -> memref<10000x128xf32, #tpu.memory_space<vmem_shared>>
            tpu.enqueue_indirect_dma source(%arg13 : memref<80x128xf32, #tpu.memory_space<vmem>>) target(%dma_start3A_109 : memref<10000x128xf32, #tpu.memory_space<vmem_shared>>) offsets(%dma_start3A_106 : memref<80xi32, #tpu.memory_space<vmem>>) semaphore(%run_scoped3A : memref<!tpu.dma_semaphore, #tpu.memory_space<semaphore_mem>>) {add = true}
            %dma_wait3A_110 = arith.constant 0 : i32
            %dma_wait3A_111 = tpu.memref_slice %arg9[%add3A_85, %dma_wait3A_110] : memref<25x80xi32, #tpu.memory_space<vmem>> -> memref<1x80xi32, #tpu.memory_space<vmem>>
            %dma_wait3A_112 = tpu.memref_squeeze %dma_wait3A_111 : memref<1x80xi32, #tpu.memory_space<vmem>> -> memref<80xi32, #tpu.memory_space<vmem>>
            %dma_wait3A_113 = arith.constant 0 : i32
            %dma_wait3A_114 = arith.constant 0 : i32
            %dma_wait3A_115 = tpu.memref_slice %arg7[%dma_wait3A_113, %dma_wait3A_114] : memref<10000x128xf32, #tpu.memory_space<vmem_shared>> -> memref<10000x128xf32, #tpu.memory_space<vmem_shared>>
            tpu.wait_indirect_dma semaphore(%run_scoped3A : memref<!tpu.dma_semaphore, #tpu.memory_space<semaphore_mem>>) src(%arg13 : memref<80x128xf32, #tpu.memory_space<vmem>>) dst(%dma_wait3A_115 : memref<10000x128xf32, #tpu.memory_space<vmem_shared>>)
            tpu.yield
          }) : () -> ()
        } else {
        }
      }
      %scan3A_54 = arith.constant 7 : i32
    }
    %scan3A_12 = arith.constant 5 : i32
    %barrier3A_13 = arith.constant 0 : index
    tpu.barrier barrier_id(%barrier3A_13)
    %mul3A_14 = arith.constant 10000 : i32
    %mul3A_15 = arith.muli %arg0, %mul3A_14 : i32
    %mul3A_16 = arith.constant 624 : i32
    %mul3A_17 = arith.muli %arg1, %mul3A_16 : i32
    %multiple_of3A = tpu.assume_multiple %mul3A_17, 8 : i32
    %add3A_18 = arith.constant 0 : i32
    %add3A_19 = arith.addi %add3A_18, %multiple_of3A : i32
    %multiple_of3A_20 = tpu.assume_multiple %add3A_19, 8 : i32
    %add3A_21 = arith.addi %mul3A_15, %multiple_of3A : i32
    %multiple_of3A_22 = tpu.assume_multiple %add3A_21, 8 : i32
    "tpu.region"() ({
      %run_scoped3A = tpu.sem_alloc : memref<!tpu.dma_semaphore, #tpu.memory_space<semaphore_mem>>
      %dma_start3A = arith.constant 0 : i32
      %dma_start3A_28 = tpu.memref_slice %arg6[%multiple_of3A_22, %dma_start3A] : memref<20000x128xf32, #tpu.memory_space<hbm>> -> memref<624x128xf32, #tpu.memory_space<hbm>>
      %dma_start3A_29 = arith.constant 0 : i32
      %dma_start3A_30 = tpu.memref_slice %arg7[%multiple_of3A_20, %dma_start3A_29] : memref<10000x128xf32, #tpu.memory_space<vmem_shared>> -> memref<624x128xf32, #tpu.memory_space<vmem_shared>>
      tpu.enqueue_dma source(%dma_start3A_30 : memref<624x128xf32, #tpu.memory_space<vmem_shared>>) target(%dma_start3A_28 : memref<624x128xf32, #tpu.memory_space<hbm>>) target_semaphore(%run_scoped3A : memref<!tpu.dma_semaphore, #tpu.memory_space<semaphore_mem>>)
      %dma_wait3A = arith.constant 0 : i32
      %dma_wait3A_31 = tpu.memref_slice %arg6[%multiple_of3A_22, %dma_wait3A] : memref<20000x128xf32, #tpu.memory_space<hbm>> -> memref<624x128xf32, #tpu.memory_space<hbm>>
      %dma_wait3A_32 = arith.constant 0 : i32
      %dma_wait3A_33 = tpu.memref_slice %arg7[%multiple_of3A_20, %dma_wait3A_32] : memref<10000x128xf32, #tpu.memory_space<vmem_shared>> -> memref<624x128xf32, #tpu.memory_space<vmem_shared>>
      tpu.wait_dma2 semaphore(%run_scoped3A : memref<!tpu.dma_semaphore, #tpu.memory_space<semaphore_mem>>) src(%dma_wait3A_33 : memref<624x128xf32, #tpu.memory_space<vmem_shared>>) dst(%dma_wait3A_31 : memref<624x128xf32, #tpu.memory_space<hbm>>)
      tpu.yield
    }) : () -> ()
    %eq3A_23 = arith.constant 15 : i32
    %eq3A_24 = arith.cmpi eq, %arg1, %eq3A_23 : i32
    %convert_element_type3A_25 = arith.extui %eq3A_24 : i1 to i32
    %cond3A_26 = arith.constant 0 : i32
    %cond3A_27 = arith.cmpi ne, %convert_element_type3A_25, %cond3A_26 : i32
    scf.if %cond3A_27 {
      %multiple_of3A_28 = arith.constant 9984 : i32
      %multiple_of3A_29 = tpu.assume_multiple %multiple_of3A_28, 8 : i32
      %add3A_30 = arith.constant 9984 : i32
      %add3A_31 = arith.addi %mul3A_15, %add3A_30 : i32
      %multiple_of3A_32 = tpu.assume_multiple %add3A_31, 8 : i32
      "tpu.region"() ({
        %run_scoped3A = tpu.sem_alloc : memref<!tpu.dma_semaphore, #tpu.memory_space<semaphore_mem>>
        %dma_start3A = arith.constant 0 : i32
        %dma_start3A_33 = tpu.memref_slice %arg6[%multiple_of3A_32, %dma_start3A] : memref<20000x128xf32, #tpu.memory_space<hbm>> -> memref<16x128xf32, #tpu.memory_space<hbm>>
        %dma_start3A_34 = arith.constant 0 : i32
        %dma_start3A_35 = tpu.memref_slice %arg7[%multiple_of3A_29, %dma_start3A_34] : memref<10000x128xf32, #tpu.memory_space<vmem_shared>> -> memref<16x128xf32, #tpu.memory_space<vmem_shared>>
        tpu.enqueue_dma source(%dma_start3A_35 : memref<16x128xf32, #tpu.memory_space<vmem_shared>>) target(%dma_start3A_33 : memref<16x128xf32, #tpu.memory_space<hbm>>) target_semaphore(%run_scoped3A : memref<!tpu.dma_semaphore, #tpu.memory_space<semaphore_mem>>)
        %dma_wait3A = arith.constant 0 : i32
        %dma_wait3A_36 = tpu.memref_slice %arg6[%multiple_of3A_32, %dma_wait3A] : memref<20000x128xf32, #tpu.memory_space<hbm>> -> memref<16x128xf32, #tpu.memory_space<hbm>>
        %dma_wait3A_37 = arith.constant 0 : i32
        %dma_wait3A_38 = tpu.memref_slice %arg7[%multiple_of3A_29, %dma_wait3A_37] : memref<10000x128xf32, #tpu.memory_space<vmem_shared>> -> memref<16x128xf32, #tpu.memory_space<vmem_shared>>
        tpu.wait_dma2 semaphore(%run_scoped3A : memref<!tpu.dma_semaphore, #tpu.memory_space<semaphore_mem>>) src(%dma_wait3A_38 : memref<16x128xf32, #tpu.memory_space<vmem_shared>>) dst(%dma_wait3A_36 : memref<16x128xf32, #tpu.memory_space<hbm>>)
        tpu.yield
      }) : () -> ()
    } else {
    }
    return
  }
}

#map = affine_map<(d0, d1) -> (0, 0)>
#map1 = affine_map<(d0, d1) -> (0, 0, 0, 0, 0)>
#map2 = affine_map<(d0, d1) -> (0, 0, 0, 0)>
module attributes {stable_mosaic.version = 14 : i64} {
  func.func @agg_kernel(%arg0: i32, %arg1: i32, %arg2: memref<20000x128xf32, #tpu.memory_space<hbm>>, %arg3: memref<2x16x5x50x80xi32, #tpu.memory_space<hbm>>, %arg4: memref<16x5x50x80xi32, #tpu.memory_space<hbm>>, %arg5: memref<20000x128xf32, #tpu.memory_space<hbm>>, %arg6: memref<10000x128xf32, #tpu.memory_space<vmem_shared>>, %arg7: memref<50x80xi32, #tpu.memory_space<vmem>>, %arg8: memref<50x80xi32, #tpu.memory_space<vmem>>, %arg9: memref<80x128xf32, #tpu.memory_space<vmem>>, %arg10: memref<80x128xf32, #tpu.memory_space<vmem>>, %arg11: memref<80x128xf32, #tpu.memory_space<vmem>>, %arg12: memref<!tpu.dma_semaphore, #tpu.memory_space<semaphore_mem>>, %arg13: memref<!tpu.dma_semaphore, #tpu.memory_space<semaphore_mem>>, %arg14: memref<!tpu.dma_semaphore, #tpu.memory_space<semaphore_mem>>) attributes {dimension_semantics = [#tpu.dimension_semantics<core_parallel>, #tpu.dimension_semantics<subcore_parallel>], iteration_bounds = array<i64: 2, 16>, scalar_prefetch = 0 : i64, scratch_operands = 9 : i64, tpu.core_type = #tpu.core_type<sc_vector_subcore>, window_params = [{transform_indices = #map}, {transform_indices = #map1}, {transform_indices = #map2}, {transform_indices = #map}]} {
    %mul3A = arith.constant 10000 : i32
    %mul3A_0 = arith.muli %arg0, %mul3A : i32
    %mul3A_1 = arith.constant 624 : i32
    %mul3A_2 = arith.muli %arg1, %mul3A_1 : i32
    %multiple_of3A = tpu.assume_multiple %mul3A_2, 8 : i32
    %add3A = arith.addi %mul3A_0, %multiple_of3A : i32
    %multiple_of3A_3 = tpu.assume_multiple %add3A, 8 : i32
    %add3A_4 = arith.constant 0 : i32
    %add3A_5 = arith.addi %add3A_4, %multiple_of3A : i32
    %multiple_of3A_6 = tpu.assume_multiple %add3A_5, 8 : i32
    "tpu.region"() ({
      %run_scoped3A = tpu.sem_alloc : memref<!tpu.dma_semaphore, #tpu.memory_space<semaphore_mem>>
      %dma_start3A = arith.constant 0 : i32
      %dma_start3A_28 = tpu.memref_slice %arg6[%multiple_of3A_6, %dma_start3A] : memref<10000x128xf32, #tpu.memory_space<vmem_shared>> -> memref<624x128xf32, #tpu.memory_space<vmem_shared>>
      %dma_start3A_29 = arith.constant 0 : i32
      %dma_start3A_30 = tpu.memref_slice %arg2[%multiple_of3A_3, %dma_start3A_29] : memref<20000x128xf32, #tpu.memory_space<hbm>> -> memref<624x128xf32, #tpu.memory_space<hbm>>
      tpu.enqueue_dma source(%dma_start3A_30 : memref<624x128xf32, #tpu.memory_space<hbm>>) target(%dma_start3A_28 : memref<624x128xf32, #tpu.memory_space<vmem_shared>>) target_semaphore(%run_scoped3A : memref<!tpu.dma_semaphore, #tpu.memory_space<semaphore_mem>>)
      %dma_wait3A = arith.constant 0 : i32
      %dma_wait3A_31 = tpu.memref_slice %arg6[%multiple_of3A_6, %dma_wait3A] : memref<10000x128xf32, #tpu.memory_space<vmem_shared>> -> memref<624x128xf32, #tpu.memory_space<vmem_shared>>
      %dma_wait3A_32 = arith.constant 0 : i32
      %dma_wait3A_33 = tpu.memref_slice %arg2[%multiple_of3A_3, %dma_wait3A_32] : memref<20000x128xf32, #tpu.memory_space<hbm>> -> memref<624x128xf32, #tpu.memory_space<hbm>>
      tpu.wait_dma2 semaphore(%run_scoped3A : memref<!tpu.dma_semaphore, #tpu.memory_space<semaphore_mem>>) src(%dma_wait3A_33 : memref<624x128xf32, #tpu.memory_space<hbm>>) dst(%dma_wait3A_31 : memref<624x128xf32, #tpu.memory_space<vmem_shared>>)
      tpu.yield
    }) : () -> ()
    %eq3A = arith.constant 15 : i32
    %eq3A_7 = arith.cmpi eq, %arg1, %eq3A : i32
    %convert_element_type3A = arith.extui %eq3A_7 : i1 to i32
    %cond3A = arith.constant 0 : i32
    %cond3A_8 = arith.cmpi ne, %convert_element_type3A, %cond3A : i32
    scf.if %cond3A_8 {
      %add3A_28 = arith.constant 9984 : i32
      %add3A_29 = arith.addi %mul3A_0, %add3A_28 : i32
      %multiple_of3A_30 = tpu.assume_multiple %add3A_29, 8 : i32
      %multiple_of3A_31 = arith.constant 9984 : i32
      %multiple_of3A_32 = tpu.assume_multiple %multiple_of3A_31, 8 : i32
      "tpu.region"() ({
        %run_scoped3A = tpu.sem_alloc : memref<!tpu.dma_semaphore, #tpu.memory_space<semaphore_mem>>
        %dma_start3A = arith.constant 0 : i32
        %dma_start3A_33 = tpu.memref_slice %arg6[%multiple_of3A_32, %dma_start3A] : memref<10000x128xf32, #tpu.memory_space<vmem_shared>> -> memref<16x128xf32, #tpu.memory_space<vmem_shared>>
        %dma_start3A_34 = arith.constant 0 : i32
        %dma_start3A_35 = tpu.memref_slice %arg2[%multiple_of3A_30, %dma_start3A_34] : memref<20000x128xf32, #tpu.memory_space<hbm>> -> memref<16x128xf32, #tpu.memory_space<hbm>>
        tpu.enqueue_dma source(%dma_start3A_35 : memref<16x128xf32, #tpu.memory_space<hbm>>) target(%dma_start3A_33 : memref<16x128xf32, #tpu.memory_space<vmem_shared>>) target_semaphore(%run_scoped3A : memref<!tpu.dma_semaphore, #tpu.memory_space<semaphore_mem>>)
        %dma_wait3A = arith.constant 0 : i32
        %dma_wait3A_36 = tpu.memref_slice %arg6[%multiple_of3A_32, %dma_wait3A] : memref<10000x128xf32, #tpu.memory_space<vmem_shared>> -> memref<16x128xf32, #tpu.memory_space<vmem_shared>>
        %dma_wait3A_37 = arith.constant 0 : i32
        %dma_wait3A_38 = tpu.memref_slice %arg2[%multiple_of3A_30, %dma_wait3A_37] : memref<20000x128xf32, #tpu.memory_space<hbm>> -> memref<16x128xf32, #tpu.memory_space<hbm>>
        tpu.wait_dma2 semaphore(%run_scoped3A : memref<!tpu.dma_semaphore, #tpu.memory_space<semaphore_mem>>) src(%dma_wait3A_38 : memref<16x128xf32, #tpu.memory_space<hbm>>) dst(%dma_wait3A_36 : memref<16x128xf32, #tpu.memory_space<vmem_shared>>)
        tpu.yield
      }) : () -> ()
    } else {
    }
    %barrier3A = arith.constant 0 : index
    tpu.barrier barrier_id(%barrier3A)
    %scan3A = arith.constant 0 : i32
    %scan3A_9 = arith.constant 0 : i32
    %scan3A_10 = arith.constant 5 : i32
    %scan3A_11 = arith.addi %scan3A_9, %scan3A_10 : i32
    %scan3A_12 = arith.constant 1 : i32
    scf.for %scan3A_28 = %scan3A_9 to %scan3A_11 step %scan3A_12  : i32 {
      "tpu.region"() ({
        %run_scoped3A = tpu.sem_alloc : memref<!tpu.dma_semaphore, #tpu.memory_space<semaphore_mem>>
        %dma_start3A_48 = arith.constant 0 : i32
        %dma_start3A_49 = arith.constant 0 : i32
        %dma_start3A_50 = tpu.memref_slice %arg3[%arg0, %arg1, %scan3A_28, %dma_start3A_48, %dma_start3A_49] : memref<2x16x5x50x80xi32, #tpu.memory_space<hbm>> -> memref<1x1x1x50x80xi32, #tpu.memory_space<hbm>>
        %dma_start3A_51 = tpu.memref_squeeze %dma_start3A_50 : memref<1x1x1x50x80xi32, #tpu.memory_space<hbm>> -> memref<50x80xi32, #tpu.memory_space<hbm>>
        %dma_start3A_52 = arith.constant 0 : i32
        %dma_start3A_53 = arith.constant 0 : i32
        %dma_start3A_54 = tpu.memref_slice %arg3[%arg0, %arg1, %scan3A_28, %dma_start3A_52, %dma_start3A_53] : memref<2x16x5x50x80xi32, #tpu.memory_space<hbm>> -> memref<1x1x1x50x80xi32, #tpu.memory_space<hbm>>
        %dma_start3A_55 = tpu.memref_squeeze %dma_start3A_54 : memref<1x1x1x50x80xi32, #tpu.memory_space<hbm>> -> memref<50x80xi32, #tpu.memory_space<hbm>>
        tpu.enqueue_dma source(%dma_start3A_55 : memref<50x80xi32, #tpu.memory_space<hbm>>) target(%arg7 : memref<50x80xi32, #tpu.memory_space<vmem>>) target_semaphore(%run_scoped3A : memref<!tpu.dma_semaphore, #tpu.memory_space<semaphore_mem>>)
        %dma_wait3A = arith.constant 0 : i32
        %dma_wait3A_56 = arith.constant 0 : i32
        %dma_wait3A_57 = tpu.memref_slice %arg3[%arg0, %arg1, %scan3A_28, %dma_wait3A, %dma_wait3A_56] : memref<2x16x5x50x80xi32, #tpu.memory_space<hbm>> -> memref<1x1x1x50x80xi32, #tpu.memory_space<hbm>>
        %dma_wait3A_58 = tpu.memref_squeeze %dma_wait3A_57 : memref<1x1x1x50x80xi32, #tpu.memory_space<hbm>> -> memref<50x80xi32, #tpu.memory_space<hbm>>
        %dma_wait3A_59 = arith.constant 0 : i32
        %dma_wait3A_60 = arith.constant 0 : i32
        %dma_wait3A_61 = tpu.memref_slice %arg3[%arg0, %arg1, %scan3A_28, %dma_wait3A_59, %dma_wait3A_60] : memref<2x16x5x50x80xi32, #tpu.memory_space<hbm>> -> memref<1x1x1x50x80xi32, #tpu.memory_space<hbm>>
        %dma_wait3A_62 = tpu.memref_squeeze %dma_wait3A_61 : memref<1x1x1x50x80xi32, #tpu.memory_space<hbm>> -> memref<50x80xi32, #tpu.memory_space<hbm>>
        tpu.wait_dma2 semaphore(%run_scoped3A : memref<!tpu.dma_semaphore, #tpu.memory_space<semaphore_mem>>) src(%dma_wait3A_62 : memref<50x80xi32, #tpu.memory_space<hbm>>) dst(%arg7 : memref<50x80xi32, #tpu.memory_space<vmem>>)
        tpu.yield
      }) : () -> ()
      "tpu.region"() ({
        %run_scoped3A = tpu.sem_alloc : memref<!tpu.dma_semaphore, #tpu.memory_space<semaphore_mem>>
        %dma_start3A_48 = arith.constant 0 : i32
        %dma_start3A_49 = arith.constant 0 : i32
        %dma_start3A_50 = tpu.memref_slice %arg4[%arg1, %scan3A_28, %dma_start3A_48, %dma_start3A_49] : memref<16x5x50x80xi32, #tpu.memory_space<hbm>> -> memref<1x1x50x80xi32, #tpu.memory_space<hbm>>
        %dma_start3A_51 = tpu.memref_squeeze %dma_start3A_50 : memref<1x1x50x80xi32, #tpu.memory_space<hbm>> -> memref<50x80xi32, #tpu.memory_space<hbm>>
        %dma_start3A_52 = arith.constant 0 : i32
        %dma_start3A_53 = arith.constant 0 : i32
        %dma_start3A_54 = tpu.memref_slice %arg4[%arg1, %scan3A_28, %dma_start3A_52, %dma_start3A_53] : memref<16x5x50x80xi32, #tpu.memory_space<hbm>> -> memref<1x1x50x80xi32, #tpu.memory_space<hbm>>
        %dma_start3A_55 = tpu.memref_squeeze %dma_start3A_54 : memref<1x1x50x80xi32, #tpu.memory_space<hbm>> -> memref<50x80xi32, #tpu.memory_space<hbm>>
        tpu.enqueue_dma source(%dma_start3A_55 : memref<50x80xi32, #tpu.memory_space<hbm>>) target(%arg8 : memref<50x80xi32, #tpu.memory_space<vmem>>) target_semaphore(%run_scoped3A : memref<!tpu.dma_semaphore, #tpu.memory_space<semaphore_mem>>)
        %dma_wait3A = arith.constant 0 : i32
        %dma_wait3A_56 = arith.constant 0 : i32
        %dma_wait3A_57 = tpu.memref_slice %arg4[%arg1, %scan3A_28, %dma_wait3A, %dma_wait3A_56] : memref<16x5x50x80xi32, #tpu.memory_space<hbm>> -> memref<1x1x50x80xi32, #tpu.memory_space<hbm>>
        %dma_wait3A_58 = tpu.memref_squeeze %dma_wait3A_57 : memref<1x1x50x80xi32, #tpu.memory_space<hbm>> -> memref<50x80xi32, #tpu.memory_space<hbm>>
        %dma_wait3A_59 = arith.constant 0 : i32
        %dma_wait3A_60 = arith.constant 0 : i32
        %dma_wait3A_61 = tpu.memref_slice %arg4[%arg1, %scan3A_28, %dma_wait3A_59, %dma_wait3A_60] : memref<16x5x50x80xi32, #tpu.memory_space<hbm>> -> memref<1x1x50x80xi32, #tpu.memory_space<hbm>>
        %dma_wait3A_62 = tpu.memref_squeeze %dma_wait3A_61 : memref<1x1x50x80xi32, #tpu.memory_space<hbm>> -> memref<50x80xi32, #tpu.memory_space<hbm>>
        tpu.wait_dma2 semaphore(%run_scoped3A : memref<!tpu.dma_semaphore, #tpu.memory_space<semaphore_mem>>) src(%dma_wait3A_62 : memref<50x80xi32, #tpu.memory_space<hbm>>) dst(%arg8 : memref<50x80xi32, #tpu.memory_space<vmem>>)
        tpu.yield
      }) : () -> ()
      %dma_start3A = arith.constant 0 : i32
      %dma_start3A_29 = arith.constant 0 : i32
      %dma_start3A_30 = tpu.memref_slice %arg7[%dma_start3A, %dma_start3A_29] : memref<50x80xi32, #tpu.memory_space<vmem>> -> memref<1x80xi32, #tpu.memory_space<vmem>>
      %dma_start3A_31 = tpu.memref_squeeze %dma_start3A_30 : memref<1x80xi32, #tpu.memory_space<vmem>> -> memref<80xi32, #tpu.memory_space<vmem>>
      %dma_start3A_32 = arith.constant 0 : i32
      %dma_start3A_33 = arith.constant 0 : i32
      %dma_start3A_34 = tpu.memref_slice %arg2[%dma_start3A_32, %dma_start3A_33] : memref<20000x128xf32, #tpu.memory_space<hbm>> -> memref<20000x128xf32, #tpu.memory_space<hbm>>
      tpu.enqueue_indirect_dma source(%dma_start3A_34 : memref<20000x128xf32, #tpu.memory_space<hbm>>) target(%arg9 : memref<80x128xf32, #tpu.memory_space<vmem>>) offsets(%dma_start3A_31 : memref<80xi32, #tpu.memory_space<vmem>>) semaphore(%arg12 : memref<!tpu.dma_semaphore, #tpu.memory_space<semaphore_mem>>)
      %dma_start3A_35 = arith.constant 1 : i32
      %dma_start3A_36 = arith.constant 0 : i32
      %dma_start3A_37 = tpu.memref_slice %arg7[%dma_start3A_35, %dma_start3A_36] : memref<50x80xi32, #tpu.memory_space<vmem>> -> memref<1x80xi32, #tpu.memory_space<vmem>>
      %dma_start3A_38 = tpu.memref_squeeze %dma_start3A_37 : memref<1x80xi32, #tpu.memory_space<vmem>> -> memref<80xi32, #tpu.memory_space<vmem>>
      %dma_start3A_39 = arith.constant 0 : i32
      %dma_start3A_40 = arith.constant 0 : i32
      %dma_start3A_41 = tpu.memref_slice %arg2[%dma_start3A_39, %dma_start3A_40] : memref<20000x128xf32, #tpu.memory_space<hbm>> -> memref<20000x128xf32, #tpu.memory_space<hbm>>
      tpu.enqueue_indirect_dma source(%dma_start3A_41 : memref<20000x128xf32, #tpu.memory_space<hbm>>) target(%arg10 : memref<80x128xf32, #tpu.memory_space<vmem>>) offsets(%dma_start3A_38 : memref<80xi32, #tpu.memory_space<vmem>>) semaphore(%arg13 : memref<!tpu.dma_semaphore, #tpu.memory_space<semaphore_mem>>)
      %scan3A_42 = arith.constant 0 : i32
      %scan3A_43 = arith.constant 0 : i32
      %scan3A_44 = arith.constant 17 : i32
      %scan3A_45 = arith.addi %scan3A_43, %scan3A_44 : i32
      %scan3A_46 = arith.constant 1 : i32
      scf.for %scan3A_48 = %scan3A_43 to %scan3A_45 step %scan3A_46  : i32 {
        %mul3A_49 = arith.constant 3 : i32
        %mul3A_50 = arith.muli %scan3A_48, %mul3A_49 : i32
        %add3A_51 = arith.constant 0 : i32
        %add3A_52 = arith.addi %mul3A_50, %add3A_51 : i32
        %lt3A = arith.constant 50 : i32
        %lt3A_53 = arith.cmpi slt, %add3A_52, %lt3A : i32
        %convert_element_type3A_54 = arith.extui %lt3A_53 : i1 to i32
        %cond3A_55 = arith.constant 0 : i32
        %cond3A_56 = arith.cmpi ne, %convert_element_type3A_54, %cond3A_55 : i32
        scf.if %cond3A_56 {
          %add3A_75 = arith.constant 3 : i32
          %add3A_76 = arith.addi %add3A_52, %add3A_75 : i32
          %sub3A = arith.constant 1 : i32
          %sub3A_77 = arith.subi %add3A_76, %sub3A : i32
          %lt3A_78 = arith.constant 50 : i32
          %lt3A_79 = arith.cmpi slt, %sub3A_77, %lt3A_78 : i32
          %convert_element_type3A_80 = arith.extui %lt3A_79 : i1 to i32
          %cond3A_81 = arith.constant 0 : i32
          %cond3A_82 = arith.cmpi ne, %convert_element_type3A_80, %cond3A_81 : i32
          scf.if %cond3A_82 {
            %add3A_88 = arith.constant 3 : i32
            %add3A_89 = arith.addi %add3A_52, %add3A_88 : i32
            %sub3A_90 = arith.constant 1 : i32
            %sub3A_91 = arith.subi %add3A_89, %sub3A_90 : i32
            %dma_start3A_92 = arith.constant 0 : i32
            %dma_start3A_93 = tpu.memref_slice %arg7[%sub3A_91, %dma_start3A_92] : memref<50x80xi32, #tpu.memory_space<vmem>> -> memref<1x80xi32, #tpu.memory_space<vmem>>
            %dma_start3A_94 = tpu.memref_squeeze %dma_start3A_93 : memref<1x80xi32, #tpu.memory_space<vmem>> -> memref<80xi32, #tpu.memory_space<vmem>>
            %dma_start3A_95 = arith.constant 0 : i32
            %dma_start3A_96 = arith.constant 0 : i32
            %dma_start3A_97 = tpu.memref_slice %arg2[%dma_start3A_95, %dma_start3A_96] : memref<20000x128xf32, #tpu.memory_space<hbm>> -> memref<20000x128xf32, #tpu.memory_space<hbm>>
            tpu.enqueue_indirect_dma source(%dma_start3A_97 : memref<20000x128xf32, #tpu.memory_space<hbm>>) target(%arg11 : memref<80x128xf32, #tpu.memory_space<vmem>>) offsets(%dma_start3A_94 : memref<80xi32, #tpu.memory_space<vmem>>) semaphore(%arg14 : memref<!tpu.dma_semaphore, #tpu.memory_space<semaphore_mem>>)
          } else {
          }
          %dma_wait3A = arith.constant 0 : i32
          %dma_wait3A_83 = tpu.memref_slice %arg7[%add3A_52, %dma_wait3A] : memref<50x80xi32, #tpu.memory_space<vmem>> -> memref<1x80xi32, #tpu.memory_space<vmem>>
          %dma_wait3A_84 = tpu.memref_squeeze %dma_wait3A_83 : memref<1x80xi32, #tpu.memory_space<vmem>> -> memref<80xi32, #tpu.memory_space<vmem>>
          %dma_wait3A_85 = arith.constant 0 : i32
          %dma_wait3A_86 = arith.constant 0 : i32
          %dma_wait3A_87 = tpu.memref_slice %arg2[%dma_wait3A_85, %dma_wait3A_86] : memref<20000x128xf32, #tpu.memory_space<hbm>> -> memref<20000x128xf32, #tpu.memory_space<hbm>>
          tpu.wait_indirect_dma semaphore(%arg12 : memref<!tpu.dma_semaphore, #tpu.memory_space<semaphore_mem>>) src(%dma_wait3A_87 : memref<20000x128xf32, #tpu.memory_space<hbm>>) dst(%arg9 : memref<80x128xf32, #tpu.memory_space<vmem>>)
          "tpu.region"() ({
            %run_scoped3A = tpu.sem_alloc : memref<!tpu.dma_semaphore, #tpu.memory_space<semaphore_mem>>
            %dma_start3A_88 = arith.constant 0 : i32
            %dma_start3A_89 = tpu.memref_slice %arg8[%add3A_52, %dma_start3A_88] : memref<50x80xi32, #tpu.memory_space<vmem>> -> memref<1x80xi32, #tpu.memory_space<vmem>>
            %dma_start3A_90 = tpu.memref_squeeze %dma_start3A_89 : memref<1x80xi32, #tpu.memory_space<vmem>> -> memref<80xi32, #tpu.memory_space<vmem>>
            %dma_start3A_91 = arith.constant 0 : i32
            %dma_start3A_92 = arith.constant 0 : i32
            %dma_start3A_93 = tpu.memref_slice %arg6[%dma_start3A_91, %dma_start3A_92] : memref<10000x128xf32, #tpu.memory_space<vmem_shared>> -> memref<10000x128xf32, #tpu.memory_space<vmem_shared>>
            tpu.enqueue_indirect_dma source(%arg9 : memref<80x128xf32, #tpu.memory_space<vmem>>) target(%dma_start3A_93 : memref<10000x128xf32, #tpu.memory_space<vmem_shared>>) offsets(%dma_start3A_90 : memref<80xi32, #tpu.memory_space<vmem>>) semaphore(%run_scoped3A : memref<!tpu.dma_semaphore, #tpu.memory_space<semaphore_mem>>) {add = true}
            %dma_wait3A_94 = arith.constant 0 : i32
            %dma_wait3A_95 = tpu.memref_slice %arg8[%add3A_52, %dma_wait3A_94] : memref<50x80xi32, #tpu.memory_space<vmem>> -> memref<1x80xi32, #tpu.memory_space<vmem>>
            %dma_wait3A_96 = tpu.memref_squeeze %dma_wait3A_95 : memref<1x80xi32, #tpu.memory_space<vmem>> -> memref<80xi32, #tpu.memory_space<vmem>>
            %dma_wait3A_97 = arith.constant 0 : i32
            %dma_wait3A_98 = arith.constant 0 : i32
            %dma_wait3A_99 = tpu.memref_slice %arg6[%dma_wait3A_97, %dma_wait3A_98] : memref<10000x128xf32, #tpu.memory_space<vmem_shared>> -> memref<10000x128xf32, #tpu.memory_space<vmem_shared>>
            tpu.wait_indirect_dma semaphore(%run_scoped3A : memref<!tpu.dma_semaphore, #tpu.memory_space<semaphore_mem>>) src(%arg9 : memref<80x128xf32, #tpu.memory_space<vmem>>) dst(%dma_wait3A_99 : memref<10000x128xf32, #tpu.memory_space<vmem_shared>>)
            tpu.yield
          }) : () -> ()
        } else {
        }
        %mul3A_57 = arith.constant 3 : i32
        %mul3A_58 = arith.muli %scan3A_48, %mul3A_57 : i32
        %add3A_59 = arith.constant 1 : i32
        %add3A_60 = arith.addi %mul3A_58, %add3A_59 : i32
        %lt3A_61 = arith.constant 50 : i32
        %lt3A_62 = arith.cmpi slt, %add3A_60, %lt3A_61 : i32
        %convert_element_type3A_63 = arith.extui %lt3A_62 : i1 to i32
        %cond3A_64 = arith.constant 0 : i32
        %cond3A_65 = arith.cmpi ne, %convert_element_type3A_63, %cond3A_64 : i32
        scf.if %cond3A_65 {
          %add3A_75 = arith.constant 3 : i32
          %add3A_76 = arith.addi %add3A_60, %add3A_75 : i32
          %sub3A = arith.constant 1 : i32
          %sub3A_77 = arith.subi %add3A_76, %sub3A : i32
          %lt3A_78 = arith.constant 50 : i32
          %lt3A_79 = arith.cmpi slt, %sub3A_77, %lt3A_78 : i32
          %convert_element_type3A_80 = arith.extui %lt3A_79 : i1 to i32
          %cond3A_81 = arith.constant 0 : i32
          %cond3A_82 = arith.cmpi ne, %convert_element_type3A_80, %cond3A_81 : i32
          scf.if %cond3A_82 {
            %add3A_88 = arith.constant 3 : i32
            %add3A_89 = arith.addi %add3A_60, %add3A_88 : i32
            %sub3A_90 = arith.constant 1 : i32
            %sub3A_91 = arith.subi %add3A_89, %sub3A_90 : i32
            %dma_start3A_92 = arith.constant 0 : i32
            %dma_start3A_93 = tpu.memref_slice %arg7[%sub3A_91, %dma_start3A_92] : memref<50x80xi32, #tpu.memory_space<vmem>> -> memref<1x80xi32, #tpu.memory_space<vmem>>
            %dma_start3A_94 = tpu.memref_squeeze %dma_start3A_93 : memref<1x80xi32, #tpu.memory_space<vmem>> -> memref<80xi32, #tpu.memory_space<vmem>>
            %dma_start3A_95 = arith.constant 0 : i32
            %dma_start3A_96 = arith.constant 0 : i32
            %dma_start3A_97 = tpu.memref_slice %arg2[%dma_start3A_95, %dma_start3A_96] : memref<20000x128xf32, #tpu.memory_space<hbm>> -> memref<20000x128xf32, #tpu.memory_space<hbm>>
            tpu.enqueue_indirect_dma source(%dma_start3A_97 : memref<20000x128xf32, #tpu.memory_space<hbm>>) target(%arg9 : memref<80x128xf32, #tpu.memory_space<vmem>>) offsets(%dma_start3A_94 : memref<80xi32, #tpu.memory_space<vmem>>) semaphore(%arg12 : memref<!tpu.dma_semaphore, #tpu.memory_space<semaphore_mem>>)
          } else {
          }
          %dma_wait3A = arith.constant 0 : i32
          %dma_wait3A_83 = tpu.memref_slice %arg7[%add3A_60, %dma_wait3A] : memref<50x80xi32, #tpu.memory_space<vmem>> -> memref<1x80xi32, #tpu.memory_space<vmem>>
          %dma_wait3A_84 = tpu.memref_squeeze %dma_wait3A_83 : memref<1x80xi32, #tpu.memory_space<vmem>> -> memref<80xi32, #tpu.memory_space<vmem>>
          %dma_wait3A_85 = arith.constant 0 : i32
          %dma_wait3A_86 = arith.constant 0 : i32
          %dma_wait3A_87 = tpu.memref_slice %arg2[%dma_wait3A_85, %dma_wait3A_86] : memref<20000x128xf32, #tpu.memory_space<hbm>> -> memref<20000x128xf32, #tpu.memory_space<hbm>>
          tpu.wait_indirect_dma semaphore(%arg13 : memref<!tpu.dma_semaphore, #tpu.memory_space<semaphore_mem>>) src(%dma_wait3A_87 : memref<20000x128xf32, #tpu.memory_space<hbm>>) dst(%arg10 : memref<80x128xf32, #tpu.memory_space<vmem>>)
          "tpu.region"() ({
            %run_scoped3A = tpu.sem_alloc : memref<!tpu.dma_semaphore, #tpu.memory_space<semaphore_mem>>
            %dma_start3A_88 = arith.constant 0 : i32
            %dma_start3A_89 = tpu.memref_slice %arg8[%add3A_60, %dma_start3A_88] : memref<50x80xi32, #tpu.memory_space<vmem>> -> memref<1x80xi32, #tpu.memory_space<vmem>>
            %dma_start3A_90 = tpu.memref_squeeze %dma_start3A_89 : memref<1x80xi32, #tpu.memory_space<vmem>> -> memref<80xi32, #tpu.memory_space<vmem>>
            %dma_start3A_91 = arith.constant 0 : i32
            %dma_start3A_92 = arith.constant 0 : i32
            %dma_start3A_93 = tpu.memref_slice %arg6[%dma_start3A_91, %dma_start3A_92] : memref<10000x128xf32, #tpu.memory_space<vmem_shared>> -> memref<10000x128xf32, #tpu.memory_space<vmem_shared>>
            tpu.enqueue_indirect_dma source(%arg10 : memref<80x128xf32, #tpu.memory_space<vmem>>) target(%dma_start3A_93 : memref<10000x128xf32, #tpu.memory_space<vmem_shared>>) offsets(%dma_start3A_90 : memref<80xi32, #tpu.memory_space<vmem>>) semaphore(%run_scoped3A : memref<!tpu.dma_semaphore, #tpu.memory_space<semaphore_mem>>) {add = true}
            %dma_wait3A_94 = arith.constant 0 : i32
            %dma_wait3A_95 = tpu.memref_slice %arg8[%add3A_60, %dma_wait3A_94] : memref<50x80xi32, #tpu.memory_space<vmem>> -> memref<1x80xi32, #tpu.memory_space<vmem>>
            %dma_wait3A_96 = tpu.memref_squeeze %dma_wait3A_95 : memref<1x80xi32, #tpu.memory_space<vmem>> -> memref<80xi32, #tpu.memory_space<vmem>>
            %dma_wait3A_97 = arith.constant 0 : i32
            %dma_wait3A_98 = arith.constant 0 : i32
            %dma_wait3A_99 = tpu.memref_slice %arg6[%dma_wait3A_97, %dma_wait3A_98] : memref<10000x128xf32, #tpu.memory_space<vmem_shared>> -> memref<10000x128xf32, #tpu.memory_space<vmem_shared>>
            tpu.wait_indirect_dma semaphore(%run_scoped3A : memref<!tpu.dma_semaphore, #tpu.memory_space<semaphore_mem>>) src(%arg10 : memref<80x128xf32, #tpu.memory_space<vmem>>) dst(%dma_wait3A_99 : memref<10000x128xf32, #tpu.memory_space<vmem_shared>>)
            tpu.yield
          }) : () -> ()
        } else {
        }
        %mul3A_66 = arith.constant 3 : i32
        %mul3A_67 = arith.muli %scan3A_48, %mul3A_66 : i32
        %add3A_68 = arith.constant 2 : i32
        %add3A_69 = arith.addi %mul3A_67, %add3A_68 : i32
        %lt3A_70 = arith.constant 50 : i32
        %lt3A_71 = arith.cmpi slt, %add3A_69, %lt3A_70 : i32
        %convert_element_type3A_72 = arith.extui %lt3A_71 : i1 to i32
        %cond3A_73 = arith.constant 0 : i32
        %cond3A_74 = arith.cmpi ne, %convert_element_type3A_72, %cond3A_73 : i32
        scf.if %cond3A_74 {
          %add3A_75 = arith.constant 3 : i32
          %add3A_76 = arith.addi %add3A_69, %add3A_75 : i32
          %sub3A = arith.constant 1 : i32
          %sub3A_77 = arith.subi %add3A_76, %sub3A : i32
          %lt3A_78 = arith.constant 50 : i32
          %lt3A_79 = arith.cmpi slt, %sub3A_77, %lt3A_78 : i32
          %convert_element_type3A_80 = arith.extui %lt3A_79 : i1 to i32
          %cond3A_81 = arith.constant 0 : i32
          %cond3A_82 = arith.cmpi ne, %convert_element_type3A_80, %cond3A_81 : i32
          scf.if %cond3A_82 {
            %add3A_88 = arith.constant 3 : i32
            %add3A_89 = arith.addi %add3A_69, %add3A_88 : i32
            %sub3A_90 = arith.constant 1 : i32
            %sub3A_91 = arith.subi %add3A_89, %sub3A_90 : i32
            %dma_start3A_92 = arith.constant 0 : i32
            %dma_start3A_93 = tpu.memref_slice %arg7[%sub3A_91, %dma_start3A_92] : memref<50x80xi32, #tpu.memory_space<vmem>> -> memref<1x80xi32, #tpu.memory_space<vmem>>
            %dma_start3A_94 = tpu.memref_squeeze %dma_start3A_93 : memref<1x80xi32, #tpu.memory_space<vmem>> -> memref<80xi32, #tpu.memory_space<vmem>>
            %dma_start3A_95 = arith.constant 0 : i32
            %dma_start3A_96 = arith.constant 0 : i32
            %dma_start3A_97 = tpu.memref_slice %arg2[%dma_start3A_95, %dma_start3A_96] : memref<20000x128xf32, #tpu.memory_space<hbm>> -> memref<20000x128xf32, #tpu.memory_space<hbm>>
            tpu.enqueue_indirect_dma source(%dma_start3A_97 : memref<20000x128xf32, #tpu.memory_space<hbm>>) target(%arg10 : memref<80x128xf32, #tpu.memory_space<vmem>>) offsets(%dma_start3A_94 : memref<80xi32, #tpu.memory_space<vmem>>) semaphore(%arg13 : memref<!tpu.dma_semaphore, #tpu.memory_space<semaphore_mem>>)
          } else {
          }
          %dma_wait3A = arith.constant 0 : i32
          %dma_wait3A_83 = tpu.memref_slice %arg7[%add3A_69, %dma_wait3A] : memref<50x80xi32, #tpu.memory_space<vmem>> -> memref<1x80xi32, #tpu.memory_space<vmem>>
          %dma_wait3A_84 = tpu.memref_squeeze %dma_wait3A_83 : memref<1x80xi32, #tpu.memory_space<vmem>> -> memref<80xi32, #tpu.memory_space<vmem>>
          %dma_wait3A_85 = arith.constant 0 : i32
          %dma_wait3A_86 = arith.constant 0 : i32
          %dma_wait3A_87 = tpu.memref_slice %arg2[%dma_wait3A_85, %dma_wait3A_86] : memref<20000x128xf32, #tpu.memory_space<hbm>> -> memref<20000x128xf32, #tpu.memory_space<hbm>>
          tpu.wait_indirect_dma semaphore(%arg14 : memref<!tpu.dma_semaphore, #tpu.memory_space<semaphore_mem>>) src(%dma_wait3A_87 : memref<20000x128xf32, #tpu.memory_space<hbm>>) dst(%arg11 : memref<80x128xf32, #tpu.memory_space<vmem>>)
          "tpu.region"() ({
            %run_scoped3A = tpu.sem_alloc : memref<!tpu.dma_semaphore, #tpu.memory_space<semaphore_mem>>
            %dma_start3A_88 = arith.constant 0 : i32
            %dma_start3A_89 = tpu.memref_slice %arg8[%add3A_69, %dma_start3A_88] : memref<50x80xi32, #tpu.memory_space<vmem>> -> memref<1x80xi32, #tpu.memory_space<vmem>>
            %dma_start3A_90 = tpu.memref_squeeze %dma_start3A_89 : memref<1x80xi32, #tpu.memory_space<vmem>> -> memref<80xi32, #tpu.memory_space<vmem>>
            %dma_start3A_91 = arith.constant 0 : i32
            %dma_start3A_92 = arith.constant 0 : i32
            %dma_start3A_93 = tpu.memref_slice %arg6[%dma_start3A_91, %dma_start3A_92] : memref<10000x128xf32, #tpu.memory_space<vmem_shared>> -> memref<10000x128xf32, #tpu.memory_space<vmem_shared>>
            tpu.enqueue_indirect_dma source(%arg11 : memref<80x128xf32, #tpu.memory_space<vmem>>) target(%dma_start3A_93 : memref<10000x128xf32, #tpu.memory_space<vmem_shared>>) offsets(%dma_start3A_90 : memref<80xi32, #tpu.memory_space<vmem>>) semaphore(%run_scoped3A : memref<!tpu.dma_semaphore, #tpu.memory_space<semaphore_mem>>) {add = true}
            %dma_wait3A_94 = arith.constant 0 : i32
            %dma_wait3A_95 = tpu.memref_slice %arg8[%add3A_69, %dma_wait3A_94] : memref<50x80xi32, #tpu.memory_space<vmem>> -> memref<1x80xi32, #tpu.memory_space<vmem>>
            %dma_wait3A_96 = tpu.memref_squeeze %dma_wait3A_95 : memref<1x80xi32, #tpu.memory_space<vmem>> -> memref<80xi32, #tpu.memory_space<vmem>>
            %dma_wait3A_97 = arith.constant 0 : i32
            %dma_wait3A_98 = arith.constant 0 : i32
            %dma_wait3A_99 = tpu.memref_slice %arg6[%dma_wait3A_97, %dma_wait3A_98] : memref<10000x128xf32, #tpu.memory_space<vmem_shared>> -> memref<10000x128xf32, #tpu.memory_space<vmem_shared>>
            tpu.wait_indirect_dma semaphore(%run_scoped3A : memref<!tpu.dma_semaphore, #tpu.memory_space<semaphore_mem>>) src(%arg11 : memref<80x128xf32, #tpu.memory_space<vmem>>) dst(%dma_wait3A_99 : memref<10000x128xf32, #tpu.memory_space<vmem_shared>>)
            tpu.yield
          }) : () -> ()
        } else {
        }
      }
      %scan3A_47 = arith.constant 17 : i32
    }
    %scan3A_13 = arith.constant 5 : i32
    %barrier3A_14 = arith.constant 0 : index
    tpu.barrier barrier_id(%barrier3A_14)
    %mul3A_15 = arith.constant 624 : i32
    %mul3A_16 = arith.muli %arg1, %mul3A_15 : i32
    %multiple_of3A_17 = tpu.assume_multiple %mul3A_16, 8 : i32
    %add3A_18 = arith.constant 0 : i32
    %add3A_19 = arith.addi %add3A_18, %multiple_of3A_17 : i32
    %multiple_of3A_20 = tpu.assume_multiple %add3A_19, 8 : i32
    %add3A_21 = arith.addi %mul3A_0, %multiple_of3A_17 : i32
    %multiple_of3A_22 = tpu.assume_multiple %add3A_21, 8 : i32
    "tpu.region"() ({
      %run_scoped3A = tpu.sem_alloc : memref<!tpu.dma_semaphore, #tpu.memory_space<semaphore_mem>>
      %dma_start3A = arith.constant 0 : i32
      %dma_start3A_28 = tpu.memref_slice %arg5[%multiple_of3A_22, %dma_start3A] : memref<20000x128xf32, #tpu.memory_space<hbm>> -> memref<624x128xf32, #tpu.memory_space<hbm>>
      %dma_start3A_29 = arith.constant 0 : i32
      %dma_start3A_30 = tpu.memref_slice %arg6[%multiple_of3A_20, %dma_start3A_29] : memref<10000x128xf32, #tpu.memory_space<vmem_shared>> -> memref<624x128xf32, #tpu.memory_space<vmem_shared>>
      tpu.enqueue_dma source(%dma_start3A_30 : memref<624x128xf32, #tpu.memory_space<vmem_shared>>) target(%dma_start3A_28 : memref<624x128xf32, #tpu.memory_space<hbm>>) target_semaphore(%run_scoped3A : memref<!tpu.dma_semaphore, #tpu.memory_space<semaphore_mem>>)
      %dma_wait3A = arith.constant 0 : i32
      %dma_wait3A_31 = tpu.memref_slice %arg5[%multiple_of3A_22, %dma_wait3A] : memref<20000x128xf32, #tpu.memory_space<hbm>> -> memref<624x128xf32, #tpu.memory_space<hbm>>
      %dma_wait3A_32 = arith.constant 0 : i32
      %dma_wait3A_33 = tpu.memref_slice %arg6[%multiple_of3A_20, %dma_wait3A_32] : memref<10000x128xf32, #tpu.memory_space<vmem_shared>> -> memref<624x128xf32, #tpu.memory_space<vmem_shared>>
      tpu.wait_dma2 semaphore(%run_scoped3A : memref<!tpu.dma_semaphore, #tpu.memory_space<semaphore_mem>>) src(%dma_wait3A_33 : memref<624x128xf32, #tpu.memory_space<vmem_shared>>) dst(%dma_wait3A_31 : memref<624x128xf32, #tpu.memory_space<hbm>>)
      tpu.yield
    }) : () -> ()
    %eq3A_23 = arith.constant 15 : i32
    %eq3A_24 = arith.cmpi eq, %arg1, %eq3A_23 : i32
    %convert_element_type3A_25 = arith.extui %eq3A_24 : i1 to i32
    %cond3A_26 = arith.constant 0 : i32
    %cond3A_27 = arith.cmpi ne, %convert_element_type3A_25, %cond3A_26 : i32
    scf.if %cond3A_27 {
      %multiple_of3A_28 = arith.constant 9984 : i32
      %multiple_of3A_29 = tpu.assume_multiple %multiple_of3A_28, 8 : i32
      %add3A_30 = arith.constant 9984 : i32
      %add3A_31 = arith.addi %mul3A_0, %add3A_30 : i32
      %multiple_of3A_32 = tpu.assume_multiple %add3A_31, 8 : i32
      "tpu.region"() ({
        %run_scoped3A = tpu.sem_alloc : memref<!tpu.dma_semaphore, #tpu.memory_space<semaphore_mem>>
        %dma_start3A = arith.constant 0 : i32
        %dma_start3A_33 = tpu.memref_slice %arg5[%multiple_of3A_32, %dma_start3A] : memref<20000x128xf32, #tpu.memory_space<hbm>> -> memref<16x128xf32, #tpu.memory_space<hbm>>
        %dma_start3A_34 = arith.constant 0 : i32
        %dma_start3A_35 = tpu.memref_slice %arg6[%multiple_of3A_29, %dma_start3A_34] : memref<10000x128xf32, #tpu.memory_space<vmem_shared>> -> memref<16x128xf32, #tpu.memory_space<vmem_shared>>
        tpu.enqueue_dma source(%dma_start3A_35 : memref<16x128xf32, #tpu.memory_space<vmem_shared>>) target(%dma_start3A_33 : memref<16x128xf32, #tpu.memory_space<hbm>>) target_semaphore(%run_scoped3A : memref<!tpu.dma_semaphore, #tpu.memory_space<semaphore_mem>>)
        %dma_wait3A = arith.constant 0 : i32
        %dma_wait3A_36 = tpu.memref_slice %arg5[%multiple_of3A_32, %dma_wait3A] : memref<20000x128xf32, #tpu.memory_space<hbm>> -> memref<16x128xf32, #tpu.memory_space<hbm>>
        %dma_wait3A_37 = arith.constant 0 : i32
        %dma_wait3A_38 = tpu.memref_slice %arg6[%multiple_of3A_29, %dma_wait3A_37] : memref<10000x128xf32, #tpu.memory_space<vmem_shared>> -> memref<16x128xf32, #tpu.memory_space<vmem_shared>>
        tpu.wait_dma2 semaphore(%run_scoped3A : memref<!tpu.dma_semaphore, #tpu.memory_space<semaphore_mem>>) src(%dma_wait3A_38 : memref<16x128xf32, #tpu.memory_space<vmem_shared>>) dst(%dma_wait3A_36 : memref<16x128xf32, #tpu.memory_space<hbm>>)
        tpu.yield
      }) : () -> ()
    } else {
    }
    return
  }
}

module attributes {stable_mosaic.version = 14 : i64} {
  func.func @body(%arg0: i32, %arg1: memref<400x128xf32, #tpu.memory_space<vmem>>, %arg2: memref<400x128xf32, #tpu.memory_space<vmem>>, %arg3: memref<128x256xf32, #tpu.memory_space<vmem>>, %arg4: memref<256x256xf32, #tpu.memory_space<vmem>>, %arg5: memref<2x400x128xf32, #tpu.memory_space<vmem>>) attributes {dimension_semantics = [#tpu.dimension_semantics<arbitrary>], iteration_bounds = array<i64: 25>, scalar_prefetch = 0 : i64, scratch_operands = 0 : i64, tpu.core_type = #tpu.core_type<tc>, window_params = [{transform_indices = @transform_0, window_bounds = array<i64: 400, 128>}, {transform_indices = @transform_1, window_bounds = array<i64: 400, 128>}, {pipeline_mode = #tpu.pipeline_mode<synchronous>, transform_indices = @transform_2, window_bounds = array<i64: 128, 256>}, {pipeline_mode = #tpu.pipeline_mode<synchronous>, transform_indices = @transform_3, window_bounds = array<i64: 256, 256>}, {transform_indices = @transform_4, window_bounds = array<i64: 2, 400, 128>}]} {
    %get3A = arith.constant 0 : index
    %get3A_0 = arith.constant 0 : index
    %get3A_1 = vector.load %arg1[%get3A, %get3A_0] : memref<400x128xf32, #tpu.memory_space<vmem>>, vector<400x128xf32>
    %get3A_2 = arith.constant 0 : index
    %get3A_3 = arith.constant 0 : index
    %get3A_4 = vector.load %arg2[%get3A_2, %get3A_3] : memref<400x128xf32, #tpu.memory_space<vmem>>, vector<400x128xf32>
    %add3A = arith.addf %get3A_1, %get3A_4 : vector<400x128xf32>
    %get3A_5 = arith.constant 0 : index
    %get3A_6 = arith.constant 0 : index
    %get3A_7 = vector.load %arg3[%get3A_5, %get3A_6] : memref<128x256xf32, #tpu.memory_space<vmem>>, vector<128x256xf32>
    %dot_general3A = arith.constant dense<0.000000e+00> : vector<400x256xf32>
    %dot_general3A_8 = tpu.matmul %add3A, %get3A_7, %dot_general3A {dimension_numbers = #tpu.dot_dimension_numbers<[1], [0], [0], [1], [0, 0, 1, 1], [], []>, transpose_lhs_hint = false} : vector<400x128xf32>, vector<128x256xf32>, vector<400x256xf32> -> vector<400x256xf32>
    %max3A = arith.constant 0.000000e+00 : f32
    %max3A_9 = vector.broadcast %max3A : f32 to vector<400x256xf32>
    %max3A_10 = arith.maximumf %dot_general3A_8, %max3A_9 : vector<400x256xf32>
    %get3A_11 = arith.constant 0 : index
    %get3A_12 = arith.constant 0 : index
    %get3A_13 = vector.load %arg4[%get3A_11, %get3A_12] : memref<256x256xf32, #tpu.memory_space<vmem>>, vector<256x256xf32>
    %dot_general3A_14 = arith.constant dense<0.000000e+00> : vector<400x256xf32>
    %dot_general3A_15 = tpu.matmul %max3A_10, %get3A_13, %dot_general3A_14 {dimension_numbers = #tpu.dot_dimension_numbers<[1], [0], [0], [1], [0, 0, 1, 1], [], []>, transpose_lhs_hint = false} : vector<400x256xf32>, vector<256x256xf32>, vector<400x256xf32> -> vector<400x256xf32>
    %max3A_16 = arith.constant 0.000000e+00 : f32
    %max3A_17 = vector.broadcast %max3A_16 : f32 to vector<400x256xf32>
    %max3A_18 = arith.maximumf %dot_general3A_15, %max3A_17 : vector<400x256xf32>
    %slice3A = vector.extract_strided_slice %max3A_18 {offsets = [0, 0], sizes = [400, 128], strides = [1, 1]} : vector<400x256xf32> to vector<400x128xf32>
    %slice3A_19 = vector.extract_strided_slice %max3A_18 {offsets = [0, 128], sizes = [400, 128], strides = [1, 1]} : vector<400x256xf32> to vector<400x128xf32>
    %stack3A = vector.shape_cast %slice3A : vector<400x128xf32> to vector<1x400x128xf32>
    %stack3A_20 = vector.shape_cast %slice3A_19 : vector<400x128xf32> to vector<1x400x128xf32>
    %stack3A_21 = tpu.concatenate %stack3A, %stack3A_20 in 0 : vector<1x400x128xf32>, vector<1x400x128xf32> -> vector<2x400x128xf32>
    %swap3A = arith.constant 0 : index
    %swap3A_22 = arith.constant 0 : index
    %swap3A_23 = arith.constant 0 : index
    %swap3A_24 = vector.load %arg5[%swap3A, %swap3A_22, %swap3A_23] : memref<2x400x128xf32, #tpu.memory_space<vmem>>, vector<2x400x128xf32>
    tpu.vector_store %arg5[%swap3A, %swap3A_22, %swap3A_23], %stack3A_21 {strides = array<i32>} : memref<2x400x128xf32, #tpu.memory_space<vmem>>, vector<2x400x128xf32>,
    return
  }
  func.func @transform_0(%arg0: i32) -> (i32, i32) {
    %c0_i32 = arith.constant 0 : i32
    %c0_i32_0 = arith.constant 0 : i32
    return %arg0, %c0_i32 : i32, i32
  }
  func.func @transform_1(%arg0: i32) -> (i32, i32) {
    %add3A = arith.constant 25 : i32
    %add3A_0 = arith.addi %arg0, %add3A : i32
    %c0_i32 = arith.constant 0 : i32
    %c0_i32_1 = arith.constant 0 : i32
    return %add3A_0, %c0_i32 : i32, i32
  }
  func.func @transform_2(%arg0: i32) -> (i32, i32) {
    %c0_i32 = arith.constant 0 : i32
    %c0_i32_0 = arith.constant 0 : i32
    %c0_i32_1 = arith.constant 0 : i32
    return %c0_i32, %c0_i32_0 : i32, i32
  }
  func.func @transform_3(%arg0: i32) -> (i32, i32) {
    %c0_i32 = arith.constant 0 : i32
    %c0_i32_0 = arith.constant 0 : i32
    %c0_i32_1 = arith.constant 0 : i32
    return %c0_i32, %c0_i32_0 : i32, i32
  }
  func.func @transform_4(%arg0: i32) -> (i32, i32, i32) {
    %c0_i32 = arith.constant 0 : i32
    %c0_i32_0 = arith.constant 0 : i32
    %c0_i32_1 = arith.constant 0 : i32
    return %c0_i32, %arg0, %c0_i32_0 : i32, i32, i32
  }
}

module attributes {stable_mosaic.version = 14 : i64} {
  func.func @body(%arg0: i32, %arg1: memref<400x128xf32, #tpu.memory_space<vmem>>, %arg2: memref<400x128xf32, #tpu.memory_space<vmem>>, %arg3: memref<256x256xf32, #tpu.memory_space<vmem>>, %arg4: memref<256x256xf32, #tpu.memory_space<vmem>>, %arg5: memref<2x400x128xf32, #tpu.memory_space<vmem>>) attributes {dimension_semantics = [#tpu.dimension_semantics<arbitrary>], iteration_bounds = array<i64: 25>, scalar_prefetch = 0 : i64, scratch_operands = 0 : i64, tpu.core_type = #tpu.core_type<tc>, window_params = [{transform_indices = @transform_0, window_bounds = array<i64: 400, 128>}, {transform_indices = @transform_1, window_bounds = array<i64: 400, 128>}, {pipeline_mode = #tpu.pipeline_mode<synchronous>, transform_indices = @transform_2, window_bounds = array<i64: 256, 256>}, {pipeline_mode = #tpu.pipeline_mode<synchronous>, transform_indices = @transform_3, window_bounds = array<i64: 256, 256>}, {transform_indices = @transform_4, window_bounds = array<i64: 2, 400, 128>}]} {
    %get3A = arith.constant 0 : index
    %get3A_0 = arith.constant 0 : index
    %get3A_1 = vector.load %arg1[%get3A, %get3A_0] : memref<400x128xf32, #tpu.memory_space<vmem>>, vector<400x128xf32>
    %get3A_2 = arith.constant 0 : index
    %get3A_3 = arith.constant 0 : index
    %get3A_4 = vector.load %arg2[%get3A_2, %get3A_3] : memref<400x128xf32, #tpu.memory_space<vmem>>, vector<400x128xf32>
    %concatenate3A = tpu.concatenate %get3A_1, %get3A_4 in 1 : vector<400x128xf32>, vector<400x128xf32> -> vector<400x256xf32>
    %get3A_5 = arith.constant 0 : index
    %get3A_6 = arith.constant 0 : index
    %get3A_7 = vector.load %arg3[%get3A_5, %get3A_6] : memref<256x256xf32, #tpu.memory_space<vmem>>, vector<256x256xf32>
    %dot_general3A = arith.constant dense<0.000000e+00> : vector<400x256xf32>
    %dot_general3A_8 = tpu.matmul %concatenate3A, %get3A_7, %dot_general3A {dimension_numbers = #tpu.dot_dimension_numbers<[1], [0], [0], [1], [0, 0, 1, 1], [], []>, transpose_lhs_hint = false} : vector<400x256xf32>, vector<256x256xf32>, vector<400x256xf32> -> vector<400x256xf32>
    %max3A = arith.constant 0.000000e+00 : f32
    %max3A_9 = vector.broadcast %max3A : f32 to vector<400x256xf32>
    %max3A_10 = arith.maximumf %dot_general3A_8, %max3A_9 : vector<400x256xf32>
    %get3A_11 = arith.constant 0 : index
    %get3A_12 = arith.constant 0 : index
    %get3A_13 = vector.load %arg4[%get3A_11, %get3A_12] : memref<256x256xf32, #tpu.memory_space<vmem>>, vector<256x256xf32>
    %dot_general3A_14 = arith.constant dense<0.000000e+00> : vector<400x256xf32>
    %dot_general3A_15 = tpu.matmul %max3A_10, %get3A_13, %dot_general3A_14 {dimension_numbers = #tpu.dot_dimension_numbers<[1], [0], [0], [1], [0, 0, 1, 1], [], []>, transpose_lhs_hint = false} : vector<400x256xf32>, vector<256x256xf32>, vector<400x256xf32> -> vector<400x256xf32>
    %max3A_16 = arith.constant 0.000000e+00 : f32
    %max3A_17 = vector.broadcast %max3A_16 : f32 to vector<400x256xf32>
    %max3A_18 = arith.maximumf %dot_general3A_15, %max3A_17 : vector<400x256xf32>
    %slice3A = vector.extract_strided_slice %max3A_18 {offsets = [0, 0], sizes = [400, 128], strides = [1, 1]} : vector<400x256xf32> to vector<400x128xf32>
    %slice3A_19 = vector.extract_strided_slice %max3A_18 {offsets = [0, 128], sizes = [400, 128], strides = [1, 1]} : vector<400x256xf32> to vector<400x128xf32>
    %stack3A = vector.shape_cast %slice3A : vector<400x128xf32> to vector<1x400x128xf32>
    %stack3A_20 = vector.shape_cast %slice3A_19 : vector<400x128xf32> to vector<1x400x128xf32>
    %stack3A_21 = tpu.concatenate %stack3A, %stack3A_20 in 0 : vector<1x400x128xf32>, vector<1x400x128xf32> -> vector<2x400x128xf32>
    %swap3A = arith.constant 0 : index
    %swap3A_22 = arith.constant 0 : index
    %swap3A_23 = arith.constant 0 : index
    %swap3A_24 = vector.load %arg5[%swap3A, %swap3A_22, %swap3A_23] : memref<2x400x128xf32, #tpu.memory_space<vmem>>, vector<2x400x128xf32>
    tpu.vector_store %arg5[%swap3A, %swap3A_22, %swap3A_23], %stack3A_21 {strides = array<i32>} : memref<2x400x128xf32, #tpu.memory_space<vmem>>, vector<2x400x128xf32>,
    return
  }
  func.func @transform_0(%arg0: i32) -> (i32, i32) {
    %c0_i32 = arith.constant 0 : i32
    %c0_i32_0 = arith.constant 0 : i32
    return %arg0, %c0_i32 : i32, i32
  }
  func.func @transform_1(%arg0: i32) -> (i32, i32) {
    %add3A = arith.constant 25 : i32
    %add3A_0 = arith.addi %arg0, %add3A : i32
    %c0_i32 = arith.constant 0 : i32
    %c0_i32_1 = arith.constant 0 : i32
    return %add3A_0, %c0_i32 : i32, i32
  }
  func.func @transform_2(%arg0: i32) -> (i32, i32) {
    %c0_i32 = arith.constant 0 : i32
    %c0_i32_0 = arith.constant 0 : i32
    %c0_i32_1 = arith.constant 0 : i32
    return %c0_i32, %c0_i32_0 : i32, i32
  }
  func.func @transform_3(%arg0: i32) -> (i32, i32) {
    %c0_i32 = arith.constant 0 : i32
    %c0_i32_0 = arith.constant 0 : i32
    %c0_i32_1 = arith.constant 0 : i32
    return %c0_i32, %c0_i32_0 : i32, i32
  }
  func.func @transform_4(%arg0: i32) -> (i32, i32, i32) {
    %c0_i32 = arith.constant 0 : i32
    %c0_i32_0 = arith.constant 0 : i32
    %c0_i32_1 = arith.constant 0 : i32
    return %c0_i32, %arg0, %c0_i32_0 : i32, i32, i32
  }
}

module attributes {stable_mosaic.version = 14 : i64} {
  func.func @body(%arg0: i32, %arg1: memref<400x128xf32, #tpu.memory_space<vmem>>, %arg2: memref<400x128xf32, #tpu.memory_space<vmem>>, %arg3: memref<1x1x400xi32, #tpu.memory_space<vmem>>, %arg4: memref<768x256xf32, #tpu.memory_space<vmem>>, %arg5: memref<1x256xf32, #tpu.memory_space<vmem>>, %arg6: memref<256x128xf32, #tpu.memory_space<vmem>>, %arg7: memref<1x128xf32, #tpu.memory_space<vmem>>, %arg8: memref<1x128xf32, #tpu.memory_space<vmem>>, %arg9: memref<1x1xf32, #tpu.memory_space<vmem>>, %arg10: memref<128x1xf32, #tpu.memory_space<vmem>>, %arg11: memref<128x384xf32, #tpu.memory_space<vmem>>, %arg12: memref<128x256xf32, #tpu.memory_space<vmem>>) attributes {dimension_semantics = [#tpu.dimension_semantics<arbitrary>], iteration_bounds = array<i64: 25>, scalar_prefetch = 0 : i64, scratch_operands = 2 : i64, tpu.core_type = #tpu.core_type<tc>, window_params = [{transform_indices = @transform_0, window_bounds = array<i64: 400, 128>}, {transform_indices = @transform_1, window_bounds = array<i64: 400, 128>}, {transform_indices = @transform_2, window_bounds = array<i64: 1, 1, 400>}, {pipeline_mode = #tpu.pipeline_mode<synchronous>, transform_indices = @transform_3, window_bounds = array<i64: 768, 256>}, {pipeline_mode = #tpu.pipeline_mode<synchronous>, transform_indices = @transform_4, window_bounds = array<i64: 1, 256>}, {pipeline_mode = #tpu.pipeline_mode<synchronous>, transform_indices = @transform_5, window_bounds = array<i64: 256, 128>}, {pipeline_mode = #tpu.pipeline_mode<synchronous>, transform_indices = @transform_6, window_bounds = array<i64: 1, 128>}, {pipeline_mode = #tpu.pipeline_mode<synchronous>, transform_indices = @transform_7, window_bounds = array<i64: 1, 128>}, {pipeline_mode = #tpu.pipeline_mode<synchronous>, transform_indices = @transform_8, window_bounds = array<i64: 1, 1>}, {pipeline_mode = #tpu.pipeline_mode<synchronous>, transform_indices = @transform_9, window_bounds = array<i64: 128, 1>}]} {
    %eq3A = arith.constant 0 : i32
    %eq3A_0 = arith.cmpi eq, %arg0, %eq3A : i32
    %convert_element_type3A = arith.extui %eq3A_0 : i1 to i32
    %cond3A = arith.constant 0 : i32
    %cond3A_1 = arith.cmpi ne, %convert_element_type3A, %cond3A : i32
    scf.if %cond3A_1 {
      %broadcast_in_dim3A_50 = arith.constant 0.000000e+00 : f32
      %broadcast_in_dim3A_51 = vector.broadcast %broadcast_in_dim3A_50 : f32 to vector<128x384xf32>
      %swap3A_52 = arith.constant 0 : index
      %swap3A_53 = arith.constant 0 : index
      %swap3A_54 = vector.load %arg11[%swap3A_52, %swap3A_53] : memref<128x384xf32, #tpu.memory_space<vmem>>, vector<128x384xf32>
      tpu.vector_store %arg11[%swap3A_52, %swap3A_53], %broadcast_in_dim3A_51 {strides = array<i32>} : memref<128x384xf32, #tpu.memory_space<vmem>>, vector<128x384xf32>,
      %broadcast_in_dim3A_55 = arith.constant 0xFF800000 : f32
      %broadcast_in_dim3A_56 = vector.broadcast %broadcast_in_dim3A_55 : f32 to vector<128x256xf32>
      %swap3A_57 = arith.constant 0 : index
      %swap3A_58 = arith.constant 0 : index
      %swap3A_59 = vector.load %arg12[%swap3A_57, %swap3A_58] : memref<128x256xf32, #tpu.memory_space<vmem>>, vector<128x256xf32>
      tpu.vector_store %arg12[%swap3A_57, %swap3A_58], %broadcast_in_dim3A_56 {strides = array<i32>} : memref<128x256xf32, #tpu.memory_space<vmem>>, vector<128x256xf32>,
    } else {
    }
    %get3A = arith.constant 0 : index
    %get3A_2 = arith.constant 0 : index
    %get3A_3 = vector.load %arg1[%get3A, %get3A_2] : memref<400x128xf32, #tpu.memory_space<vmem>>, vector<400x128xf32>
    %get3A_4 = arith.constant 0 : index
    %get3A_5 = arith.constant 0 : index
    %get3A_6 = vector.load %arg2[%get3A_4, %get3A_5] : memref<400x128xf32, #tpu.memory_space<vmem>>, vector<400x128xf32>
    %concatenate3A = tpu.concatenate %get3A_3, %get3A_6 in 1 : vector<400x128xf32>, vector<400x128xf32> -> vector<400x256xf32>
    %get3A_7 = arith.constant 0 : index
    %get3A_8 = arith.constant 0 : index
    %get3A_9 = arith.constant 0 : index
    %get3A_10 = vector.load %arg3[%get3A_7, %get3A_8, %get3A_9] : memref<1x1x400xi32, #tpu.memory_space<vmem>>, vector<1x1x400xi32>
    %reshape3A = vector.shape_cast %get3A_10 : vector<1x1x400xi32> to vector<1x400xi32>
    %iota3A = tpu.iota {dimensions = array<i32: 0>} : vector<128x400xi32>
    %broadcast_in_dim3A = vector.shape_cast %reshape3A : vector<1x400xi32> to vector<1x400xi32>
    %broadcast_in_dim3A_11 = vector.broadcast %broadcast_in_dim3A : vector<1x400xi32> to vector<128x400xi32>
    %eq3A_12 = arith.cmpi eq, %iota3A, %broadcast_in_dim3A_11 : vector<128x400xi32>
    %convert_element_type3A_13 = arith.extui %eq3A_12 : vector<128x400xi1> to vector<128x400xi32>
    %convert_element_type3A_14 = arith.sitofp %convert_element_type3A_13 : vector<128x400xi32> to vector<128x400xf32>
    %broadcast_in_dim3A_15 = arith.constant 1.000000e+00 : f32
    %broadcast_in_dim3A_16 = vector.broadcast %broadcast_in_dim3A_15 : f32 to vector<400x128xf32>
    %concatenate3A_17 = tpu.concatenate %concatenate3A, %broadcast_in_dim3A_16 in 1 : vector<400x256xf32>, vector<400x128xf32> -> vector<400x384xf32>
    %get3A_18 = arith.constant 0 : index
    %get3A_19 = arith.constant 0 : index
    %get3A_20 = vector.load %arg11[%get3A_18, %get3A_19] : memref<128x384xf32, #tpu.memory_space<vmem>>, vector<128x384xf32>
    %dot_general3A = arith.constant dense<0.000000e+00> : vector<128x384xf32>
    %dot_general3A_21 = tpu.matmul %convert_element_type3A_14, %concatenate3A_17, %dot_general3A {dimension_numbers = #tpu.dot_dimension_numbers<[1], [0], [0], [1], [0, 0, 1, 1], [], []>, transpose_lhs_hint = false} : vector<128x400xf32>, vector<400x384xf32>, vector<128x384xf32> -> vector<128x384xf32>
    %add3A = arith.addf %get3A_20, %dot_general3A_21 : vector<128x384xf32>
    %swap3A = arith.constant 0 : index
    %swap3A_22 = arith.constant 0 : index
    %swap3A_23 = vector.load %arg11[%swap3A, %swap3A_22] : memref<128x384xf32, #tpu.memory_space<vmem>>, vector<128x384xf32>
    tpu.vector_store %arg11[%swap3A, %swap3A_22], %add3A {strides = array<i32>} : memref<128x384xf32, #tpu.memory_space<vmem>>, vector<128x384xf32>,
    %get3A_24 = arith.constant 0 : index
    %get3A_25 = arith.constant 0 : index
    %get3A_26 = arith.constant 0 : index
    %get3A_27 = vector.load %arg3[%get3A_24, %get3A_25, %get3A_26] : memref<1x1x400xi32, #tpu.memory_space<vmem>>, vector<1x1x1xi32>
    %get3A_28 = vector.extract %get3A_27[0, 0, 0] : i32 from vector<1x1x1xi32>
    %get3A_29 = arith.constant 0 : index
    %get3A_30 = arith.constant 0 : index
    %get3A_31 = arith.constant 399 : index
    %get3A_32 = vector.load %arg3[%get3A_29, %get3A_30, %get3A_31] : memref<1x1x400xi32, #tpu.memory_space<vmem>>, vector<1x1x1xi32>
    %get3A_33 = vector.extract %get3A_32[0, 0, 0] : i32 from vector<1x1x1xi32>
    %reshape3A_34 = vector.shape_cast %reshape3A : vector<1x400xi32> to vector<400x1xi32>
    %add3A_35 = arith.constant 1 : i32
    %add3A_36 = arith.addi %get3A_33, %add3A_35 : i32
    %while3A = arith.constant 0 : i32
    %while3A_37 = arith.subi %add3A_36, %get3A_28 : i32
    %while3A_38 = arith.addi %get3A_28, %while3A_37 : i32
    %while3A_39 = arith.constant 1 : i32
    %while3A_40 = arith.divsi %while3A_37, %while3A_39 : i32
    %while3A_41 = arith.muli %while3A_40, %while3A_39 : i32
    %while3A_42 = arith.addi %get3A_28, %while3A_41 : i32
    %while3A_43 = arith.constant 1 : i32
    scf.for %while3A_50 = %get3A_28 to %while3A_42 step %while3A_43  : i32 {
      %eq3A_51 = vector.broadcast %while3A_50 : i32 to vector<400x1xi32>
      %eq3A_52 = arith.cmpi eq, %reshape3A_34, %eq3A_51 : vector<400x1xi32>
      %jit3A = arith.constant 0xFF800000 : f32
      %broadcast_in_dim3A_53 = vector.shape_cast %eq3A_52 : vector<400x1xi1> to vector<400x1xi1>
      %broadcast_in_dim3A_54 = vector.broadcast %broadcast_in_dim3A_53 : vector<400x1xi1> to vector<400x256xi1>
      %broadcast_in_dim3A_55 = vector.broadcast %jit3A : f32 to vector<400x256xf32>
      %select_n3A = arith.select %broadcast_in_dim3A_54, %concatenate3A, %broadcast_in_dim3A_55 : vector<400x256xi1>, vector<400x256xf32>
      %reduce_max3A = arith.constant dense<0xFF800000> : vector<256xf32>
      %reduce_max3A_56 = vector.multi_reduction <maximumf>, %select_n3A, %reduce_max3A [0] : vector<400x256xf32> to vector<256xf32>
      %broadcast_in_dim3A_57 = vector.shape_cast %reduce_max3A_56 : vector<256xf32> to vector<1x256xf32>
      %get3A_58 = arith.index_cast %while3A_50 : i32 to index
      %get3A_59 = arith.constant 0 : index
      %get3A_60 = vector.load %arg12[%get3A_58, %get3A_59] : memref<128x256xf32, #tpu.memory_space<vmem>>, vector<1x256xf32>
      %max3A = arith.maximumf %get3A_60, %broadcast_in_dim3A_57 : vector<1x256xf32>
      %swap3A_61 = arith.index_cast %while3A_50 : i32 to index
      %swap3A_62 = arith.constant 0 : index
      %swap3A_63 = vector.load %arg12[%swap3A_61, %swap3A_62] : memref<128x256xf32, #tpu.memory_space<vmem>>, vector<1x256xf32>
      tpu.vector_store %arg12[%swap3A_61, %swap3A_62], %max3A {strides = array<i32>} : memref<128x256xf32, #tpu.memory_space<vmem>>, vector<1x256xf32>,
    }
    %while3A_44 = arith.constant 1 : i32
    scf.for %while3A_50 = %while3A_42 to %while3A_38 step %while3A_44  : i32 {
      %eq3A_51 = vector.broadcast %while3A_50 : i32 to vector<400x1xi32>
      %eq3A_52 = arith.cmpi eq, %reshape3A_34, %eq3A_51 : vector<400x1xi32>
      %jit3A = arith.constant 0xFF800000 : f32
      %broadcast_in_dim3A_53 = vector.shape_cast %eq3A_52 : vector<400x1xi1> to vector<400x1xi1>
      %broadcast_in_dim3A_54 = vector.broadcast %broadcast_in_dim3A_53 : vector<400x1xi1> to vector<400x256xi1>
      %broadcast_in_dim3A_55 = vector.broadcast %jit3A : f32 to vector<400x256xf32>
      %select_n3A = arith.select %broadcast_in_dim3A_54, %concatenate3A, %broadcast_in_dim3A_55 : vector<400x256xi1>, vector<400x256xf32>
      %reduce_max3A = arith.constant dense<0xFF800000> : vector<256xf32>
      %reduce_max3A_56 = vector.multi_reduction <maximumf>, %select_n3A, %reduce_max3A [0] : vector<400x256xf32> to vector<256xf32>
      %broadcast_in_dim3A_57 = vector.shape_cast %reduce_max3A_56 : vector<256xf32> to vector<1x256xf32>
      %get3A_58 = arith.index_cast %while3A_50 : i32 to index
      %get3A_59 = arith.constant 0 : index
      %get3A_60 = vector.load %arg12[%get3A_58, %get3A_59] : memref<128x256xf32, #tpu.memory_space<vmem>>, vector<1x256xf32>
      %max3A = arith.maximumf %get3A_60, %broadcast_in_dim3A_57 : vector<1x256xf32>
      %swap3A_61 = arith.index_cast %while3A_50 : i32 to index
      %swap3A_62 = arith.constant 0 : index
      %swap3A_63 = vector.load %arg12[%swap3A_61, %swap3A_62] : memref<128x256xf32, #tpu.memory_space<vmem>>, vector<1x256xf32>
      tpu.vector_store %arg12[%swap3A_61, %swap3A_62], %max3A {strides = array<i32>} : memref<128x256xf32, #tpu.memory_space<vmem>>, vector<1x256xf32>,
    }
    %eq3A_45 = arith.constant 24 : i32
    %eq3A_46 = arith.cmpi eq, %arg0, %eq3A_45 : i32
    %convert_element_type3A_47 = arith.extui %eq3A_46 : i1 to i32
    %cond3A_48 = arith.constant 0 : i32
    %cond3A_49 = arith.cmpi ne, %convert_element_type3A_47, %cond3A_48 : i32
    scf.if %cond3A_49 {
      %get3A_50 = arith.constant 0 : index
      %get3A_51 = arith.constant 0 : index
      %get3A_52 = vector.load %arg11[%get3A_50, %get3A_51] : memref<128x384xf32, #tpu.memory_space<vmem>>, vector<128x384xf32>
      %slice3A = vector.extract_strided_slice %get3A_52 {offsets = [0, 256], sizes = [128, 128], strides = [1, 1]} : vector<128x384xf32> to vector<128x128xf32>
      %reduce_max3A = arith.constant dense<0xFF800000> : vector<128xf32>
      %reduce_max3A_53 = vector.multi_reduction <maximumf>, %slice3A, %reduce_max3A [1] : vector<128x128xf32> to vector<128xf32>
      %broadcast_in_dim3A_54 = vector.shape_cast %reduce_max3A_53 : vector<128xf32> to vector<128x1xf32>
      %slice3A_55 = vector.extract_strided_slice %get3A_52 {offsets = [0, 0], sizes = [128, 256], strides = [1, 1]} : vector<128x384xf32> to vector<128x256xf32>
      %max3A = arith.constant 1.000000e+00 : f32
      %max3A_56 = vector.broadcast %max3A : f32 to vector<128x1xf32>
      %max3A_57 = arith.maximumf %broadcast_in_dim3A_54, %max3A_56 : vector<128x1xf32>
      %div3A = vector.broadcast %max3A_57 : vector<128x1xf32> to vector<128x256xf32>
      %div3A_58 = arith.divf %slice3A_55, %div3A : vector<128x256xf32>
      %get3A_59 = arith.constant 0 : index
      %get3A_60 = arith.constant 0 : index
      %get3A_61 = vector.load %arg12[%get3A_59, %get3A_60] : memref<128x256xf32, #tpu.memory_space<vmem>>, vector<128x256xf32>
      %concatenate3A_62 = tpu.concatenate %get3A_61, %div3A_58, %slice3A_55 in 1 : vector<128x256xf32>, vector<128x256xf32>, vector<128x256xf32> -> vector<128x768xf32>
      %get3A_63 = arith.constant 0 : index
      %get3A_64 = arith.constant 0 : index
      %get3A_65 = vector.load %arg4[%get3A_63, %get3A_64] : memref<768x256xf32, #tpu.memory_space<vmem>>, vector<768x256xf32>
      %dot_general3A_66 = arith.constant dense<0.000000e+00> : vector<128x256xf32>
      %dot_general3A_67 = tpu.matmul %concatenate3A_62, %get3A_65, %dot_general3A_66 {dimension_numbers = #tpu.dot_dimension_numbers<[1], [0], [0], [1], [0, 0, 1, 1], [], []>, transpose_lhs_hint = false} : vector<128x768xf32>, vector<768x256xf32>, vector<128x256xf32> -> vector<128x256xf32>
      %get3A_68 = arith.constant 0 : index
      %get3A_69 = arith.constant 0 : index
      %get3A_70 = vector.load %arg5[%get3A_68, %get3A_69] : memref<1x256xf32, #tpu.memory_space<vmem>>, vector<1x256xf32>
      %add3A_71 = vector.broadcast %get3A_70 : vector<1x256xf32> to vector<128x256xf32>
      %add3A_72 = arith.addf %dot_general3A_67, %add3A_71 : vector<128x256xf32>
      %max3A_73 = arith.constant 0.000000e+00 : f32
      %max3A_74 = vector.broadcast %max3A_73 : f32 to vector<128x256xf32>
      %max3A_75 = arith.maximumf %add3A_72, %max3A_74 : vector<128x256xf32>
      %get3A_76 = arith.constant 0 : index
      %get3A_77 = arith.constant 0 : index
      %get3A_78 = vector.load %arg6[%get3A_76, %get3A_77] : memref<256x128xf32, #tpu.memory_space<vmem>>, vector<256x128xf32>
      %dot_general3A_79 = arith.constant dense<0.000000e+00> : vector<128x128xf32>
      %dot_general3A_80 = tpu.matmul %max3A_75, %get3A_78, %dot_general3A_79 {dimension_numbers = #tpu.dot_dimension_numbers<[1], [0], [0], [1], [0, 0, 1, 1], [], []>, transpose_lhs_hint = false} : vector<128x256xf32>, vector<256x128xf32>, vector<128x128xf32> -> vector<128x128xf32>
      %get3A_81 = arith.constant 0 : index
      %get3A_82 = arith.constant 0 : index
      %get3A_83 = vector.load %arg7[%get3A_81, %get3A_82] : memref<1x128xf32, #tpu.memory_space<vmem>>, vector<1x128xf32>
      %add3A_84 = vector.broadcast %get3A_83 : vector<1x128xf32> to vector<128x128xf32>
      %add3A_85 = arith.addf %dot_general3A_80, %add3A_84 : vector<128x128xf32>
      %max3A_86 = arith.constant 0.000000e+00 : f32
      %max3A_87 = vector.broadcast %max3A_86 : f32 to vector<128x128xf32>
      %max3A_88 = arith.maximumf %add3A_85, %max3A_87 : vector<128x128xf32>
      %get3A_89 = arith.constant 0 : index
      %get3A_90 = arith.constant 0 : index
      %get3A_91 = vector.load %arg8[%get3A_89, %get3A_90] : memref<1x128xf32, #tpu.memory_space<vmem>>, vector<1x128xf32>
      %mul3A = vector.broadcast %get3A_91 : vector<1x128xf32> to vector<128x128xf32>
      %mul3A_92 = arith.mulf %max3A_88, %mul3A : vector<128x128xf32>
      %reduce_sum3A = arith.constant dense<0.000000e+00> : vector<128xf32>
      %reduce_sum3A_93 = vector.multi_reduction <add>, %mul3A_92, %reduce_sum3A [1] : vector<128x128xf32> to vector<128xf32>
      %broadcast_in_dim3A_94 = vector.shape_cast %reduce_sum3A_93 : vector<128xf32> to vector<128x1xf32>
      %get3A_95 = arith.constant 0 : index
      %get3A_96 = arith.constant 0 : index
      %get3A_97 = vector.load %arg9[%get3A_95, %get3A_96] : memref<1x1xf32, #tpu.memory_space<vmem>>, vector<1x1xf32>
      %add3A_98 = vector.broadcast %get3A_97 : vector<1x1xf32> to vector<128x1xf32>
      %add3A_99 = arith.addf %broadcast_in_dim3A_94, %add3A_98 : vector<128x1xf32>
      %swap3A_100 = arith.constant 0 : index
      %swap3A_101 = arith.constant 0 : index
      %swap3A_102 = vector.load %arg10[%swap3A_100, %swap3A_101] : memref<128x1xf32, #tpu.memory_space<vmem>>, vector<128x1xf32>
      tpu.vector_store %arg10[%swap3A_100, %swap3A_101], %add3A_99 {strides = array<i32>} : memref<128x1xf32, #tpu.memory_space<vmem>>, vector<128x1xf32>,
    } else {
    }
    return
  }
  func.func @transform_0(%arg0: i32) -> (i32, i32) {
    %c0_i32 = arith.constant 0 : i32
    %c0_i32_0 = arith.constant 0 : i32
    return %arg0, %c0_i32 : i32, i32
  }
  func.func @transform_1(%arg0: i32) -> (i32, i32) {
    %add3A = arith.constant 25 : i32
    %add3A_0 = arith.addi %arg0, %add3A : i32
    %c0_i32 = arith.constant 0 : i32
    %c0_i32_1 = arith.constant 0 : i32
    return %add3A_0, %c0_i32 : i32, i32
  }
  func.func @transform_2(%arg0: i32) -> (i32, i32, i32) {
    %c0_i32 = arith.constant 0 : i32
    %c0_i32_0 = arith.constant 0 : i32
    %c0_i32_1 = arith.constant 0 : i32
    return %arg0, %c0_i32, %c0_i32_0 : i32, i32, i32
  }
  func.func @transform_3(%arg0: i32) -> (i32, i32) {
    %c0_i32 = arith.constant 0 : i32
    %c0_i32_0 = arith.constant 0 : i32
    %c0_i32_1 = arith.constant 0 : i32
    return %c0_i32, %c0_i32_0 : i32, i32
  }
  func.func @transform_4(%arg0: i32) -> (i32, i32) {
    %c0_i32 = arith.constant 0 : i32
    %c0_i32_0 = arith.constant 0 : i32
    %c0_i32_1 = arith.constant 0 : i32
    return %c0_i32, %c0_i32_0 : i32, i32
  }
  func.func @transform_5(%arg0: i32) -> (i32, i32) {
    %c0_i32 = arith.constant 0 : i32
    %c0_i32_0 = arith.constant 0 : i32
    %c0_i32_1 = arith.constant 0 : i32
    return %c0_i32, %c0_i32_0 : i32, i32
  }
  func.func @transform_6(%arg0: i32) -> (i32, i32) {
    %c0_i32 = arith.constant 0 : i32
    %c0_i32_0 = arith.constant 0 : i32
    %c0_i32_1 = arith.constant 0 : i32
    return %c0_i32, %c0_i32_0 : i32, i32
  }
  func.func @transform_7(%arg0: i32) -> (i32, i32) {
    %c0_i32 = arith.constant 0 : i32
    %c0_i32_0 = arith.constant 0 : i32
    %c0_i32_1 = arith.constant 0 : i32
    return %c0_i32, %c0_i32_0 : i32, i32
  }
  func.func @transform_8(%arg0: i32) -> (i32, i32) {
    %c0_i32 = arith.constant 0 : i32
    %c0_i32_0 = arith.constant 0 : i32
    %c0_i32_1 = arith.constant 0 : i32
    return %c0_i32, %c0_i32_0 : i32, i32
  }
  func.func @transform_9(%arg0: i32) -> (i32, i32) {
    %c0_i32 = arith.constant 0 : i32
    %c0_i32_0 = arith.constant 0 : i32
    %c0_i32_1 = arith.constant 0 : i32
    return %c0_i32, %c0_i32_0 : i32, i32
  }
}

</mosaic_0001>

<sc_bundles>
// kernel: kernel.12.cloned.1.call-start
scs
__scs_entry_jumppad:
0x0: {  	(pc) =	sbr.rel $0x88, $3  }
0x1: {  	(tag) =	ssettag $0x0;
	lr =	simm.s32 $0x1  }
0x2: {  	[smem:$0x3F92] =	sst lr;
	_ =	strace $0xD0000000  }
0x3: {  	_ = 	snop  }
0x4: {  	_ = 	snop  }
0x5: {  	_ = 	snop  }
0x6: {  	_ = 	snop  }
0x7: {  	_ = 	snop  }
__scs_overlays_trampoline_lowered:
0x8: {  	[smem:$0x3FA1] =	sst s0  }
0x9: {  	[smem:$0x3FA2] =	sst s1  }
0xa: {  	[smem:$0x3FA3] =	sst s2  }
0xb: {  	[smem:$0x3FA4] =	sst s3  }
0xc: {  	[smem:$0x3FA5] =	sst s4  }
0xd: {  	[smem:$0x3FA6] =	sst s5  }
0xe: {  	[smem:$0x3FA7] =	sst s6  }
0xf: {  	[smem:$0x3FA8] =	sst s7  }
0x10: {  	[smem:$0x3FA9] =	sst s8  }
0x11: {  	[smem:$0x3FAA] =	sst s9;
	s0 =	simm.s32 @!p0 $0x0  }
0x12: {  	s1 =	sld [smem:$0x3F90];
	s0 =	simm.s32 @p0 $0x1  }
0x13: {  	[smem:$0x3FAB] =	sst s0;
	s0 =	simm.s32 @!p1 $0x0  }
0x14: {  	s2 =	sld [smem:$0x3F8F];
	s0 =	simm.s32 @p1 $0x1  }
0x15: {  	[smem:$0x3FAC] =	sst s0;
	s0 =	simm.s32 @!p2 $0x0  }
0x16: {  	s3 =	sld [smem:$0x3FDB];
	s0 =	simm.s32 @p2 $0x1  }
0x17: {  	s4 =	simm.s32 $0x1BF5;
	[smem:$0x3FAE] =	sst s0  }
0x18: {  	s0 =	sld [smem:$0x3F91];
	_ =	swait.ge [sflag:s4], $0x0  }
0x19: {  	s7 =	sld [smem:$0x3F92]  }
0x1a: {  	s8 =	sadd.s32 $0xFFFFE003, lr  }
0x1b: {  	s9 =	sadd.s32 $0xFFFFFEF7, lr;
	s5 =	simm.s32 $0xFFFFFFFF;
	p2 =	slt.u32 s8, $0xFFFFF086  }
0x1c: {  	p1 =	slt.u32 s9, $0xF7A;
	s5 =	simm.s32 @!p2 $0x0  }
0x1d: {  	s5 =	simm.s32 @p1 $0x1;
	p0 =	seq.s32 s7, s2  }
0x1e: {  	s7 =	smul.u32 @!p0 $0xF7A, s2;
	p2 =	seq.s32 @!p0 s5, $0x0  }
0x1f: {  	s9 =	smul.u32 $0xF7A, s1;
	s8 =	simm.s32 @!p0 $0x1BF5;
	p2 =	por !p2, p0  }
0x20: {  	[sflag:s8] =	ssyncset.s32 @!p0 $0xFFFFF086;
	s6 =	sadd.s32 @!p0 s3, s7;
	s7 =	simm.s32 @!p0 $0x108  }
0x21: {  	s3 =	sadd.s32 s3, s9;
	s6 =	sadd.s32 @!p0 $0x88, s6;
	s7 =	simm.s32 @p2 $0x1082  }
0x22: {  	[simem:s7], [sflag:s8] =	dma.local @!p0 [hbm:s6], $0xF7A  }
0x23: {  	s9 =	sor.u32 $0xD0000000, s2;
	s6 =	simm.s32 $0x108;
	_ =	swait.ge @!p0 [sflag:s8], $0x0  }
0x24: {  	s3 =	sadd.s32 $0x88, s3;
	s6 =	simm.s32 @!p1 $0x1082;
	[sflag:s4] =	ssyncset.s32 $0xFFFFF086  }
0x25: {  	[simem:s6], [sflag:s4] =	dma.local [hbm:s3], $0xF7A  }
0x26: {  	[smem:$0x3F92] =	sst s1;
	(tag) =	ssettag s2;
	_ =	strace s9  }
0x27: {  	s1 =	sld [smem:$0x3FA2]  }
0x28: {  	s2 =	sld [smem:$0x3FA3]  }
0x29: {  	s4 =	sld [smem:$0x3FA5]  }
0x2a: {  	p0 =	seq.s32 s5, $0x0;
	s5 =	sld [smem:$0x3FA6]  }
0x2b: {  	s6 =	sld [smem:$0x3FA7]  }
0x2c: {  	s7 =	sld [smem:$0x3FA8]  }
0x2d: {  	s3 =	simm.s32 $0x108;
	s8 =	sld [smem:$0x3FA9]  }
0x2e: {  	s3 =	simm.s32 @!p0 $0x1082;
	s9 =	sld [smem:$0x3FAA]  }
0x2f: {  	lr =	sadd.s32 s0, s3;
	s0 =	sld [smem:$0x3FA1]  }
0x30: {  	s3 =	sld [smem:$0x3FA4]  }
0x31: {  	[smem:$0x3FAD] =	sst s10  }
0x32: {  	s10 =	sld [smem:$0x3FAB];
	_ =	sdelay $0x3  }
0x33: {  	p0 =	seq.s32 s10, $0x1;
	s10 =	sld [smem:$0x3FAD];
	_ =	sdelay $0x3  }
0x34: {  	[smem:$0x3FAD] =	sst s10  }
0x35: {  	s10 =	sld [smem:$0x3FAC];
	_ =	sdelay $0x3  }
0x36: {  	p1 =	seq.s32 s10, $0x1;
	s10 =	sld [smem:$0x3FAD];
	_ =	sdelay $0x3  }
0x37: {  	[smem:$0x3FAD] =	sst s10  }
0x38: {  	s10 =	sld [smem:$0x3FAE]  }
0x39: {  	_ = 	snop;
	(pc) =	sbr.ind lr, $3  }
0x3a: {  	_ = 	snop  }
0x3b: {  	_ = 	snop  }
0x3c: {  	p2 =	seq.s32 s10, $0x1;
	s10 =	sld [smem:$0x3FAD]  }
0x3d: {  	_ =	shalt  }
0x3e: {  	_ =	shalt  }
0x3f: {  	_ =	shalt  }
0x40: {  	_ =	shalt  }
0x41: {  	_ =	shalt  }
0x42: {  	_ =	shalt  }
0x43: {  	_ =	shalt  }
0x44: {  	_ =	shalt  }
0x45: {  	_ =	shalt  }
0x46: {  	_ =	shalt  }
0x47: {  	_ =	shalt  }
0x48: {  	_ =	shalt  }
0x49: {  	_ =	shalt  }
0x4a: {  	_ =	shalt  }
0x4b: {  	_ =	shalt  }
0x4c: {  	_ =	shalt  }
0x4d: {  	_ =	shalt  }
0x4e: {  	_ =	shalt  }
0x4f: {  	_ =	shalt  }
0x50: {  	_ =	shalt  }
0x51: {  	_ =	shalt  }
0x52: {  	_ =	shalt  }
0x53: {  	_ =	shalt  }
0x54: {  	_ =	shalt  }
0x55: {  	_ =	shalt  }
0x56: {  	_ =	shalt  }
0x57: {  	_ =	shalt  }
0x58: {  	_ =	shalt  }
0x59: {  	_ =	shalt  }
0x5a: {  	_ =	shalt  }
0x5b: {  	_ =	shalt  }
0x5c: {  	_ =	shalt  }
0x5d: {  	_ =	shalt  }
0x5e: {  	_ =	shalt  }
0x5f: {  	_ =	shalt  }
0x60: {  	_ =	shalt  }
0x61: {  	_ =	shalt  }
0x62: {  	_ =	shalt  }
0x63: {  	_ =	shalt  }
0x64: {  	_ =	shalt  }
0x65: {  	_ =	shalt  }
0x66: {  	_ =	shalt  }
0x67: {  	_ =	shalt  }
0x68: {  	_ =	shalt  }
0x69: {  	_ =	shalt  }
0x6a: {  	_ =	shalt  }
0x6b: {  	_ =	shalt  }
0x6c: {  	_ =	shalt  }
0x6d: {  	_ =	shalt  }
0x6e: {  	_ =	shalt  }
0x6f: {  	_ =	shalt  }
0x70: {  	_ =	shalt  }
0x71: {  	_ =	shalt  }
0x72: {  	_ =	shalt  }
0x73: {  	_ =	shalt  }
0x74: {  	_ =	shalt  }
0x75: {  	_ =	shalt  }
0x76: {  	_ =	shalt  }
0x77: {  	_ =	shalt  }
0x78: {  	_ =	shalt  }
0x79: {  	_ =	shalt  }
0x7a: {  	_ =	shalt  }
0x7b: {  	_ =	shalt  }
0x7c: {  	_ =	shalt  }
0x7d: {  	_ =	shalt  }
0x7e: {  	_ =	shalt  }
0x7f: {  	_ =	shalt  }
0x80: {  	_ =	shalt  }
0x81: {  	_ =	shalt  }
0x82: {  	_ =	shalt  }
0x83: {  	_ =	shalt  }
0x84: {  	_ =	shalt  }
0x85: {  	_ =	shalt  }
0x86: {  	_ =	shalt  }
0x87: {  	_ =	shalt  }
.Lfunc_end0:
.L_simem_size_0:
called_computation.1_lowered:
.L_overlay_start_0:
0x88: {  	s2 =	sld [smem:$0x3FD9]  }
0x89: {  	s3 =	sld [smem:$0x3FFE];
	_ =	sdelay $0x1  }
0x8a: {  	s1 =	srdreg.scid  }
0x8b: {  	s0 =	sand.u32 $0x1, s1  }
0x8c: {  	s16 =	sshll.u32 s0, $0xA;
	s2 =	sadd.s32 s3, s2  }
0x8d: {  	s2 =	sadd.s32 s2, s16  }
0x8e: {  	[smem:$0x3FB9] =	sst s2  }
0x8f: {  	_ = 	snop  }
0x90: {  	(tm) =	ssettm $0x1  }
0x91: {  	s17 =	sld [smem:$0x3FFB];
	_ =	sdelay $0x3  }
0x92: {  	_ =	strace s17  }
0x93: {  	s2 =	sld [smem:$0x3FFC];
	_ =	sdelay $0x3  }
0x94: {  	_ =	strace s2  }
0x95: {  	s2 =	sld [smem:$0x3FFD];
	_ =	sdelay $0x3  }
0x96: {  	_ =	strace s2  }
0x97: {  	_ =	strace $0x8FFFFFFF  }
0x98: {  	s18 =	sld [smem:$0x3FDB];
	_ =	sdelay $0x1  }
0x99: {  	s19 =	simm.s32 $_scs_section_size  }
0x9a: {  	s4 =	simm.s32 $_size__tile_overlayer_lowered;
	s5 =	simm.s32 $_tile_overlayer_lowered  }
0x9b: {  	s22 =	simm.s32 $0x1BFF;
	s21 =	sshll.u32 s5, $0x1;
	s2 =	sadd.s32 s19, s18  }
0x9c: {  	s6 =	simm.s32 $0x0;
	s20 =	sshll.u32 s4, $0x1;
	s4 =	sadd.s32 s21, s2  }
0x9d: {  	[timem:s6], [sflag:s22] =	dma.local [hbm:s4], s20  }
0x9e: {  	_ =	swait.ge [sflag:s22], s20  }
0x9f: {  	s3 =	ssub.s32 $0x0, s20;
	[sflag:s22] =	ssyncset.done $0x0  }
0xa0: {  	[sflag:s22] =	ssyncadd.s32 s3;
	_ =	sdelay $0x1  }
0xa1: {  	s23 =	simm.s32 $0x1B8B  }
0xa2: {  	_ =	swait.ge [sflag:s23], $0x1  }
0xa3: {  	[sflag:s23] =	ssyncset.done $0x0  }
0xa4: {  	s25 =	simm.s32 $0x1B8E;
	s24 =	sld [smem:$0x3FFE];
	[sflag:s23] =	ssyncadd.s32 $0xFFFFFFFF  }
0xa5: {  	s26 =	simm.s32 $execute0_lowered;
	[smem:$0x3FD2] =	sst s25  }
0xa6: {  	s4 =	sshll.u32 s26, $0x1;
	_ =	strace $0x80000049;
	[dreg:$0x1] =	wrdreg $0xFFFFFFFF  }
0xa7: {  	s28 =	simm.s32 $_size_execute0_lowered;
	s2 =	sadd.s32 s2, s4;
	[dreg:$0x0] =	wrdreg $0x0  }
0xa8: {  	s4 =	sshll.u32 s28, $0x1;
	[dreg:$0x2] =	wrdreg s2  }
0xa9: {  	[dreg:$0x3] =	wrdreg s4  }
0xaa: {  	[dreg:$0x4] =	wrdreg $0xC0  }
0xab: {  	_ =	task [dreg:s6], $0x5FFFF  }
0xac: {  	[dreg:$0x1] =	wrdreg $0xFFFFFFFF  }
0xad: {  	[dreg:$0x0] =	wrdreg $0x60  }
0xae: {  	[dreg:$0x2] =	wrdreg s24  }
0xaf: {  	[dreg:$0x3] =	wrdreg $0x0  }
0xb0: {  	[dreg:$0x4] =	wrdreg $0x9  }
0xb1: {  	_ =	task.clear_ibuf [dreg:s6], $0x5FFFF;
	_ =	strace $0x90000049  }
0xb2: {  	s29 =	simm.s32 $0x9;
	_ =	strace $0x8000004B  }
0xb3: {  	_ =	swait.ge [sflag:s29], $0x1  }
0xb4: {  	[sflag:s29] =	ssyncadd.s32 $0xFFFFFFFF  }
0xb5: {  	_ =	strace $0x9000004B  }
0xb6: {  	_ =	sfence  }
0xb7: {  	s30 =	sld [smem:$0x0];
	_ =	sdelay $0x2  }
0xb8: {  	s31 =	sshll.u32 s1, $0xD;
	s1 =	sshrl.u32 s1, $0x2  }
0xb9: {  	s3 =	sand.u32 $0x4000, s31;
	s1 =	sadd.s32 s1, s30  }
0xba: {  	s0 =	sor.u32 s3, s0;
	s1 =	sshll.u32 s1, $0x11  }
0xbb: {  	s0 =	sor.u32 s1, s0  }
0xbc: {  	s0 =	sadd.s32 $0x8F2B, s0  }
0xbd: {  	[sflag:s0] =	ssyncadd.remote.s32 $0x1  }
0xbe: {  	_ =	sfence.sel $0xFFFF  }
0xbf: {  	[dreg:$0x0] =	wrdreg $0xFFFFFFFF;
	(pc) =	sbr.abs _section_cstart, $3  }
0xc0: {  	[dreg:$0x1] =	wrdreg $0xFFFFFFFF  }
0xc1: {  	_ =	task.clear_ibuf [dreg:s6], $0x2FFFF;
	_ =	strace $0x9FFFFFFF  }
0xc2: {  	(tm) =	ssettm $0x7FFFFFFF  }
0xc3: {  	_ =	shalt  }
tec
execute0_lowered:
.L_overlay_start_1:
0x0: {  	(tag) =	ssettag $0x1  }
0x1: {  	s0 =	rddreg [dreg:$0x0]  }
0x2: {  	s2 =	rddreg [dreg:$0x1];
	s3 =	simm.s32 $0x0  }
0x3: {  	s1 =	srdreg.scid;
	s15 =	stileid.u32;
	s16 =	simm.s32 $0x4  }
0x4: {  	s18 =	simm.s32 $0x13880;
	s19 =	simm.s32 $0x15480;
	s20 =	simm.s32 $0x50  }
0x5: {  	s21 =	simm.s32 $0x17080;
	s28 =	simm.s32 $0x2;
	s29 =	simm.s32 $0x3  }
0x6: {  	s30 =	simm.s32 $0x16C80;
	s31 =	simm.s32 $0x16D00;
	[smem:$0x7FF] =	sst s3  }
0x7: {  	s1 =	sand.u32 $0x1, s1;
	s7 =	smul.u32 $0x4E000, s15;
	s4 =	sadd.s32 $0x2200, s0  }
0x8: {  	s5 =	sadd.s32 $0xB0E00, s0;
	s10 =	smul.u32 $0x270, s15;
	s6 =	sadd.s32 $0x9F600, s0  }
0x9: {  	s0 =	sadd.s32 $0x50400, s0;
	s24 =	sshll.u32 s15, $0x6;
	s8 =	smul.u32 $0x2710, s1  }
0xa: {  	s17 =	sadd.s32 $0x138000, s2;
	p0 =	sne.s32 s15, $0xF;
	s22 =	smul.u32 $0x138800, s1  }
0xb: {  	_ =	strace $0x8000004A;
	s9 =	ssub.s32 $0x2, s1;
	s1 =	smul.u32 $0x8C000, s1  }
0xc: {  	s17 =	sshrl.u32 @!p0 s17, $0x3;
	s11 =	sshrl.u32 s9, $0x1;
	s7 =	sshrl.u32 s7, $0x2  }
0xd: {  	s8 =	sadd.s32 s10, s8;
	s14 =	ssub.s32 s9, s11;
	s7 =	sadd.s32 s7, s2  }
0xe: {  	s23 =	sshrl.u32 s22, $0x3;
	s9 =	sor.u32 $0x1C04, s24;
	s12 =	sshll.u32 s8, $0x4  }
0xf: {  	s22 =	simm.s32 $0x13900;
	s13 =	sadd.s32 $0x27000, s23;
	s8 =	sadd.s32 s4, s12  }
0x10: {  	s24 =	simm.s32 $0x1C080;
	s25 =	sadd.s32 s4, s13;
	[dreg:$0x3] =	wrdreg s8  }
0x11: {  	s14 =	smax.u32 s14, $0x1;
	s26 =	sadd.s32 s0, s12;
	[dreg:$0x4] =	wrdreg s25  }
0x12: {  	s0 =	sadd.s32 s0, s13;
	s8 =	smul.u32 $0x8C00, s15;
	[dreg:$0x5] =	wrdreg s26  }
0x13: {  	s23 =	simm.s32 $0x19880;
	[dreg:$0x6] =	wrdreg s0;
	s15 =	sshrl.u32 s7, $0x3  }
0x14: {  	s25 =	simm.s32 $0x1;
	s26 =	simm.s32 $0x5;
	s11 =	sadd.s32 s1, s8  }
.LBB2_1:
0x15: {  	s0 =	rddreg [dreg:$0x3]  }
0x16: {  	[spmem:s15], [sflag:s9] =	dma.local [hbm:s0], $0x2700  }
0x17: {  	_ =	swait.ge [sflag:s16], $0x2700  }
0x18: {  	[sflag:s16] =	ssyncset.done $0x0  }
0x19: {  	s0 =	rddreg [dreg:$0x4];
	[sflag:s16] =	ssyncadd.s32 $0xFFFFD900  }
0x1a: {  	[spmem:s17], [sflag:s9] =	dma.local @!p0 [hbm:s0], $0x100  }
0x1b: {  	s0 =	simm.s32 @!p0 $0x4  }
0x1c: {  	_ =	swait.ge @!p0 [sflag:s0], $0x100  }
0x1d: {  	[sflag:s0] =	ssyncset.done @!p0 $0x0  }
0x1e: {  	[sflag:s0] =	ssyncadd.s32 @!p0 $0xFFFFFF00  }
0x1f: {  	s0 =	simm.s32 $0x0;
	[bflag:$0x0] =	sbarrier.arrive $0xFFFF  }
.LBB2_2:
0x20: {  	s1 =	smul.u32 $0x1C00, s0;
	_ =	sdelay $0x1  }
0x21: {  	s7 =	sadd.s32 s11, s1  }
0x22: {  	s7 =	sshrl.u32 s7, $0x3  }
0x23: {  	s10 =	simm.s32 $0x0;
	s7 =	sadd.s32 s5, s7  }
0x24: {  	[tilespmem:s18], [sflag:$0x4] =	stream.linear.gather [hbm4b:s7+s10], $0x1900, $0x38;
	[tilespmem:$0x1E880] =	vst v63  }
0x25: {  	s1 =	sadd.s32 s8, s1;
	_ =	swait.ge [sflag:s16], $0x1900  }
0x26: {  	s1 =	sshrl.u32 s1, $0x3;
	[sflag:s16] =	ssyncset.done $0x0  }
0x27: {  	s1 =	sadd.s32 s6, s1;
	[sflag:s16] =	ssyncadd.s32 $0xFFFFE700  }
0x28: {  	[tilespmem:s19], [sflag:$0x4] =	stream.linear.gather [hbm4b:s1+s10], $0x1900, $0x38;
	[tilespmem:$0x1E880] =	vst v63  }
0x29: {  	_ =	swait.ge [sflag:s16], $0x1900  }
0x2a: {  	[sflag:s16] =	ssyncset.done $0x0  }
0x2b: {  	[sflag:s16] =	ssyncadd.s32 $0xFFFFE700  }
0x2c: {  	[tilespmem:s21], [sflag:$0x1] =	stream.indirect.gather [hbm4b:s4+s20], $0x80, s18, s20, $0xb8;
	[tilespmem:$0x1E880] =	vst v63  }
0x2d: {  	_ = 	snop  }
0x2e: {  	[tilespmem:s23], [sflag:$0x2] =	stream.indirect.gather [hbm4b:s4+s20], $0x80, s22, s20, $0xb8;
	[tilespmem:$0x1E880] =	vst v63  }
0x2f: {  	s12 =	simm.s32 $0x13980  }
0x30: {  	[tilespmem:s24], [sflag:$0x3] =	stream.indirect.gather [hbm4b:s4+s20], $0x80, s12, s20, $0xb8;
	[tilespmem:$0x1E880] =	vst v63  }
0x31: {  	_ =	swait.ge [sflag:s25], $0x2800  }
0x32: {  	[sflag:s25] =	ssyncset.done $0x0  }
0x33: {  	s13 =	simm.s32 $0x15480;
	[sflag:s25] =	ssyncadd.s32 $0xFFFFD800  }
0x34: {  	[spmem:s2] =	stream.indirect.scatter.add.f32 [tilespmem:s21], [sflag:$0x5], $0x80, s13, s20, $0xb8;
	[tilespmem:$0x1E880] =	vst v63  }
0x35: {  	_ =	swait.ge [sflag:s26], $0x2800  }
0x36: {  	[sflag:s26] =	ssyncset.done $0x0  }
0x37: {  	s7 =	simm.s32 $0x13A00;
	[sflag:s26] =	ssyncadd.s32 $0xFFFFD800  }
0x38: {  	[tilespmem:s21], [sflag:$0x1] =	stream.indirect.gather [hbm4b:s4+s20], $0x80, s7, s20, $0xb8;
	[tilespmem:$0x1E880] =	vst v63  }
0x39: {  	_ =	swait.ge [sflag:s28], $0x2800  }
0x3a: {  	[sflag:s28] =	ssyncset.done $0x0  }
0x3b: {  	s10 =	simm.s32 $0x15500;
	[sflag:s28] =	ssyncadd.s32 $0xFFFFD800  }
0x3c: {  	[spmem:s2] =	stream.indirect.scatter.add.f32 [tilespmem:s23], [sflag:$0x5], $0x80, s10, s20, $0xb8;
	[tilespmem:$0x1E880] =	vst v63  }
0x3d: {  	_ =	swait.ge [sflag:s26], $0x2800  }
0x3e: {  	[sflag:s26] =	ssyncset.done $0x0  }
0x3f: {  	s12 =	simm.s32 $0x13A80;
	[sflag:s26] =	ssyncadd.s32 $0xFFFFD800  }
0x40: {  	[tilespmem:s23], [sflag:$0x2] =	stream.indirect.gather [hbm4b:s4+s20], $0x80, s12, s20, $0xb8;
	[tilespmem:$0x1E880] =	vst v63  }
0x41: {  	_ =	swait.ge [sflag:s29], $0x2800  }
0x42: {  	[sflag:s29] =	ssyncset.done $0x0  }
0x43: {  	s13 =	simm.s32 $0x15580;
	[sflag:s29] =	ssyncadd.s32 $0xFFFFD800  }
0x44: {  	[spmem:s2] =	stream.indirect.scatter.add.f32 [tilespmem:s24], [sflag:$0x4], $0x80, s13, s20, $0xb8;
	[tilespmem:$0x1E880] =	vst v63  }
0x45: {  	_ =	swait.ge [sflag:s16], $0x2800  }
0x46: {  	s1 =	simm.s32 $0x180;
	s7 =	simm.s32 $0xC00;
	[sflag:s16] =	ssyncset.done $0x0  }
.LBB2_3:
0x47: {  	s10 =	sadd.s32 $0x13980, s1  }
0x48: {  	[sflag:s16] =	ssyncadd.s32 $0xFFFFD800;
	s12 =	smov.u32 s7;
	s13 =	sadd.s32 $0x600, s7  }
0x49: {  	[tilespmem:s24], [sflag:$0x3] =	stream.indirect.gather [hbm4b:s4+s20], $0x80, s10, s20, $0xb8;
	[tilespmem:$0x1E880] =	vst v63  }
0x4a: {  	p1 =	sne.s32 s7, $0x5A00;
	_ =	swait.ge [sflag:s25], $0x2800  }
0x4b: {  	[sflag:s25] =	ssyncset.done $0x0  }
0x4c: {  	s7 =	sadd.s32 $0x15480, s1;
	[sflag:s25] =	ssyncadd.s32 $0xFFFFD800  }
0x4d: {  	[spmem:s2] =	stream.indirect.scatter.add.f32 [tilespmem:s21], [sflag:$0x5], $0x80, s7, s20, $0xb8;
	[tilespmem:$0x1E880] =	vst v63  }
0x4e: {  	_ =	swait.ge [sflag:s26], $0x2800  }
0x4f: {  	[sflag:s26] =	ssyncset.done $0x0  }
0x50: {  	s7 =	sadd.s32 $0x13A00, s1;
	[sflag:s26] =	ssyncadd.s32 $0xFFFFD800  }
0x51: {  	[tilespmem:s21], [sflag:$0x1] =	stream.indirect.gather [hbm4b:s4+s20], $0x80, s7, s20, $0xb8;
	[tilespmem:$0x1E880] =	vst v63  }
0x52: {  	_ =	swait.ge [sflag:s28], $0x2800  }
0x53: {  	[sflag:s28] =	ssyncset.done $0x0  }
0x54: {  	s7 =	sadd.s32 $0x15500, s1;
	[sflag:s28] =	ssyncadd.s32 $0xFFFFD800  }
0x55: {  	[spmem:s2] =	stream.indirect.scatter.add.f32 [tilespmem:s23], [sflag:$0x5], $0x80, s7, s20, $0xb8;
	[tilespmem:$0x1E880] =	vst v63  }
0x56: {  	_ =	swait.ge [sflag:s26], $0x2800  }
0x57: {  	[sflag:s26] =	ssyncset.done $0x0  }
0x58: {  	s7 =	sadd.s32 $0x13A80, s1;
	[sflag:s26] =	ssyncadd.s32 $0xFFFFD800  }
0x59: {  	[tilespmem:s23], [sflag:$0x2] =	stream.indirect.gather [hbm4b:s4+s20], $0x80, s7, s20, $0xb8;
	[tilespmem:$0x1E880] =	vst v63  }
0x5a: {  	_ =	swait.ge [sflag:s29], $0x2800  }
.Ltmp0:
0x5b: {  	[sflag:s29] =	ssyncset.done $0x0;
	(pc) =	sbr.rel @p1 .LBB2_3-.Ltmp0, $4  }
0x5c: {  	s1 =	sadd.s32 $0x15580, s1;
	[sflag:s29] =	ssyncadd.s32 $0xFFFFD800  }
0x5d: {  	[spmem:s2] =	stream.indirect.scatter.add.f32 [tilespmem:s24], [sflag:$0x4], $0x80, s1, s20, $0xb8;
	[tilespmem:$0x1E880] =	vst v63  }
0x5e: {  	_ =	swait.ge [sflag:s16], $0x2800  }
0x5f: {  	s7 =	smov.u32 s13;
	s1 =	sshra.s32 s12, $0x2;
	[sflag:s16] =	ssyncset.done $0x0  }
0x60: {  	s7 =	sadd.s32 $0x13980, s1;
	[sflag:s16] =	ssyncadd.s32 $0xFFFFD800  }
0x61: {  	[tilespmem:s24], [sflag:$0x3] =	stream.indirect.gather [hbm4b:s4+s20], $0x80, s7, s20, $0xb8;
	[tilespmem:$0x1E880] =	vst v63  }
0x62: {  	_ =	swait.ge [sflag:s25], $0x2800  }
0x63: {  	[sflag:s25] =	ssyncset.done $0x0  }
0x64: {  	s12 =	sadd.s32 $0x15480, s1;
	[sflag:s25] =	ssyncadd.s32 $0xFFFFD800  }
0x65: {  	[spmem:s2] =	stream.indirect.scatter.add.f32 [tilespmem:s21], [sflag:$0x5], $0x80, s12, s20, $0xb8;
	[tilespmem:$0x1E880] =	vst v63  }
0x66: {  	_ =	swait.ge [sflag:s26], $0x2800  }
0x67: {  	[sflag:s26] =	ssyncset.done $0x0  }
0x68: {  	s13 =	sadd.s32 $0x13A00, s1;
	[sflag:s26] =	ssyncadd.s32 $0xFFFFD800  }
0x69: {  	[tilespmem:s21], [sflag:$0x1] =	stream.indirect.gather [hbm4b:s4+s20], $0x80, s13, s20, $0xb8;
	[tilespmem:$0x1E880] =	vst v63  }
0x6a: {  	_ =	swait.ge [sflag:s28], $0x2800  }
0x6b: {  	[sflag:s28] =	ssyncset.done $0x0  }
0x6c: {  	s10 =	sadd.s32 $0x15500, s1;
	[sflag:s28] =	ssyncadd.s32 $0xFFFFD800  }
0x6d: {  	[spmem:s2] =	stream.indirect.scatter.add.f32 [tilespmem:s23], [sflag:$0x5], $0x80, s10, s20, $0xb8;
	[tilespmem:$0x1E880] =	vst v63  }
0x6e: {  	_ =	swait.ge [sflag:s26], $0x2800  }
0x6f: {  	[sflag:s26] =	ssyncset.done $0x0  }
0x70: {  	s12 =	sadd.s32 $0x13A80, s1;
	[sflag:s26] =	ssyncadd.s32 $0xFFFFD800  }
0x71: {  	[tilespmem:s23], [sflag:$0x2] =	stream.indirect.gather [hbm4b:s4+s20], $0x80, s12, s20, $0xb8;
	[tilespmem:$0x1E880] =	vst v63  }
0x72: {  	_ =	swait.ge [sflag:s29], $0x2800  }
0x73: {  	[sflag:s29] =	ssyncset.done $0x0  }
0x74: {  	s13 =	sadd.s32 $0x15580, s1;
	[sflag:s29] =	ssyncadd.s32 $0xFFFFD800  }
0x75: {  	[spmem:s2] =	stream.indirect.scatter.add.f32 [tilespmem:s24], [sflag:$0x4], $0x80, s13, s20, $0xb8;
	[tilespmem:$0x1E880] =	vst v63  }
0x76: {  	_ =	swait.ge [sflag:s16], $0x2800  }
0x77: {  	[sflag:s16] =	ssyncset.done $0x0  }
0x78: {  	[sflag:s16] =	ssyncadd.s32 $0xFFFFD800  }
0x79: {  	_ =	swait.ge [sflag:s25], $0x2800  }
0x7a: {  	[sflag:s25] =	ssyncset.done $0x0  }
0x7b: {  	[sflag:s25] =	ssyncadd.s32 $0xFFFFD800  }
0x7c: {  	[spmem:s2] =	stream.indirect.scatter.add.f32 [tilespmem:s21], [sflag:$0x5], $0x80, s30, s20, $0xb8;
	[tilespmem:$0x1E880] =	vst v63  }
0x7d: {  	_ =	swait.ge [sflag:s26], $0x2800  }
0x7e: {  	[sflag:s26] =	ssyncset.done $0x0  }
0x7f: {  	[sflag:s26] =	ssyncadd.s32 $0xFFFFD800  }
0x80: {  	s0 =	sadd.s32 $0x1, s0;
	_ =	swait.ge [sflag:s28], $0x2800  }
0x81: {  	p1 =	sne.s32 s0, $0x5;
	[sflag:s28] =	ssyncset.done $0x0  }
.Ltmp1:
0x82: {  	[sflag:s28] =	ssyncadd.s32 $0xFFFFD800;
	(pc) =	sbr.rel @p1 .LBB2_2-.Ltmp1, $4  }
0x83: {  	[spmem:s2] =	stream.indirect.scatter.add.f32 [tilespmem:s23], [sflag:$0x5], $0x80, s31, s20, $0xb8;
	[tilespmem:$0x1E880] =	vst v63  }
0x84: {  	_ =	swait.ge [sflag:s26], $0x2800  }
0x85: {  	[sflag:s26] =	ssyncset.done $0x0  }
0x86: {  	[sflag:s26] =	ssyncadd.s32 $0xFFFFD800  }
0x87: {  	[bflag:$0x0] =	sbarrier.arrive $0xFFFF  }
0x88: {  	s0 =	rddreg [dreg:$0x5]  }
0x89: {  	[hbm:s0], [sflag:s9] =	dma.local [spmem:s15], $0x2700  }
0x8a: {  	_ =	swait.ge [sflag:s16], $0x2700  }
0x8b: {  	s3 =	sadd.s32 $0x1, s3;
	[sflag:s16] =	ssyncset.done $0x0  }
0x8c: {  	p1 =	sne.s32 s3, s14;
	s0 =	rddreg [dreg:$0x6];
	[sflag:s16] =	ssyncadd.s32 $0xFFFFD900  }
0x8d: {  	[hbm:s0], [sflag:s9] =	dma.local @!p0 [spmem:s17], $0x100  }
.Ltmp2:
0x8e: {  	_ = 	snop;
	(pc) =	sbr.rel @p1 .LBB2_1-.Ltmp2, $4  }
0x8f: {  	s0 =	simm.s32 @!p0 $0x4  }
0x90: {  	_ =	swait.ge @!p0 [sflag:s0], $0x100  }
0x91: {  	[sflag:s0] =	ssyncset.done @!p0 $0x0  }
0x92: {  	[sflag:s0] =	ssyncadd.s32 @!p0 $0xFFFFFF00  }
0x93: {  	_ =	sfence.sel $0x180000  }
0x94: {  	[bflag:$0x0] =	sbarrier.arrive $0xFFFF  }
0x95: {  	_ =	strace $0x9000004A  }
0x96: {  	s0 =	stileid.u32;
	[bflag:$0x2] =	sbarrier.arrive $0xFFFF  }
0x97: {  	p0 =	sne.s32 s0, $0x0;
	s0 =	rddreg [dreg:$0x2]  }
0x98: {  	s0 =	sadd.s32 @!p0 $0x100000, s0  }
0x99: {  	[sflag:s0] =	ssyncadd.tile.s32 @!p0 $0x1;
	_ =	shalt  }
.Lfunc_end2:
_tile_overlayer_lowered:
.L_overlay_start_2:
0x9a: {  	(tag) =	ssettag $0x2  }
0x9b: {  	s0 =	rddreg [dreg:$0x0];
	s2 =	stileid.u32  }
0x9c: {  	s1 =	rddreg [dreg:$0x1];
	p0 =	sne.s32 s2, $0x0  }
0x9d: {  	s3 =	rddreg [dreg:$0x2];
	[bflag:$0x3] =	sbarrier.arrive $0xFFFF;
	s2 =	simm.s32 @!p0 $0x1C04  }
0x9e: {  	[timem:s3], [sflag:s2] =	dma.local @!p0 [hbm:s0], s1  }
0x9f: {  	s0 =	simm.s32 @!p0 $0x4  }
0xa0: {  	_ =	swait.ge @!p0 [sflag:s0], s1  }
0xa1: {  	s1 =	ssub.s32 @!p0 $0x0, s1;
	[sflag:s0] =	ssyncset.done @!p0 $0x0  }
0xa2: {  	[sflag:s0] =	ssyncadd.s32 @!p0 s1  }
0xa3: {  	[bflag:$0x3] =	sbarrier.arrive $0xFFFF  }
0xa4: {  	_ =	shalt  }

// kernel: kernel.15.cloned.1.call-start
scs
__scs_entry_jumppad:
0x0: {  	(pc) =	sbr.rel $0x88, $3  }
0x1: {  	(tag) =	ssettag $0x0;
	lr =	simm.s32 $0x1  }
0x2: {  	[smem:$0x3F92] =	sst lr;
	_ =	strace $0xD0000000  }
0x3: {  	_ = 	snop  }
0x4: {  	_ = 	snop  }
0x5: {  	_ = 	snop  }
0x6: {  	_ = 	snop  }
0x7: {  	_ = 	snop  }
__scs_overlays_trampoline_lowered:
0x8: {  	[smem:$0x3FA1] =	sst s0  }
0x9: {  	[smem:$0x3FA2] =	sst s1  }
0xa: {  	[smem:$0x3FA3] =	sst s2  }
0xb: {  	[smem:$0x3FA4] =	sst s3  }
0xc: {  	[smem:$0x3FA5] =	sst s4  }
0xd: {  	[smem:$0x3FA6] =	sst s5  }
0xe: {  	[smem:$0x3FA7] =	sst s6  }
0xf: {  	[smem:$0x3FA8] =	sst s7  }
0x10: {  	[smem:$0x3FA9] =	sst s8  }
0x11: {  	[smem:$0x3FAA] =	sst s9;
	s0 =	simm.s32 @!p0 $0x0  }
0x12: {  	s1 =	sld [smem:$0x3F90];
	s0 =	simm.s32 @p0 $0x1  }
0x13: {  	[smem:$0x3FAB] =	sst s0;
	s0 =	simm.s32 @!p1 $0x0  }
0x14: {  	s2 =	sld [smem:$0x3F8F];
	s0 =	simm.s32 @p1 $0x1  }
0x15: {  	[smem:$0x3FAC] =	sst s0;
	s0 =	simm.s32 @!p2 $0x0  }
0x16: {  	s3 =	sld [smem:$0x3FDB];
	s0 =	simm.s32 @p2 $0x1  }
0x17: {  	s4 =	simm.s32 $0x1BF5;
	[smem:$0x3FAE] =	sst s0  }
0x18: {  	s0 =	sld [smem:$0x3F91];
	_ =	swait.ge [sflag:s4], $0x0  }
0x19: {  	s7 =	sld [smem:$0x3F92]  }
0x1a: {  	s8 =	sadd.s32 $0xFFFFE003, lr  }
0x1b: {  	s9 =	sadd.s32 $0xFFFFFEF7, lr;
	s5 =	simm.s32 $0xFFFFFFFF;
	p2 =	slt.u32 s8, $0xFFFFF086  }
0x1c: {  	p1 =	slt.u32 s9, $0xF7A;
	s5 =	simm.s32 @!p2 $0x0  }
0x1d: {  	s5 =	simm.s32 @p1 $0x1;
	p0 =	seq.s32 s7, s2  }
0x1e: {  	s7 =	smul.u32 @!p0 $0xF7A, s2;
	p2 =	seq.s32 @!p0 s5, $0x0  }
0x1f: {  	s9 =	smul.u32 $0xF7A, s1;
	s8 =	simm.s32 @!p0 $0x1BF5;
	p2 =	por !p2, p0  }
0x20: {  	[sflag:s8] =	ssyncset.s32 @!p0 $0xFFFFF086;
	s6 =	sadd.s32 @!p0 s3, s7;
	s7 =	simm.s32 @!p0 $0x108  }
0x21: {  	s3 =	sadd.s32 s3, s9;
	s6 =	sadd.s32 @!p0 $0x88, s6;
	s7 =	simm.s32 @p2 $0x1082  }
0x22: {  	[simem:s7], [sflag:s8] =	dma.local @!p0 [hbm:s6], $0xF7A  }
0x23: {  	s9 =	sor.u32 $0xD0000000, s2;
	s6 =	simm.s32 $0x108;
	_ =	swait.ge @!p0 [sflag:s8], $0x0  }
0x24: {  	s3 =	sadd.s32 $0x88, s3;
	s6 =	simm.s32 @!p1 $0x1082;
	[sflag:s4] =	ssyncset.s32 $0xFFFFF086  }
0x25: {  	[simem:s6], [sflag:s4] =	dma.local [hbm:s3], $0xF7A  }
0x26: {  	[smem:$0x3F92] =	sst s1;
	(tag) =	ssettag s2;
	_ =	strace s9  }
0x27: {  	s1 =	sld [smem:$0x3FA2]  }
0x28: {  	s2 =	sld [smem:$0x3FA3]  }
0x29: {  	s4 =	sld [smem:$0x3FA5]  }
0x2a: {  	p0 =	seq.s32 s5, $0x0;
	s5 =	sld [smem:$0x3FA6]  }
0x2b: {  	s6 =	sld [smem:$0x3FA7]  }
0x2c: {  	s7 =	sld [smem:$0x3FA8]  }
0x2d: {  	s3 =	simm.s32 $0x108;
	s8 =	sld [smem:$0x3FA9]  }
0x2e: {  	s3 =	simm.s32 @!p0 $0x1082;
	s9 =	sld [smem:$0x3FAA]  }
0x2f: {  	lr =	sadd.s32 s0, s3;
	s0 =	sld [smem:$0x3FA1]  }
0x30: {  	s3 =	sld [smem:$0x3FA4]  }
0x31: {  	[smem:$0x3FAD] =	sst s10  }
0x32: {  	s10 =	sld [smem:$0x3FAB];
	_ =	sdelay $0x3  }
0x33: {  	p0 =	seq.s32 s10, $0x1;
	s10 =	sld [smem:$0x3FAD];
	_ =	sdelay $0x3  }
0x34: {  	[smem:$0x3FAD] =	sst s10  }
0x35: {  	s10 =	sld [smem:$0x3FAC];
	_ =	sdelay $0x3  }
0x36: {  	p1 =	seq.s32 s10, $0x1;
	s10 =	sld [smem:$0x3FAD];
	_ =	sdelay $0x3  }
0x37: {  	[smem:$0x3FAD] =	sst s10  }
0x38: {  	s10 =	sld [smem:$0x3FAE]  }
0x39: {  	_ = 	snop;
	(pc) =	sbr.ind lr, $3  }
0x3a: {  	_ = 	snop  }
0x3b: {  	_ = 	snop  }
0x3c: {  	p2 =	seq.s32 s10, $0x1;
	s10 =	sld [smem:$0x3FAD]  }
0x3d: {  	_ =	shalt  }
0x3e: {  	_ =	shalt  }
0x3f: {  	_ =	shalt  }
0x40: {  	_ =	shalt  }
0x41: {  	_ =	shalt  }
0x42: {  	_ =	shalt  }
0x43: {  	_ =	shalt  }
0x44: {  	_ =	shalt  }
0x45: {  	_ =	shalt  }
0x46: {  	_ =	shalt  }
0x47: {  	_ =	shalt  }
0x48: {  	_ =	shalt  }
0x49: {  	_ =	shalt  }
0x4a: {  	_ =	shalt  }
0x4b: {  	_ =	shalt  }
0x4c: {  	_ =	shalt  }
0x4d: {  	_ =	shalt  }
0x4e: {  	_ =	shalt  }
0x4f: {  	_ =	shalt  }
0x50: {  	_ =	shalt  }
0x51: {  	_ =	shalt  }
0x52: {  	_ =	shalt  }
0x53: {  	_ =	shalt  }
0x54: {  	_ =	shalt  }
0x55: {  	_ =	shalt  }
0x56: {  	_ =	shalt  }
0x57: {  	_ =	shalt  }
0x58: {  	_ =	shalt  }
0x59: {  	_ =	shalt  }
0x5a: {  	_ =	shalt  }
0x5b: {  	_ =	shalt  }
0x5c: {  	_ =	shalt  }
0x5d: {  	_ =	shalt  }
0x5e: {  	_ =	shalt  }
0x5f: {  	_ =	shalt  }
0x60: {  	_ =	shalt  }
0x61: {  	_ =	shalt  }
0x62: {  	_ =	shalt  }
0x63: {  	_ =	shalt  }
0x64: {  	_ =	shalt  }
0x65: {  	_ =	shalt  }
0x66: {  	_ =	shalt  }
0x67: {  	_ =	shalt  }
0x68: {  	_ =	shalt  }
0x69: {  	_ =	shalt  }
0x6a: {  	_ =	shalt  }
0x6b: {  	_ =	shalt  }
0x6c: {  	_ =	shalt  }
0x6d: {  	_ =	shalt  }
0x6e: {  	_ =	shalt  }
0x6f: {  	_ =	shalt  }
0x70: {  	_ =	shalt  }
0x71: {  	_ =	shalt  }
0x72: {  	_ =	shalt  }
0x73: {  	_ =	shalt  }
0x74: {  	_ =	shalt  }
0x75: {  	_ =	shalt  }
0x76: {  	_ =	shalt  }
0x77: {  	_ =	shalt  }
0x78: {  	_ =	shalt  }
0x79: {  	_ =	shalt  }
0x7a: {  	_ =	shalt  }
0x7b: {  	_ =	shalt  }
0x7c: {  	_ =	shalt  }
0x7d: {  	_ =	shalt  }
0x7e: {  	_ =	shalt  }
0x7f: {  	_ =	shalt  }
0x80: {  	_ =	shalt  }
0x81: {  	_ =	shalt  }
0x82: {  	_ =	shalt  }
0x83: {  	_ =	shalt  }
0x84: {  	_ =	shalt  }
0x85: {  	_ =	shalt  }
0x86: {  	_ =	shalt  }
0x87: {  	_ =	shalt  }
.Lfunc_end0:
.L_simem_size_0:
called_computation.2_lowered:
.L_overlay_start_0:
0x88: {  	s2 =	sld [smem:$0x3FD9]  }
0x89: {  	s3 =	sld [smem:$0x3FFE];
	_ =	sdelay $0x1  }
0x8a: {  	s1 =	srdreg.scid  }
0x8b: {  	s0 =	sand.u32 $0x1, s1  }
0x8c: {  	s16 =	sshll.u32 s0, $0xA;
	s2 =	sadd.s32 s3, s2  }
0x8d: {  	s2 =	sadd.s32 s2, s16  }
0x8e: {  	[smem:$0x3FB9] =	sst s2  }
0x8f: {  	_ = 	snop  }
0x90: {  	(tm) =	ssettm $0x1  }
0x91: {  	s17 =	sld [smem:$0x3FFB];
	_ =	sdelay $0x3  }
0x92: {  	_ =	strace s17  }
0x93: {  	s2 =	sld [smem:$0x3FFC];
	_ =	sdelay $0x3  }
0x94: {  	_ =	strace s2  }
0x95: {  	s2 =	sld [smem:$0x3FFD];
	_ =	sdelay $0x3  }
0x96: {  	_ =	strace s2  }
0x97: {  	_ =	strace $0x8FFFFFFF  }
0x98: {  	s18 =	sld [smem:$0x3FDB];
	_ =	sdelay $0x1  }
0x99: {  	s19 =	simm.s32 $_scs_section_size  }
0x9a: {  	s4 =	simm.s32 $_size__tile_overlayer_lowered;
	s5 =	simm.s32 $_tile_overlayer_lowered  }
0x9b: {  	s22 =	simm.s32 $0x1BFF;
	s21 =	sshll.u32 s5, $0x1;
	s2 =	sadd.s32 s19, s18  }
0x9c: {  	s6 =	simm.s32 $0x0;
	s20 =	sshll.u32 s4, $0x1;
	s4 =	sadd.s32 s21, s2  }
0x9d: {  	[timem:s6], [sflag:s22] =	dma.local [hbm:s4], s20  }
0x9e: {  	_ =	swait.ge [sflag:s22], s20  }
0x9f: {  	s3 =	ssub.s32 $0x0, s20;
	[sflag:s22] =	ssyncset.done $0x0  }
0xa0: {  	[sflag:s22] =	ssyncadd.s32 s3;
	_ =	sdelay $0x1  }
0xa1: {  	s23 =	simm.s32 $0x1B8B  }
0xa2: {  	_ =	swait.ge [sflag:s23], $0x1  }
0xa3: {  	[sflag:s23] =	ssyncset.done $0x0  }
0xa4: {  	s25 =	simm.s32 $0x1B8E;
	s24 =	sld [smem:$0x3FFE];
	[sflag:s23] =	ssyncadd.s32 $0xFFFFFFFF  }
0xa5: {  	s26 =	simm.s32 $execute0_lowered;
	[smem:$0x3FD2] =	sst s25  }
0xa6: {  	s4 =	sshll.u32 s26, $0x1;
	_ =	strace $0x8000004C;
	[dreg:$0x1] =	wrdreg $0xFFFFFFFF  }
0xa7: {  	s28 =	simm.s32 $_size_execute0_lowered;
	s2 =	sadd.s32 s2, s4;
	[dreg:$0x0] =	wrdreg $0x0  }
0xa8: {  	s4 =	sshll.u32 s28, $0x1;
	[dreg:$0x2] =	wrdreg s2  }
0xa9: {  	[dreg:$0x3] =	wrdreg s4  }
0xaa: {  	[dreg:$0x4] =	wrdreg $0xC0  }
0xab: {  	_ =	task [dreg:s6], $0x5FFFF  }
0xac: {  	[dreg:$0x1] =	wrdreg $0xFFFFFFFF  }
0xad: {  	[dreg:$0x0] =	wrdreg $0x60  }
0xae: {  	[dreg:$0x2] =	wrdreg s24  }
0xaf: {  	[dreg:$0x3] =	wrdreg $0x0  }
0xb0: {  	[dreg:$0x4] =	wrdreg $0x9  }
0xb1: {  	_ =	task.clear_ibuf [dreg:s6], $0x5FFFF;
	_ =	strace $0x9000004C  }
0xb2: {  	s29 =	simm.s32 $0x9;
	_ =	strace $0x8000004E  }
0xb3: {  	_ =	swait.ge [sflag:s29], $0x1  }
0xb4: {  	[sflag:s29] =	ssyncadd.s32 $0xFFFFFFFF  }
0xb5: {  	_ =	strace $0x9000004E  }
0xb6: {  	_ =	sfence  }
0xb7: {  	s30 =	sld [smem:$0x0];
	_ =	sdelay $0x2  }
0xb8: {  	s31 =	sshll.u32 s1, $0xD;
	s1 =	sshrl.u32 s1, $0x2  }
0xb9: {  	s3 =	sand.u32 $0x4000, s31;
	s1 =	sadd.s32 s1, s30  }
0xba: {  	s0 =	sor.u32 s3, s0;
	s1 =	sshll.u32 s1, $0x11  }
0xbb: {  	s0 =	sor.u32 s1, s0  }
0xbc: {  	s0 =	sadd.s32 $0x8F2B, s0  }
0xbd: {  	[sflag:s0] =	ssyncadd.remote.s32 $0x1  }
0xbe: {  	_ =	sfence.sel $0xFFFF  }
0xbf: {  	[dreg:$0x0] =	wrdreg $0xFFFFFFFF;
	(pc) =	sbr.abs _section_cstart, $3  }
0xc0: {  	[dreg:$0x1] =	wrdreg $0xFFFFFFFF  }
0xc1: {  	_ =	task.clear_ibuf [dreg:s6], $0x2FFFF;
	_ =	strace $0x9FFFFFFF  }
0xc2: {  	(tm) =	ssettm $0x7FFFFFFF  }
0xc3: {  	_ =	shalt  }
tec
execute0_lowered:
.L_overlay_start_1:
0x0: {  	(tag) =	ssettag $0x1  }
0x1: {  	s0 =	rddreg [dreg:$0x0]  }
0x2: {  	s2 =	rddreg [dreg:$0x1];
	s3 =	simm.s32 $0x0  }
0x3: {  	s1 =	srdreg.scid;
	s15 =	stileid.u32;
	s16 =	simm.s32 $0x4  }
0x4: {  	s18 =	simm.s32 $0x13880;
	s19 =	simm.s32 $0x15480;
	s20 =	simm.s32 $0x50  }
0x5: {  	s21 =	simm.s32 $0x17080;
	s28 =	simm.s32 $0x2;
	s29 =	simm.s32 $0x3  }
0x6: {  	s30 =	simm.s32 $0x16C80;
	s31 =	simm.s32 $0x16D00;
	[smem:$0x7FF] =	sst s3  }
0x7: {  	s1 =	sand.u32 $0x1, s1;
	s7 =	smul.u32 $0x4E000, s15;
	s4 =	sadd.s32 $0x2200, s0  }
0x8: {  	s5 =	sadd.s32 $0xB0E00, s0;
	s10 =	smul.u32 $0x270, s15;
	s6 =	sadd.s32 $0x9F600, s0  }
0x9: {  	s0 =	sadd.s32 $0x50400, s0;
	s24 =	sshll.u32 s15, $0x6;
	s8 =	smul.u32 $0x2710, s1  }
0xa: {  	s17 =	sadd.s32 $0x138000, s2;
	p0 =	sne.s32 s15, $0xF;
	s22 =	smul.u32 $0x138800, s1  }
0xb: {  	_ =	strace $0x8000004D;
	s9 =	ssub.s32 $0x2, s1;
	s1 =	smul.u32 $0x8C000, s1  }
0xc: {  	s17 =	sshrl.u32 @!p0 s17, $0x3;
	s11 =	sshrl.u32 s9, $0x1;
	s7 =	sshrl.u32 s7, $0x2  }
0xd: {  	s8 =	sadd.s32 s10, s8;
	s14 =	ssub.s32 s9, s11;
	s7 =	sadd.s32 s7, s2  }
0xe: {  	s23 =	sshrl.u32 s22, $0x3;
	s9 =	sor.u32 $0x1C04, s24;
	s12 =	sshll.u32 s8, $0x4  }
0xf: {  	s22 =	simm.s32 $0x13900;
	s13 =	sadd.s32 $0x27000, s23;
	s8 =	sadd.s32 s4, s12  }
0x10: {  	s24 =	simm.s32 $0x1C080;
	s25 =	sadd.s32 s4, s13;
	[dreg:$0x3] =	wrdreg s8  }
0x11: {  	s14 =	smax.u32 s14, $0x1;
	s26 =	sadd.s32 s0, s12;
	[dreg:$0x4] =	wrdreg s25  }
0x12: {  	s0 =	sadd.s32 s0, s13;
	s8 =	smul.u32 $0x8C00, s15;
	[dreg:$0x5] =	wrdreg s26  }
0x13: {  	s23 =	simm.s32 $0x19880;
	[dreg:$0x6] =	wrdreg s0;
	s15 =	sshrl.u32 s7, $0x3  }
0x14: {  	s25 =	simm.s32 $0x1;
	s26 =	simm.s32 $0x5;
	s11 =	sadd.s32 s1, s8  }
.LBB2_1:
0x15: {  	s0 =	rddreg [dreg:$0x3]  }
0x16: {  	[spmem:s15], [sflag:s9] =	dma.local [hbm:s0], $0x2700  }
0x17: {  	_ =	swait.ge [sflag:s16], $0x2700  }
0x18: {  	[sflag:s16] =	ssyncset.done $0x0  }
0x19: {  	s0 =	rddreg [dreg:$0x4];
	[sflag:s16] =	ssyncadd.s32 $0xFFFFD900  }
0x1a: {  	[spmem:s17], [sflag:s9] =	dma.local @!p0 [hbm:s0], $0x100  }
0x1b: {  	s0 =	simm.s32 @!p0 $0x4  }
0x1c: {  	_ =	swait.ge @!p0 [sflag:s0], $0x100  }
0x1d: {  	[sflag:s0] =	ssyncset.done @!p0 $0x0  }
0x1e: {  	[sflag:s0] =	ssyncadd.s32 @!p0 $0xFFFFFF00  }
0x1f: {  	s0 =	simm.s32 $0x0;
	[bflag:$0x0] =	sbarrier.arrive $0xFFFF  }
.LBB2_2:
0x20: {  	s1 =	smul.u32 $0x1C00, s0;
	_ =	sdelay $0x1  }
0x21: {  	s7 =	sadd.s32 s11, s1  }
0x22: {  	s7 =	sshrl.u32 s7, $0x3  }
0x23: {  	s10 =	simm.s32 $0x0;
	s7 =	sadd.s32 s5, s7  }
0x24: {  	[tilespmem:s18], [sflag:$0x4] =	stream.linear.gather [hbm4b:s7+s10], $0x1900, $0x38;
	[tilespmem:$0x1E880] =	vst v63  }
0x25: {  	s1 =	sadd.s32 s8, s1;
	_ =	swait.ge [sflag:s16], $0x1900  }
0x26: {  	s1 =	sshrl.u32 s1, $0x3;
	[sflag:s16] =	ssyncset.done $0x0  }
0x27: {  	s1 =	sadd.s32 s6, s1;
	[sflag:s16] =	ssyncadd.s32 $0xFFFFE700  }
0x28: {  	[tilespmem:s19], [sflag:$0x4] =	stream.linear.gather [hbm4b:s1+s10], $0x1900, $0x38;
	[tilespmem:$0x1E880] =	vst v63  }
0x29: {  	_ =	swait.ge [sflag:s16], $0x1900  }
0x2a: {  	[sflag:s16] =	ssyncset.done $0x0  }
0x2b: {  	[sflag:s16] =	ssyncadd.s32 $0xFFFFE700  }
0x2c: {  	[tilespmem:s21], [sflag:$0x1] =	stream.indirect.gather [hbm4b:s4+s20], $0x80, s18, s20, $0xb8;
	[tilespmem:$0x1E880] =	vst v63  }
0x2d: {  	_ = 	snop  }
0x2e: {  	[tilespmem:s23], [sflag:$0x2] =	stream.indirect.gather [hbm4b:s4+s20], $0x80, s22, s20, $0xb8;
	[tilespmem:$0x1E880] =	vst v63  }
0x2f: {  	s12 =	simm.s32 $0x13980  }
0x30: {  	[tilespmem:s24], [sflag:$0x3] =	stream.indirect.gather [hbm4b:s4+s20], $0x80, s12, s20, $0xb8;
	[tilespmem:$0x1E880] =	vst v63  }
0x31: {  	_ =	swait.ge [sflag:s25], $0x2800  }
0x32: {  	[sflag:s25] =	ssyncset.done $0x0  }
0x33: {  	s13 =	simm.s32 $0x15480;
	[sflag:s25] =	ssyncadd.s32 $0xFFFFD800  }
0x34: {  	[spmem:s2] =	stream.indirect.scatter.add.f32 [tilespmem:s21], [sflag:$0x5], $0x80, s13, s20, $0xb8;
	[tilespmem:$0x1E880] =	vst v63  }
0x35: {  	_ =	swait.ge [sflag:s26], $0x2800  }
0x36: {  	[sflag:s26] =	ssyncset.done $0x0  }
0x37: {  	s7 =	simm.s32 $0x13A00;
	[sflag:s26] =	ssyncadd.s32 $0xFFFFD800  }
0x38: {  	[tilespmem:s21], [sflag:$0x1] =	stream.indirect.gather [hbm4b:s4+s20], $0x80, s7, s20, $0xb8;
	[tilespmem:$0x1E880] =	vst v63  }
0x39: {  	_ =	swait.ge [sflag:s28], $0x2800  }
0x3a: {  	[sflag:s28] =	ssyncset.done $0x0  }
0x3b: {  	s10 =	simm.s32 $0x15500;
	[sflag:s28] =	ssyncadd.s32 $0xFFFFD800  }
0x3c: {  	[spmem:s2] =	stream.indirect.scatter.add.f32 [tilespmem:s23], [sflag:$0x5], $0x80, s10, s20, $0xb8;
	[tilespmem:$0x1E880] =	vst v63  }
0x3d: {  	_ =	swait.ge [sflag:s26], $0x2800  }
0x3e: {  	[sflag:s26] =	ssyncset.done $0x0  }
0x3f: {  	s12 =	simm.s32 $0x13A80;
	[sflag:s26] =	ssyncadd.s32 $0xFFFFD800  }
0x40: {  	[tilespmem:s23], [sflag:$0x2] =	stream.indirect.gather [hbm4b:s4+s20], $0x80, s12, s20, $0xb8;
	[tilespmem:$0x1E880] =	vst v63  }
0x41: {  	_ =	swait.ge [sflag:s29], $0x2800  }
0x42: {  	[sflag:s29] =	ssyncset.done $0x0  }
0x43: {  	s13 =	simm.s32 $0x15580;
	[sflag:s29] =	ssyncadd.s32 $0xFFFFD800  }
0x44: {  	[spmem:s2] =	stream.indirect.scatter.add.f32 [tilespmem:s24], [sflag:$0x4], $0x80, s13, s20, $0xb8;
	[tilespmem:$0x1E880] =	vst v63  }
0x45: {  	_ =	swait.ge [sflag:s16], $0x2800  }
0x46: {  	s1 =	simm.s32 $0x180;
	s7 =	simm.s32 $0xC00;
	[sflag:s16] =	ssyncset.done $0x0  }
.LBB2_3:
0x47: {  	s10 =	sadd.s32 $0x13980, s1  }
0x48: {  	[sflag:s16] =	ssyncadd.s32 $0xFFFFD800;
	s12 =	smov.u32 s7;
	s13 =	sadd.s32 $0x600, s7  }
0x49: {  	[tilespmem:s24], [sflag:$0x3] =	stream.indirect.gather [hbm4b:s4+s20], $0x80, s10, s20, $0xb8;
	[tilespmem:$0x1E880] =	vst v63  }
0x4a: {  	p1 =	sne.s32 s7, $0x5A00;
	_ =	swait.ge [sflag:s25], $0x2800  }
0x4b: {  	[sflag:s25] =	ssyncset.done $0x0  }
0x4c: {  	s7 =	sadd.s32 $0x15480, s1;
	[sflag:s25] =	ssyncadd.s32 $0xFFFFD800  }
0x4d: {  	[spmem:s2] =	stream.indirect.scatter.add.f32 [tilespmem:s21], [sflag:$0x5], $0x80, s7, s20, $0xb8;
	[tilespmem:$0x1E880] =	vst v63  }
0x4e: {  	_ =	swait.ge [sflag:s26], $0x2800  }
0x4f: {  	[sflag:s26] =	ssyncset.done $0x0  }
0x50: {  	s7 =	sadd.s32 $0x13A00, s1;
	[sflag:s26] =	ssyncadd.s32 $0xFFFFD800  }
0x51: {  	[tilespmem:s21], [sflag:$0x1] =	stream.indirect.gather [hbm4b:s4+s20], $0x80, s7, s20, $0xb8;
	[tilespmem:$0x1E880] =	vst v63  }
0x52: {  	_ =	swait.ge [sflag:s28], $0x2800  }
0x53: {  	[sflag:s28] =	ssyncset.done $0x0  }
0x54: {  	s7 =	sadd.s32 $0x15500, s1;
	[sflag:s28] =	ssyncadd.s32 $0xFFFFD800  }
0x55: {  	[spmem:s2] =	stream.indirect.scatter.add.f32 [tilespmem:s23], [sflag:$0x5], $0x80, s7, s20, $0xb8;
	[tilespmem:$0x1E880] =	vst v63  }
0x56: {  	_ =	swait.ge [sflag:s26], $0x2800  }
0x57: {  	[sflag:s26] =	ssyncset.done $0x0  }
0x58: {  	s7 =	sadd.s32 $0x13A80, s1;
	[sflag:s26] =	ssyncadd.s32 $0xFFFFD800  }
0x59: {  	[tilespmem:s23], [sflag:$0x2] =	stream.indirect.gather [hbm4b:s4+s20], $0x80, s7, s20, $0xb8;
	[tilespmem:$0x1E880] =	vst v63  }
0x5a: {  	_ =	swait.ge [sflag:s29], $0x2800  }
.Ltmp0:
0x5b: {  	[sflag:s29] =	ssyncset.done $0x0;
	(pc) =	sbr.rel @p1 .LBB2_3-.Ltmp0, $4  }
0x5c: {  	s1 =	sadd.s32 $0x15580, s1;
	[sflag:s29] =	ssyncadd.s32 $0xFFFFD800  }
0x5d: {  	[spmem:s2] =	stream.indirect.scatter.add.f32 [tilespmem:s24], [sflag:$0x4], $0x80, s1, s20, $0xb8;
	[tilespmem:$0x1E880] =	vst v63  }
0x5e: {  	_ =	swait.ge [sflag:s16], $0x2800  }
0x5f: {  	s7 =	smov.u32 s13;
	s1 =	sshra.s32 s12, $0x2;
	[sflag:s16] =	ssyncset.done $0x0  }
0x60: {  	s7 =	sadd.s32 $0x13980, s1;
	[sflag:s16] =	ssyncadd.s32 $0xFFFFD800  }
0x61: {  	[tilespmem:s24], [sflag:$0x3] =	stream.indirect.gather [hbm4b:s4+s20], $0x80, s7, s20, $0xb8;
	[tilespmem:$0x1E880] =	vst v63  }
0x62: {  	_ =	swait.ge [sflag:s25], $0x2800  }
0x63: {  	[sflag:s25] =	ssyncset.done $0x0  }
0x64: {  	s12 =	sadd.s32 $0x15480, s1;
	[sflag:s25] =	ssyncadd.s32 $0xFFFFD800  }
0x65: {  	[spmem:s2] =	stream.indirect.scatter.add.f32 [tilespmem:s21], [sflag:$0x5], $0x80, s12, s20, $0xb8;
	[tilespmem:$0x1E880] =	vst v63  }
0x66: {  	_ =	swait.ge [sflag:s26], $0x2800  }
0x67: {  	[sflag:s26] =	ssyncset.done $0x0  }
0x68: {  	s13 =	sadd.s32 $0x13A00, s1;
	[sflag:s26] =	ssyncadd.s32 $0xFFFFD800  }
0x69: {  	[tilespmem:s21], [sflag:$0x1] =	stream.indirect.gather [hbm4b:s4+s20], $0x80, s13, s20, $0xb8;
	[tilespmem:$0x1E880] =	vst v63  }
0x6a: {  	_ =	swait.ge [sflag:s28], $0x2800  }
0x6b: {  	[sflag:s28] =	ssyncset.done $0x0  }
0x6c: {  	s10 =	sadd.s32 $0x15500, s1;
	[sflag:s28] =	ssyncadd.s32 $0xFFFFD800  }
0x6d: {  	[spmem:s2] =	stream.indirect.scatter.add.f32 [tilespmem:s23], [sflag:$0x5], $0x80, s10, s20, $0xb8;
	[tilespmem:$0x1E880] =	vst v63  }
0x6e: {  	_ =	swait.ge [sflag:s26], $0x2800  }
0x6f: {  	[sflag:s26] =	ssyncset.done $0x0  }
0x70: {  	s12 =	sadd.s32 $0x13A80, s1;
	[sflag:s26] =	ssyncadd.s32 $0xFFFFD800  }
0x71: {  	[tilespmem:s23], [sflag:$0x2] =	stream.indirect.gather [hbm4b:s4+s20], $0x80, s12, s20, $0xb8;
	[tilespmem:$0x1E880] =	vst v63  }
0x72: {  	_ =	swait.ge [sflag:s29], $0x2800  }
0x73: {  	[sflag:s29] =	ssyncset.done $0x0  }
0x74: {  	s13 =	sadd.s32 $0x15580, s1;
	[sflag:s29] =	ssyncadd.s32 $0xFFFFD800  }
0x75: {  	[spmem:s2] =	stream.indirect.scatter.add.f32 [tilespmem:s24], [sflag:$0x4], $0x80, s13, s20, $0xb8;
	[tilespmem:$0x1E880] =	vst v63  }
0x76: {  	_ =	swait.ge [sflag:s16], $0x2800  }
0x77: {  	[sflag:s16] =	ssyncset.done $0x0  }
0x78: {  	[sflag:s16] =	ssyncadd.s32 $0xFFFFD800  }
0x79: {  	_ =	swait.ge [sflag:s25], $0x2800  }
0x7a: {  	[sflag:s25] =	ssyncset.done $0x0  }
0x7b: {  	[sflag:s25] =	ssyncadd.s32 $0xFFFFD800  }
0x7c: {  	[spmem:s2] =	stream.indirect.scatter.add.f32 [tilespmem:s21], [sflag:$0x5], $0x80, s30, s20, $0xb8;
	[tilespmem:$0x1E880] =	vst v63  }
0x7d: {  	_ =	swait.ge [sflag:s26], $0x2800  }
0x7e: {  	[sflag:s26] =	ssyncset.done $0x0  }
0x7f: {  	[sflag:s26] =	ssyncadd.s32 $0xFFFFD800  }
0x80: {  	s0 =	sadd.s32 $0x1, s0;
	_ =	swait.ge [sflag:s28], $0x2800  }
0x81: {  	p1 =	sne.s32 s0, $0x5;
	[sflag:s28] =	ssyncset.done $0x0  }
.Ltmp1:
0x82: {  	[sflag:s28] =	ssyncadd.s32 $0xFFFFD800;
	(pc) =	sbr.rel @p1 .LBB2_2-.Ltmp1, $4  }
0x83: {  	[spmem:s2] =	stream.indirect.scatter.add.f32 [tilespmem:s23], [sflag:$0x5], $0x80, s31, s20, $0xb8;
	[tilespmem:$0x1E880] =	vst v63  }
0x84: {  	_ =	swait.ge [sflag:s26], $0x2800  }
0x85: {  	[sflag:s26] =	ssyncset.done $0x0  }
0x86: {  	[sflag:s26] =	ssyncadd.s32 $0xFFFFD800  }
0x87: {  	[bflag:$0x0] =	sbarrier.arrive $0xFFFF  }
0x88: {  	s0 =	rddreg [dreg:$0x5]  }
0x89: {  	[hbm:s0], [sflag:s9] =	dma.local [spmem:s15], $0x2700  }
0x8a: {  	_ =	swait.ge [sflag:s16], $0x2700  }
0x8b: {  	s3 =	sadd.s32 $0x1, s3;
	[sflag:s16] =	ssyncset.done $0x0  }
0x8c: {  	p1 =	sne.s32 s3, s14;
	s0 =	rddreg [dreg:$0x6];
	[sflag:s16] =	ssyncadd.s32 $0xFFFFD900  }
0x8d: {  	[hbm:s0], [sflag:s9] =	dma.local @!p0 [spmem:s17], $0x100  }
.Ltmp2:
0x8e: {  	_ = 	snop;
	(pc) =	sbr.rel @p1 .LBB2_1-.Ltmp2, $4  }
0x8f: {  	s0 =	simm.s32 @!p0 $0x4  }
0x90: {  	_ =	swait.ge @!p0 [sflag:s0], $0x100  }
0x91: {  	[sflag:s0] =	ssyncset.done @!p0 $0x0  }
0x92: {  	[sflag:s0] =	ssyncadd.s32 @!p0 $0xFFFFFF00  }
0x93: {  	_ =	sfence.sel $0x180000  }
0x94: {  	[bflag:$0x0] =	sbarrier.arrive $0xFFFF  }
0x95: {  	_ =	strace $0x9000004D  }
0x96: {  	s0 =	stileid.u32;
	[bflag:$0x2] =	sbarrier.arrive $0xFFFF  }
0x97: {  	p0 =	sne.s32 s0, $0x0;
	s0 =	rddreg [dreg:$0x2]  }
0x98: {  	s0 =	sadd.s32 @!p0 $0x100000, s0  }
0x99: {  	[sflag:s0] =	ssyncadd.tile.s32 @!p0 $0x1;
	_ =	shalt  }
.Lfunc_end2:
_tile_overlayer_lowered:
.L_overlay_start_2:
0x9a: {  	(tag) =	ssettag $0x2  }
0x9b: {  	s0 =	rddreg [dreg:$0x0];
	s2 =	stileid.u32  }
0x9c: {  	s1 =	rddreg [dreg:$0x1];
	p0 =	sne.s32 s2, $0x0  }
0x9d: {  	s3 =	rddreg [dreg:$0x2];
	[bflag:$0x3] =	sbarrier.arrive $0xFFFF;
	s2 =	simm.s32 @!p0 $0x1C04  }
0x9e: {  	[timem:s3], [sflag:s2] =	dma.local @!p0 [hbm:s0], s1  }
0x9f: {  	s0 =	simm.s32 @!p0 $0x4  }
0xa0: {  	_ =	swait.ge @!p0 [sflag:s0], s1  }
0xa1: {  	s1 =	ssub.s32 @!p0 $0x0, s1;
	[sflag:s0] =	ssyncset.done @!p0 $0x0  }
0xa2: {  	[sflag:s0] =	ssyncadd.s32 @!p0 s1  }
0xa3: {  	[bflag:$0x3] =	sbarrier.arrive $0xFFFF  }
0xa4: {  	_ =	shalt  }

// kernel: kernel.9.cloned.1.call-start
scs
__scs_entry_jumppad:
0x0: {  	(pc) =	sbr.rel $0x88, $3  }
0x1: {  	(tag) =	ssettag $0x0;
	lr =	simm.s32 $0x1  }
0x2: {  	[smem:$0x3F92] =	sst lr;
	_ =	strace $0xD0000000  }
0x3: {  	_ = 	snop  }
0x4: {  	_ = 	snop  }
0x5: {  	_ = 	snop  }
0x6: {  	_ = 	snop  }
0x7: {  	_ = 	snop  }
__scs_overlays_trampoline_lowered:
0x8: {  	[smem:$0x3FA1] =	sst s0  }
0x9: {  	[smem:$0x3FA2] =	sst s1  }
0xa: {  	[smem:$0x3FA3] =	sst s2  }
0xb: {  	[smem:$0x3FA4] =	sst s3  }
0xc: {  	[smem:$0x3FA5] =	sst s4  }
0xd: {  	[smem:$0x3FA6] =	sst s5  }
0xe: {  	[smem:$0x3FA7] =	sst s6  }
0xf: {  	[smem:$0x3FA8] =	sst s7  }
0x10: {  	[smem:$0x3FA9] =	sst s8  }
0x11: {  	[smem:$0x3FAA] =	sst s9;
	s0 =	simm.s32 @!p0 $0x0  }
0x12: {  	s1 =	sld [smem:$0x3F90];
	s0 =	simm.s32 @p0 $0x1  }
0x13: {  	[smem:$0x3FAB] =	sst s0;
	s0 =	simm.s32 @!p1 $0x0  }
0x14: {  	s2 =	sld [smem:$0x3F8F];
	s0 =	simm.s32 @p1 $0x1  }
0x15: {  	[smem:$0x3FAC] =	sst s0;
	s0 =	simm.s32 @!p2 $0x0  }
0x16: {  	s3 =	sld [smem:$0x3FDB];
	s0 =	simm.s32 @p2 $0x1  }
0x17: {  	s4 =	simm.s32 $0x1BF5;
	[smem:$0x3FAE] =	sst s0  }
0x18: {  	s0 =	sld [smem:$0x3F91];
	_ =	swait.ge [sflag:s4], $0x0  }
0x19: {  	s7 =	sld [smem:$0x3F92]  }
0x1a: {  	s8 =	sadd.s32 $0xFFFFE003, lr  }
0x1b: {  	s9 =	sadd.s32 $0xFFFFFEF7, lr;
	s5 =	simm.s32 $0xFFFFFFFF;
	p2 =	slt.u32 s8, $0xFFFFF086  }
0x1c: {  	p1 =	slt.u32 s9, $0xF7A;
	s5 =	simm.s32 @!p2 $0x0  }
0x1d: {  	s5 =	simm.s32 @p1 $0x1;
	p0 =	seq.s32 s7, s2  }
0x1e: {  	s7 =	smul.u32 @!p0 $0xF7A, s2;
	p2 =	seq.s32 @!p0 s5, $0x0  }
0x1f: {  	s9 =	smul.u32 $0xF7A, s1;
	s8 =	simm.s32 @!p0 $0x1BF5;
	p2 =	por !p2, p0  }
0x20: {  	[sflag:s8] =	ssyncset.s32 @!p0 $0xFFFFF086;
	s6 =	sadd.s32 @!p0 s3, s7;
	s7 =	simm.s32 @!p0 $0x108  }
0x21: {  	s3 =	sadd.s32 s3, s9;
	s6 =	sadd.s32 @!p0 $0x88, s6;
	s7 =	simm.s32 @p2 $0x1082  }
0x22: {  	[simem:s7], [sflag:s8] =	dma.local @!p0 [hbm:s6], $0xF7A  }
0x23: {  	s9 =	sor.u32 $0xD0000000, s2;
	s6 =	simm.s32 $0x108;
	_ =	swait.ge @!p0 [sflag:s8], $0x0  }
0x24: {  	s3 =	sadd.s32 $0x88, s3;
	s6 =	simm.s32 @!p1 $0x1082;
	[sflag:s4] =	ssyncset.s32 $0xFFFFF086  }
0x25: {  	[simem:s6], [sflag:s4] =	dma.local [hbm:s3], $0xF7A  }
0x26: {  	[smem:$0x3F92] =	sst s1;
	(tag) =	ssettag s2;
	_ =	strace s9  }
0x27: {  	s1 =	sld [smem:$0x3FA2]  }
0x28: {  	s2 =	sld [smem:$0x3FA3]  }
0x29: {  	s4 =	sld [smem:$0x3FA5]  }
0x2a: {  	p0 =	seq.s32 s5, $0x0;
	s5 =	sld [smem:$0x3FA6]  }
0x2b: {  	s6 =	sld [smem:$0x3FA7]  }
0x2c: {  	s7 =	sld [smem:$0x3FA8]  }
0x2d: {  	s3 =	simm.s32 $0x108;
	s8 =	sld [smem:$0x3FA9]  }
0x2e: {  	s3 =	simm.s32 @!p0 $0x1082;
	s9 =	sld [smem:$0x3FAA]  }
0x2f: {  	lr =	sadd.s32 s0, s3;
	s0 =	sld [smem:$0x3FA1]  }
0x30: {  	s3 =	sld [smem:$0x3FA4]  }
0x31: {  	[smem:$0x3FAD] =	sst s10  }
0x32: {  	s10 =	sld [smem:$0x3FAB];
	_ =	sdelay $0x3  }
0x33: {  	p0 =	seq.s32 s10, $0x1;
	s10 =	sld [smem:$0x3FAD];
	_ =	sdelay $0x3  }
0x34: {  	[smem:$0x3FAD] =	sst s10  }
0x35: {  	s10 =	sld [smem:$0x3FAC];
	_ =	sdelay $0x3  }
0x36: {  	p1 =	seq.s32 s10, $0x1;
	s10 =	sld [smem:$0x3FAD];
	_ =	sdelay $0x3  }
0x37: {  	[smem:$0x3FAD] =	sst s10  }
0x38: {  	s10 =	sld [smem:$0x3FAE]  }
0x39: {  	_ = 	snop;
	(pc) =	sbr.ind lr, $3  }
0x3a: {  	_ = 	snop  }
0x3b: {  	_ = 	snop  }
0x3c: {  	p2 =	seq.s32 s10, $0x1;
	s10 =	sld [smem:$0x3FAD]  }
0x3d: {  	_ =	shalt  }
0x3e: {  	_ =	shalt  }
0x3f: {  	_ =	shalt  }
0x40: {  	_ =	shalt  }
0x41: {  	_ =	shalt  }
0x42: {  	_ =	shalt  }
0x43: {  	_ =	shalt  }
0x44: {  	_ =	shalt  }
0x45: {  	_ =	shalt  }
0x46: {  	_ =	shalt  }
0x47: {  	_ =	shalt  }
0x48: {  	_ =	shalt  }
0x49: {  	_ =	shalt  }
0x4a: {  	_ =	shalt  }
0x4b: {  	_ =	shalt  }
0x4c: {  	_ =	shalt  }
0x4d: {  	_ =	shalt  }
0x4e: {  	_ =	shalt  }
0x4f: {  	_ =	shalt  }
0x50: {  	_ =	shalt  }
0x51: {  	_ =	shalt  }
0x52: {  	_ =	shalt  }
0x53: {  	_ =	shalt  }
0x54: {  	_ =	shalt  }
0x55: {  	_ =	shalt  }
0x56: {  	_ =	shalt  }
0x57: {  	_ =	shalt  }
0x58: {  	_ =	shalt  }
0x59: {  	_ =	shalt  }
0x5a: {  	_ =	shalt  }
0x5b: {  	_ =	shalt  }
0x5c: {  	_ =	shalt  }
0x5d: {  	_ =	shalt  }
0x5e: {  	_ =	shalt  }
0x5f: {  	_ =	shalt  }
0x60: {  	_ =	shalt  }
0x61: {  	_ =	shalt  }
0x62: {  	_ =	shalt  }
0x63: {  	_ =	shalt  }
0x64: {  	_ =	shalt  }
0x65: {  	_ =	shalt  }
0x66: {  	_ =	shalt  }
0x67: {  	_ =	shalt  }
0x68: {  	_ =	shalt  }
0x69: {  	_ =	shalt  }
0x6a: {  	_ =	shalt  }
0x6b: {  	_ =	shalt  }
0x6c: {  	_ =	shalt  }
0x6d: {  	_ =	shalt  }
0x6e: {  	_ =	shalt  }
0x6f: {  	_ =	shalt  }
0x70: {  	_ =	shalt  }
0x71: {  	_ =	shalt  }
0x72: {  	_ =	shalt  }
0x73: {  	_ =	shalt  }
0x74: {  	_ =	shalt  }
0x75: {  	_ =	shalt  }
0x76: {  	_ =	shalt  }
0x77: {  	_ =	shalt  }
0x78: {  	_ =	shalt  }
0x79: {  	_ =	shalt  }
0x7a: {  	_ =	shalt  }
0x7b: {  	_ =	shalt  }
0x7c: {  	_ =	shalt  }
0x7d: {  	_ =	shalt  }
0x7e: {  	_ =	shalt  }
0x7f: {  	_ =	shalt  }
0x80: {  	_ =	shalt  }
0x81: {  	_ =	shalt  }
0x82: {  	_ =	shalt  }
0x83: {  	_ =	shalt  }
0x84: {  	_ =	shalt  }
0x85: {  	_ =	shalt  }
0x86: {  	_ =	shalt  }
0x87: {  	_ =	shalt  }
.Lfunc_end0:
.L_simem_size_0:
called_computation_lowered:
.L_overlay_start_0:
0x88: {  	s2 =	sld [smem:$0x3FD9]  }
0x89: {  	s3 =	sld [smem:$0x3FFE];
	_ =	sdelay $0x1  }
0x8a: {  	s1 =	srdreg.scid  }
0x8b: {  	s0 =	sand.u32 $0x1, s1  }
0x8c: {  	s17 =	sshll.u32 s0, $0xA;
	s2 =	sadd.s32 s3, s2  }
0x8d: {  	s2 =	sadd.s32 s2, s17  }
0x8e: {  	[smem:$0x3FB9] =	sst s2  }
0x8f: {  	_ = 	snop  }
0x90: {  	s2 =	sld [smem:$0x3FC9];
	(tm) =	ssettm $0x1  }
0x91: {  	s18 =	sld [smem:$0x3FFB];
	_ =	sdelay $0x3  }
0x92: {  	_ =	strace s18  }
0x93: {  	s3 =	sld [smem:$0x3FFC];
	_ =	sdelay $0x3  }
0x94: {  	_ =	strace s3  }
0x95: {  	s3 =	sld [smem:$0x3FFD];
	_ =	sdelay $0x3  }
0x96: {  	_ =	strace s3  }
0x97: {  	_ =	strace $0x8FFFFFFF  }
0x98: {  	s19 =	sld [smem:$0x3FDB];
	_ =	sdelay $0x1  }
0x99: {  	s4 =	simm.s32 $_scs_section_size  }
0x9a: {  	s5 =	simm.s32 $_size__tile_overlayer_lowered;
	s6 =	simm.s32 $_tile_overlayer_lowered  }
0x9b: {  	s22 =	simm.s32 $0x1BFF;
	s21 =	sshll.u32 s6, $0x1;
	s3 =	sadd.s32 s4, s19  }
0x9c: {  	s7 =	simm.s32 $0x0;
	s20 =	sshll.u32 s5, $0x1;
	s5 =	sadd.s32 s21, s3  }
0x9d: {  	[timem:s7], [sflag:s22] =	dma.local [hbm:s5], s20  }
0x9e: {  	_ =	swait.ge [sflag:s22], s20  }
0x9f: {  	s4 =	ssub.s32 $0x0, s20;
	[sflag:s22] =	ssyncset.done $0x0  }
0xa0: {  	[sflag:s22] =	ssyncadd.s32 s4;
	_ =	sdelay $0x1  }
0xa1: {  	s23 =	simm.s32 $0x1B8B  }
0xa2: {  	_ =	swait.ge [sflag:s23], $0x1  }
0xa3: {  	[sflag:s23] =	ssyncset.done $0x0  }
0xa4: {  	s25 =	simm.s32 $0x1B8E;
	s24 =	sld [smem:$0x3FFE];
	[sflag:s23] =	ssyncadd.s32 $0xFFFFFFFF  }
0xa5: {  	s26 =	simm.s32 $execute0_lowered;
	[smem:$0x3FD2] =	sst s25  }
0xa6: {  	s5 =	sshll.u32 s26, $0x1;
	_ =	strace $0x80000046;
	[dreg:$0x1] =	wrdreg $0xFFFFFFFF  }
0xa7: {  	s28 =	simm.s32 $_size_execute0_lowered;
	s3 =	sadd.s32 s3, s5;
	[dreg:$0x0] =	wrdreg $0x0  }
0xa8: {  	s5 =	sshll.u32 s28, $0x1;
	[dreg:$0x2] =	wrdreg s3  }
0xa9: {  	[dreg:$0x3] =	wrdreg s5  }
0xaa: {  	[dreg:$0x4] =	wrdreg $0xC0  }
0xab: {  	_ =	task [dreg:s7], $0x5FFFF  }
0xac: {  	[dreg:$0x1] =	wrdreg $0xFFFFFFFF  }
0xad: {  	[dreg:$0x0] =	wrdreg $0x60  }
0xae: {  	[dreg:$0x2] =	wrdreg s2  }
0xaf: {  	[dreg:$0x3] =	wrdreg s24  }
0xb0: {  	[dreg:$0x4] =	wrdreg $0x0  }
0xb1: {  	[dreg:$0x5] =	wrdreg $0x9  }
0xb2: {  	_ =	task.clear_ibuf [dreg:s7], $0x6FFFF;
	_ =	strace $0x90000046  }
0xb3: {  	s29 =	simm.s32 $0x9;
	_ =	strace $0x80000048  }
0xb4: {  	_ =	swait.ge [sflag:s29], $0x1  }
0xb5: {  	[sflag:s29] =	ssyncadd.s32 $0xFFFFFFFF  }
0xb6: {  	_ =	strace $0x90000048  }
0xb7: {  	_ =	sfence  }
0xb8: {  	s30 =	sld [smem:$0x0];
	_ =	sdelay $0x2  }
0xb9: {  	s31 =	sshll.u32 s1, $0xD;
	s1 =	sshrl.u32 s1, $0x2  }
0xba: {  	s3 =	sand.u32 $0x4000, s31;
	s1 =	sadd.s32 s1, s30  }
0xbb: {  	s0 =	sor.u32 s3, s0;
	s1 =	sshll.u32 s1, $0x11  }
0xbc: {  	s0 =	sor.u32 s1, s0  }
0xbd: {  	s0 =	sadd.s32 $0x8F2B, s0  }
0xbe: {  	[sflag:s0] =	ssyncadd.remote.s32 $0x1  }
0xbf: {  	_ =	sfence.sel $0xFFFF  }
0xc0: {  	[dreg:$0x0] =	wrdreg $0xFFFFFFFF;
	(pc) =	sbr.abs _section_cstart, $3  }
0xc1: {  	[dreg:$0x1] =	wrdreg $0xFFFFFFFF  }
0xc2: {  	_ =	task.clear_ibuf [dreg:s7], $0x2FFFF;
	_ =	strace $0x9FFFFFFF  }
0xc3: {  	(tm) =	ssettm $0x7FFFFFFF  }
tec
execute0_lowered:
.L_overlay_start_1:
0x0: {  	(tag) =	ssettag $0x1  }
0x1: {  	s0 =	srdreg.scid;
	s10 =	stileid.u32  }
0x2: {  	s0 =	sand.u32 $0x1, s0;
	s4 =	smul.u32 $0x5000, s10  }
0x3: {  	s2 =	rddreg [dreg:$0x0];
	s1 =	smul.u32 $0x50000, s0  }
0x4: {  	s5 =	rddreg [dreg:$0x1]  }
0x5: {  	s3 =	rddreg [dreg:$0x2];
	s1 =	sadd.s32 s4, s1;
	s4 =	simm.s32 $0x0  }
0x6: {  	s18 =	simm.s32 $0x13900;
	[smem:$0x7FF] =	sst s4  }
0x7: {  	s19 =	simm.s32 $0x13980;
	_ =	strace $0x80000047;
	[dreg:$0x6] =	wrdreg s18  }
0x8: {  	s20 =	simm.s32 $0x13A00;
	[dreg:$0x7] =	wrdreg s19  }
0x9: {  	s21 =	simm.s32 $0x13A80;
	[dreg:$0x8] =	wrdreg s20  }
0xa: {  	s23 =	simm.s32 $0x14900;
	[dreg:$0x9] =	wrdreg s21  }
0xb: {  	s24 =	simm.s32 $0x13B00;
	[dreg:$0xa] =	wrdreg s23  }
0xc: {  	s25 =	simm.s32 $0x14980;
	[dreg:$0xb] =	wrdreg s24  }
0xd: {  	s8 =	simm.s32 $0x13B80;
	[dreg:$0xc] =	wrdreg s25  }
0xe: {  	s9 =	simm.s32 $0x14A00;
	[dreg:$0xd] =	wrdreg s8  }
0xf: {  	s12 =	simm.s32 $0x13C00;
	[dreg:$0xe] =	wrdreg s9  }
0x10: {  	s13 =	simm.s32 $0x14A80;
	[dreg:$0xf] =	wrdreg s12  }
0x11: {  	s14 =	simm.s32 $0x13C80;
	[dreg:$0x10] =	wrdreg s13  }
0x12: {  	s15 =	simm.s32 $0x14B00;
	s16 =	simm.s32 $0x13D00;
	[dreg:$0x11] =	wrdreg s14  }
0x13: {  	s28 =	simm.s32 $0x3;
	s29 =	simm.s32 $0x4;
	[dreg:$0x12] =	wrdreg s15  }
0x14: {  	s30 =	simm.s32 $0x14300;
	s11 =	sadd.s32 $0x2A200, s5;
	[dreg:$0x13] =	wrdreg s16  }
0x15: {  	s31 =	simm.s32 $0x15180;
	s18 =	simm.s32 $0x14B80;
	[smem:$0x7E9] =	sst s11  }
0x16: {  	s26 =	smul.u32 $0x4E000, s10;
	s19 =	simm.s32 $0x13D80;
	[dreg:$0x14] =	wrdreg s18  }
0x17: {  	p1 =	sne.s32 s10, $0xF;
	s20 =	simm.s32 $0x14C00;
	[dreg:$0x15] =	wrdreg s19  }
0x18: {  	p2 =	seq.s32 s10, $0xF;
	s21 =	simm.s32 $0x13E00;
	[dreg:$0x16] =	wrdreg s20  }
0x19: {  	s22 =	ssub.s32 $0x2, s0;
	s23 =	simm.s32 $0x13E80;
	[dreg:$0x17] =	wrdreg s21  }
0x1a: {  	p0 =	seq.s32 s0, $0x1;
	s24 =	simm.s32 $0x14D00;
	[dreg:$0x19] =	wrdreg s23  }
0x1b: {  	s17 =	smul.u32 $0x27100, s0;
	s25 =	simm.s32 $0x13F00;
	[dreg:$0x1a] =	wrdreg s24  }
0x1c: {  	s0 =	smul.u32 $0x138800, s0;
	s13 =	simm.s32 $0x14E80;
	[dreg:$0x1b] =	wrdreg s25  }
0x1d: {  	s1 =	sshrl.u32 s1, $0x3;
	s12 =	sadd.s32 $0x138000, s3;
	[smem:$0x7F0] =	sst s13  }
0x1e: {  	s1 =	sadd.s32 s1, s5;
	s16 =	simm.s32 $0x14080;
	[smem:$0x7F1] =	sst s12  }
0x1f: {  	s7 =	sshrl.u32 s22, $0x1;
	s6 =	sadd.s32 $0x16200, s1;
	[smem:$0x7F3] =	sst s16  }
0x20: {  	s0 =	sshrl.u32 s0, $0x3;
	s1 =	sadd.s32 $0x2200, s1;
	[dreg:$0x4] =	wrdreg s6  }
0x21: {  	s5 =	sadd.s32 $0x51400, s5;
	s18 =	simm.s32 $0x14F00;
	[dreg:$0x5] =	wrdreg s1  }
0x22: {  	s8 =	smul.u32 $0x2700, s10;
	s19 =	simm.s32 $0x14100;
	[smem:$0x7F4] =	sst s18  }
0x23: {  	s15 =	simm.s32 $0x5;
	s20 =	simm.s32 $0x14F80;
	[smem:$0x7F5] =	sst s19  }
0x24: {  	s0 =	sadd.s32 s5, s0;
	s21 =	simm.s32 $0x14180;
	[smem:$0x7F6] =	sst s20  }
0x25: {  	s23 =	simm.s32 $0x14200;
	s24 =	simm.s32 $0x15080;
	[smem:$0x7F7] =	sst s21  }
0x26: {  	s25 =	simm.s32 $0x14280;
	s16 =	simm.s32 $0x15300;
	[smem:$0x7F9] =	sst s23  }
0x27: {  	s13 =	simm.s32 $0x0;
	s6 =	ssub.s32 s22, s7;
	[smem:$0x7FA] =	sst s24  }
0x28: {  	s7 =	sshrl.u32 s26, $0x2;
	s9 =	sadd.s32 s2, s8;
	[smem:$0x7FB] =	sst s25  }
0x29: {  	s11 =	sadd.s32 s11, s8;
	s8 =	sadd.s32 s8, s17;
	[smem:$0x7E8] =	sst s9  }
0x2a: {  	s22 =	simm.s32 $0x14C80;
	s0 =	sadd.s32 $0x27000, s0;
	[smem:$0x7EA] =	sst s11  }
0x2b: {  	s17 =	sshrl.u32 s12, $0x3;
	s18 =	simm.s32 $0x14880;
	[dreg:$0x18] =	wrdreg s22  }
0x2c: {  	s19 =	simm.s32 $0x50;
	s20 =	simm.s32 $0x15880;
	[smem:$0x7EC] =	sst s0  }
0x2d: {  	s21 =	simm.s32 $0x18080;
	s8 =	sadd.s32 s5, s8;
	[smem:$0x7F2] =	sst s17  }
0x2e: {  	s23 =	simm.s32 $0x1D080;
	s26 =	smax.u32 s6, $0x1;
	[smem:$0x7EB] =	sst s8  }
0x2f: {  	s24 =	simm.s32 $0x1;
	s5 =	simm.s32 $0x14D80;
	[smem:$0x7ED] =	sst s26  }
0x30: {  	s25 =	simm.s32 $0x6;
	s6 =	simm.s32 $0x13F80;
	[dreg:$0x1c] =	wrdreg s5  }
0x31: {  	s7 =	sadd.s32 s7, s3;
	s9 =	simm.s32 $0x14E00;
	[dreg:$0x1d] =	wrdreg s6  }
0x32: {  	s11 =	simm.s32 $0x14000;
	s17 =	simm.s32 $0x13880;
	[dreg:$0x1e] =	wrdreg s9  }
0x33: {  	s22 =	simm.s32 $0x15000;
	s0 =	simm.s32 $0x15200;
	[dreg:$0x1f] =	wrdreg s11  }
0x34: {  	s8 =	sshll.u32 s10, $0x6;
	s14 =	sshrl.u32 s7, $0x3;
	[smem:$0x7F8] =	sst s22  }
0x35: {  	s22 =	simm.s32 $0x1A880;
	s26 =	simm.s32 $0x15100;
	s6 =	simm.s32 $0x14400  }
0x36: {  	s5 =	simm.s32 $0x14480;
	s9 =	simm.s32 $0x15380;
	[smem:$0x7EE] =	sst s8  }
0x37: {  	s10 =	simm.s32 $0x15400;
	s11 =	simm.s32 $0x15480;
	[smem:$0x7FC] =	sst s26  }
0x38: {  	s1 =	sor.u32 $0x1C05, s8;
	s26 =	simm.s32 $0x2;
	[smem:$0x7FD] =	sst s14  }
0x39: {  	s8 =	simm.s32 $0x15280;
	[smem:$0x7EF] =	sst s1;
	s1 =	simm.s32 $0x14380  }
.LBB2_1:
.Ltmp0:
0x3a: {  	(pc) =	sbr.rel @!p0 .LBB2_2-.Ltmp0, $2  }
0x3b: {  	_ =	sdelay $0x2  }
0x3c: {  	[smem:$0x7E7] =	sst s13  }
0x3d: {  	s7 =	sld [smem:$0x7EA]  }
0x3e: {  	s12 =	sld [smem:$0x7EF];
	_ =	sdelay $0x2  }
0x3f: {  	[spmem:s14], [sflag:s12] =	dma.local [hbm:s7], $0x2700  }
.Ltmp1:
0x40: {  	_ = 	snop;
	(pc) =	sbr.rel @p1 .LBB2_5-.Ltmp1, $4  }
.Ltmp2:
0x41: {  	_ = 	snop;
	(pc) =	sbr.rel @!p1 .LBB2_4-.Ltmp2, $4  }
0x42: {  	_ =	swait.ge [sflag:s15], $0x2700  }
0x43: {  	[sflag:s15] =	ssyncset.done $0x0  }
0x44: {  	s13 =	sld [smem:$0x7E9];
	[sflag:s15] =	ssyncadd.s32 $0xFFFFD900  }
0x45: {  	_ = 	snop  }
.LBB2_2:
0x46: {  	s7 =	sld [smem:$0x7EE]  }
0x47: {  	s13 =	sld [smem:$0x7E8];
	_ =	sdelay $0x1  }
.Ltmp3:
0x48: {  	s12 =	sor.u32 $0x1C05, s7;
	(pc) =	sbr.rel @!p2 .LBB2_5-.Ltmp3, $4  }
0x49: {  	[spmem:s14], [sflag:s12] =	dma.local [hbm:s13], $0x2700  }
0x4a: {  	_ =	swait.ge [sflag:s15], $0x2700  }
0x4b: {  	[sflag:s15] =	ssyncset.done $0x0  }
0x4c: {  	s13 =	smov.u32 s2;
	[sflag:s15] =	ssyncadd.s32 $0xFFFFD900  }
.LBB2_4:
0x4d: {  	s7 =	sld [smem:$0x7F2];
	_ =	sdelay $0x1  }
0x4e: {  	s13 =	sadd.s32 $0x27000, s13  }
0x4f: {  	[spmem:s7], [sflag:s12] =	dma.local [hbm:s13], $0x100  }
0x50: {  	_ =	swait.ge [sflag:s15], $0x100  }
0x51: {  	[sflag:s15] =	ssyncset.done $0x0  }
0x52: {  	[sflag:s15] =	ssyncadd.s32 $0xFFFFFF00  }
.LBB2_5:
0x53: {  	[bflag:$0x0] =	sbarrier.arrive $0xFFFF  }
0x54: {  	s12 =	rddreg [dreg:$0x5]  }
0x55: {  	s12 =	sadd.s32 $0x0, s12  }
0x56: {  	[tilespmem:s17], [sflag:$0x5] =	stream.linear.gather [hbm4b:s12+s4], $0xC80, $0x38;
	[tilespmem:$0x1F880] =	vst v63  }
0x57: {  	_ =	swait.ge [sflag:s15], $0xC80  }
0x58: {  	s13 =	rddreg [dreg:$0x4];
	[sflag:s15] =	ssyncset.done $0x0  }
0x59: {  	[sflag:s15] =	ssyncadd.s32 $0xFFFFF380;
	s12 =	sadd.s32 $0x0, s13  }
0x5a: {  	[tilespmem:s18], [sflag:$0x5] =	stream.linear.gather [hbm4b:s12+s4], $0xC80, $0x38;
	[tilespmem:$0x1F880] =	vst v63  }
0x5b: {  	_ =	swait.ge [sflag:s15], $0xC80  }
0x5c: {  	[sflag:s15] =	ssyncset.done $0x0  }
0x5d: {  	[sflag:s15] =	ssyncadd.s32 $0xFFFFF380  }
0x5e: {  	[tilespmem:s20], [sflag:$0x1] =	stream.indirect.gather [hbm4b:s2+s19], $0x80, s17, s19, $0xb8;
	[tilespmem:$0x1F880] =	vst v63  }
0x5f: {  	s14 =	rddreg [dreg:$0x6]  }
0x60: {  	[tilespmem:s21], [sflag:$0x2] =	stream.indirect.gather [hbm4b:s2+s19], $0x80, s14, s19, $0xb8;
	[tilespmem:$0x1F880] =	vst v63  }
0x61: {  	s13 =	rddreg [dreg:$0x7]  }
0x62: {  	[tilespmem:s22], [sflag:$0x3] =	stream.indirect.gather [hbm4b:s2+s19], $0x80, s13, s19, $0xb8;
	[tilespmem:$0x1F880] =	vst v63  }
0x63: {  	s7 =	rddreg [dreg:$0x8]  }
0x64: {  	[tilespmem:s23], [sflag:$0x4] =	stream.indirect.gather [hbm4b:s2+s19], $0x80, s7, s19, $0xb8;
	[tilespmem:$0x1F880] =	vst v63  }
0x65: {  	_ =	swait.ge [sflag:s24], $0x2800  }
0x66: {  	[sflag:s24] =	ssyncset.done $0x0  }
0x67: {  	[sflag:s24] =	ssyncadd.s32 $0xFFFFD800  }
0x68: {  	[spmem:s3] =	stream.indirect.scatter.add.f32 [tilespmem:s20], [sflag:$0x6], $0x80, s18, s19, $0xb8;
	[tilespmem:$0x1F880] =	vst v63  }
0x69: {  	_ =	swait.ge [sflag:s25], $0x2800  }
0x6a: {  	[sflag:s25] =	ssyncset.done $0x0  }
0x6b: {  	s14 =	rddreg [dreg:$0x9];
	[sflag:s25] =	ssyncadd.s32 $0xFFFFD800  }
0x6c: {  	[tilespmem:s20], [sflag:$0x1] =	stream.indirect.gather [hbm4b:s2+s19], $0x80, s14, s19, $0xb8;
	[tilespmem:$0x1F880] =	vst v63  }
0x6d: {  	_ =	swait.ge [sflag:s26], $0x2800  }
0x6e: {  	[sflag:s26] =	ssyncset.done $0x0  }
0x6f: {  	s7 =	rddreg [dreg:$0xa];
	[sflag:s26] =	ssyncadd.s32 $0xFFFFD800  }
0x70: {  	[spmem:s3] =	stream.indirect.scatter.add.f32 [tilespmem:s21], [sflag:$0x6], $0x80, s7, s19, $0xb8;
	[tilespmem:$0x1F880] =	vst v63  }
0x71: {  	_ =	swait.ge [sflag:s25], $0x2800  }
0x72: {  	[sflag:s25] =	ssyncset.done $0x0  }
0x73: {  	s13 =	rddreg [dreg:$0xb];
	[sflag:s25] =	ssyncadd.s32 $0xFFFFD800  }
0x74: {  	[tilespmem:s21], [sflag:$0x2] =	stream.indirect.gather [hbm4b:s2+s19], $0x80, s13, s19, $0xb8;
	[tilespmem:$0x1F880] =	vst v63  }
0x75: {  	_ =	swait.ge [sflag:s28], $0x2800  }
0x76: {  	[sflag:s28] =	ssyncset.done $0x0  }
0x77: {  	s14 =	rddreg [dreg:$0xc];
	[sflag:s28] =	ssyncadd.s32 $0xFFFFD800  }
0x78: {  	[spmem:s3] =	stream.indirect.scatter.add.f32 [tilespmem:s22], [sflag:$0x6], $0x80, s14, s19, $0xb8;
	[tilespmem:$0x1F880] =	vst v63  }
0x79: {  	_ =	swait.ge [sflag:s25], $0x2800  }
0x7a: {  	[sflag:s25] =	ssyncset.done $0x0  }
0x7b: {  	s7 =	rddreg [dreg:$0xd];
	[sflag:s25] =	ssyncadd.s32 $0xFFFFD800  }
0x7c: {  	[tilespmem:s22], [sflag:$0x3] =	stream.indirect.gather [hbm4b:s2+s19], $0x80, s7, s19, $0xb8;
	[tilespmem:$0x1F880] =	vst v63  }
0x7d: {  	_ =	swait.ge [sflag:s29], $0x2800  }
0x7e: {  	[sflag:s29] =	ssyncset.done $0x0  }
0x7f: {  	s13 =	rddreg [dreg:$0xe];
	[sflag:s29] =	ssyncadd.s32 $0xFFFFD800  }
0x80: {  	[spmem:s3] =	stream.indirect.scatter.add.f32 [tilespmem:s23], [sflag:$0x5], $0x80, s13, s19, $0xb8;
	[tilespmem:$0x1F880] =	vst v63  }
0x81: {  	_ =	swait.ge [sflag:s15], $0x2800  }
0x82: {  	[sflag:s15] =	ssyncset.done $0x0  }
0x83: {  	s14 =	rddreg [dreg:$0xf];
	[sflag:s15] =	ssyncadd.s32 $0xFFFFD800  }
0x84: {  	[tilespmem:s23], [sflag:$0x4] =	stream.indirect.gather [hbm4b:s2+s19], $0x80, s14, s19, $0xb8;
	[tilespmem:$0x1F880] =	vst v63  }
0x85: {  	_ =	swait.ge [sflag:s24], $0x2800  }
0x86: {  	[sflag:s24] =	ssyncset.done $0x0  }
0x87: {  	s7 =	rddreg [dreg:$0x10];
	[sflag:s24] =	ssyncadd.s32 $0xFFFFD800  }
0x88: {  	[spmem:s3] =	stream.indirect.scatter.add.f32 [tilespmem:s20], [sflag:$0x6], $0x80, s7, s19, $0xb8;
	[tilespmem:$0x1F880] =	vst v63  }
0x89: {  	_ =	swait.ge [sflag:s25], $0x2800  }
0x8a: {  	[sflag:s25] =	ssyncset.done $0x0  }
0x8b: {  	s13 =	rddreg [dreg:$0x11];
	[sflag:s25] =	ssyncadd.s32 $0xFFFFD800  }
0x8c: {  	[tilespmem:s20], [sflag:$0x1] =	stream.indirect.gather [hbm4b:s2+s19], $0x80, s13, s19, $0xb8;
	[tilespmem:$0x1F880] =	vst v63  }
0x8d: {  	_ =	swait.ge [sflag:s26], $0x2800  }
0x8e: {  	[sflag:s26] =	ssyncset.done $0x0  }
0x8f: {  	s14 =	rddreg [dreg:$0x12];
	[sflag:s26] =	ssyncadd.s32 $0xFFFFD800  }
0x90: {  	[spmem:s3] =	stream.indirect.scatter.add.f32 [tilespmem:s21], [sflag:$0x6], $0x80, s14, s19, $0xb8;
	[tilespmem:$0x1F880] =	vst v63  }
0x91: {  	_ =	swait.ge [sflag:s25], $0x2800  }
0x92: {  	[sflag:s25] =	ssyncset.done $0x0  }
0x93: {  	s7 =	rddreg [dreg:$0x13];
	[sflag:s25] =	ssyncadd.s32 $0xFFFFD800  }
0x94: {  	[tilespmem:s21], [sflag:$0x2] =	stream.indirect.gather [hbm4b:s2+s19], $0x80, s7, s19, $0xb8;
	[tilespmem:$0x1F880] =	vst v63  }
0x95: {  	_ =	swait.ge [sflag:s28], $0x2800  }
0x96: {  	[sflag:s28] =	ssyncset.done $0x0  }
0x97: {  	s13 =	rddreg [dreg:$0x14];
	[sflag:s28] =	ssyncadd.s32 $0xFFFFD800  }
0x98: {  	[spmem:s3] =	stream.indirect.scatter.add.f32 [tilespmem:s22], [sflag:$0x6], $0x80, s13, s19, $0xb8;
	[tilespmem:$0x1F880] =	vst v63  }
0x99: {  	_ =	swait.ge [sflag:s25], $0x2800  }
0x9a: {  	[sflag:s25] =	ssyncset.done $0x0  }
0x9b: {  	s14 =	rddreg [dreg:$0x15];
	[sflag:s25] =	ssyncadd.s32 $0xFFFFD800  }
0x9c: {  	[tilespmem:s22], [sflag:$0x3] =	stream.indirect.gather [hbm4b:s2+s19], $0x80, s14, s19, $0xb8;
	[tilespmem:$0x1F880] =	vst v63  }
0x9d: {  	_ =	swait.ge [sflag:s29], $0x2800  }
0x9e: {  	[sflag:s29] =	ssyncset.done $0x0  }
0x9f: {  	s7 =	rddreg [dreg:$0x16];
	[sflag:s29] =	ssyncadd.s32 $0xFFFFD800  }
0xa0: {  	[spmem:s3] =	stream.indirect.scatter.add.f32 [tilespmem:s23], [sflag:$0x5], $0x80, s7, s19, $0xb8;
	[tilespmem:$0x1F880] =	vst v63  }
0xa1: {  	_ =	swait.ge [sflag:s15], $0x2800  }
0xa2: {  	[sflag:s15] =	ssyncset.done $0x0  }
0xa3: {  	s13 =	rddreg [dreg:$0x17];
	[sflag:s15] =	ssyncadd.s32 $0xFFFFD800  }
0xa4: {  	[tilespmem:s23], [sflag:$0x4] =	stream.indirect.gather [hbm4b:s2+s19], $0x80, s13, s19, $0xb8;
	[tilespmem:$0x1F880] =	vst v63  }
0xa5: {  	_ =	swait.ge [sflag:s24], $0x2800  }
0xa6: {  	[sflag:s24] =	ssyncset.done $0x0  }
0xa7: {  	s14 =	rddreg [dreg:$0x18];
	[sflag:s24] =	ssyncadd.s32 $0xFFFFD800  }
0xa8: {  	[spmem:s3] =	stream.indirect.scatter.add.f32 [tilespmem:s20], [sflag:$0x6], $0x80, s14, s19, $0xb8;
	[tilespmem:$0x1F880] =	vst v63  }
0xa9: {  	_ =	swait.ge [sflag:s25], $0x2800  }
0xaa: {  	[sflag:s25] =	ssyncset.done $0x0  }
0xab: {  	s7 =	rddreg [dreg:$0x19];
	[sflag:s25] =	ssyncadd.s32 $0xFFFFD800  }
0xac: {  	[tilespmem:s20], [sflag:$0x1] =	stream.indirect.gather [hbm4b:s2+s19], $0x80, s7, s19, $0xb8;
	[tilespmem:$0x1F880] =	vst v63  }
0xad: {  	_ =	swait.ge [sflag:s26], $0x2800  }
0xae: {  	[sflag:s26] =	ssyncset.done $0x0  }
0xaf: {  	s13 =	rddreg [dreg:$0x1a];
	[sflag:s26] =	ssyncadd.s32 $0xFFFFD800  }
0xb0: {  	[spmem:s3] =	stream.indirect.scatter.add.f32 [tilespmem:s21], [sflag:$0x6], $0x80, s13, s19, $0xb8;
	[tilespmem:$0x1F880] =	vst v63  }
0xb1: {  	_ =	swait.ge [sflag:s25], $0x2800  }
0xb2: {  	[sflag:s25] =	ssyncset.done $0x0  }
0xb3: {  	s14 =	rddreg [dreg:$0x1b];
	[sflag:s25] =	ssyncadd.s32 $0xFFFFD800  }
0xb4: {  	[tilespmem:s21], [sflag:$0x2] =	stream.indirect.gather [hbm4b:s2+s19], $0x80, s14, s19, $0xb8;
	[tilespmem:$0x1F880] =	vst v63  }
0xb5: {  	_ =	swait.ge [sflag:s28], $0x2800  }
0xb6: {  	[sflag:s28] =	ssyncset.done $0x0  }
0xb7: {  	s7 =	rddreg [dreg:$0x1c];
	[sflag:s28] =	ssyncadd.s32 $0xFFFFD800  }
0xb8: {  	[spmem:s3] =	stream.indirect.scatter.add.f32 [tilespmem:s22], [sflag:$0x6], $0x80, s7, s19, $0xb8;
	[tilespmem:$0x1F880] =	vst v63  }
0xb9: {  	_ =	swait.ge [sflag:s25], $0x2800  }
0xba: {  	[sflag:s25] =	ssyncset.done $0x0  }
0xbb: {  	s13 =	rddreg [dreg:$0x1d];
	[sflag:s25] =	ssyncadd.s32 $0xFFFFD800  }
0xbc: {  	[tilespmem:s22], [sflag:$0x3] =	stream.indirect.gather [hbm4b:s2+s19], $0x80, s13, s19, $0xb8;
	[tilespmem:$0x1F880] =	vst v63  }
0xbd: {  	_ =	swait.ge [sflag:s29], $0x2800  }
0xbe: {  	[sflag:s29] =	ssyncset.done $0x0  }
0xbf: {  	s14 =	rddreg [dreg:$0x1e];
	[sflag:s29] =	ssyncadd.s32 $0xFFFFD800  }
0xc0: {  	[spmem:s3] =	stream.indirect.scatter.add.f32 [tilespmem:s23], [sflag:$0x5], $0x80, s14, s19, $0xb8;
	[tilespmem:$0x1F880] =	vst v63  }
0xc1: {  	_ =	swait.ge [sflag:s15], $0x2800  }
0xc2: {  	[sflag:s15] =	ssyncset.done $0x0  }
0xc3: {  	s7 =	rddreg [dreg:$0x1f];
	[sflag:s15] =	ssyncadd.s32 $0xFFFFD800  }
0xc4: {  	[tilespmem:s23], [sflag:$0x4] =	stream.indirect.gather [hbm4b:s2+s19], $0x80, s7, s19, $0xb8;
	[tilespmem:$0x1F880] =	vst v63  }
0xc5: {  	_ =	swait.ge [sflag:s24], $0x2800  }
0xc6: {  	s13 =	sld [smem:$0x7F0]  }
0xc7: {  	[sflag:s24] =	ssyncset.done $0x0  }
0xc8: {  	[sflag:s24] =	ssyncadd.s32 $0xFFFFD800  }
0xc9: {  	[spmem:s3] =	stream.indirect.scatter.add.f32 [tilespmem:s20], [sflag:$0x6], $0x80, s13, s19, $0xb8;
	[tilespmem:$0x1F880] =	vst v63  }
0xca: {  	_ =	swait.ge [sflag:s25], $0x2800  }
0xcb: {  	s14 =	sld [smem:$0x7F3]  }
0xcc: {  	[sflag:s25] =	ssyncset.done $0x0  }
0xcd: {  	[sflag:s25] =	ssyncadd.s32 $0xFFFFD800  }
0xce: {  	[tilespmem:s20], [sflag:$0x1] =	stream.indirect.gather [hbm4b:s2+s19], $0x80, s14, s19, $0xb8;
	[tilespmem:$0x1F880] =	vst v63  }
0xcf: {  	_ =	swait.ge [sflag:s26], $0x2800  }
0xd0: {  	s7 =	sld [smem:$0x7F4]  }
0xd1: {  	[sflag:s26] =	ssyncset.done $0x0  }
0xd2: {  	[sflag:s26] =	ssyncadd.s32 $0xFFFFD800  }
0xd3: {  	[spmem:s3] =	stream.indirect.scatter.add.f32 [tilespmem:s21], [sflag:$0x6], $0x80, s7, s19, $0xb8;
	[tilespmem:$0x1F880] =	vst v63  }
0xd4: {  	_ =	swait.ge [sflag:s25], $0x2800  }
0xd5: {  	s13 =	sld [smem:$0x7F5]  }
0xd6: {  	[sflag:s25] =	ssyncset.done $0x0  }
0xd7: {  	[sflag:s25] =	ssyncadd.s32 $0xFFFFD800  }
0xd8: {  	[tilespmem:s21], [sflag:$0x2] =	stream.indirect.gather [hbm4b:s2+s19], $0x80, s13, s19, $0xb8;
	[tilespmem:$0x1F880] =	vst v63  }
0xd9: {  	_ =	swait.ge [sflag:s28], $0x2800  }
0xda: {  	s14 =	sld [smem:$0x7F6]  }
0xdb: {  	[sflag:s28] =	ssyncset.done $0x0  }
0xdc: {  	[sflag:s28] =	ssyncadd.s32 $0xFFFFD800  }
0xdd: {  	[spmem:s3] =	stream.indirect.scatter.add.f32 [tilespmem:s22], [sflag:$0x6], $0x80, s14, s19, $0xb8;
	[tilespmem:$0x1F880] =	vst v63  }
0xde: {  	_ =	swait.ge [sflag:s25], $0x2800  }
0xdf: {  	s7 =	sld [smem:$0x7F7]  }
0xe0: {  	[sflag:s25] =	ssyncset.done $0x0  }
0xe1: {  	[sflag:s25] =	ssyncadd.s32 $0xFFFFD800  }
0xe2: {  	[tilespmem:s22], [sflag:$0x3] =	stream.indirect.gather [hbm4b:s2+s19], $0x80, s7, s19, $0xb8;
	[tilespmem:$0x1F880] =	vst v63  }
0xe3: {  	_ =	swait.ge [sflag:s29], $0x2800  }
0xe4: {  	s13 =	sld [smem:$0x7F8]  }
0xe5: {  	[sflag:s29] =	ssyncset.done $0x0  }
0xe6: {  	[sflag:s29] =	ssyncadd.s32 $0xFFFFD800  }
0xe7: {  	[spmem:s3] =	stream.indirect.scatter.add.f32 [tilespmem:s23], [sflag:$0x5], $0x80, s13, s19, $0xb8;
	[tilespmem:$0x1F880] =	vst v63  }
0xe8: {  	_ =	swait.ge [sflag:s15], $0x2800  }
0xe9: {  	s14 =	sld [smem:$0x7F9]  }
0xea: {  	[sflag:s15] =	ssyncset.done $0x0  }
0xeb: {  	[sflag:s15] =	ssyncadd.s32 $0xFFFFD800  }
0xec: {  	[tilespmem:s23], [sflag:$0x4] =	stream.indirect.gather [hbm4b:s2+s19], $0x80, s14, s19, $0xb8;
	[tilespmem:$0x1F880] =	vst v63  }
0xed: {  	_ =	swait.ge [sflag:s24], $0x2800  }
0xee: {  	s7 =	sld [smem:$0x7FA]  }
0xef: {  	[sflag:s24] =	ssyncset.done $0x0  }
0xf0: {  	[sflag:s24] =	ssyncadd.s32 $0xFFFFD800  }
0xf1: {  	[spmem:s3] =	stream.indirect.scatter.add.f32 [tilespmem:s20], [sflag:$0x6], $0x80, s7, s19, $0xb8;
	[tilespmem:$0x1F880] =	vst v63  }
0xf2: {  	_ =	swait.ge [sflag:s25], $0x2800  }
0xf3: {  	s13 =	sld [smem:$0x7FB]  }
0xf4: {  	[sflag:s25] =	ssyncset.done $0x0  }
0xf5: {  	[sflag:s25] =	ssyncadd.s32 $0xFFFFD800  }
0xf6: {  	[tilespmem:s20], [sflag:$0x1] =	stream.indirect.gather [hbm4b:s2+s19], $0x80, s13, s19, $0xb8;
	[tilespmem:$0x1F880] =	vst v63  }
0xf7: {  	_ =	swait.ge [sflag:s26], $0x2800  }
0xf8: {  	s14 =	sld [smem:$0x7FC]  }
0xf9: {  	[sflag:s26] =	ssyncset.done $0x0  }
0xfa: {  	[sflag:s26] =	ssyncadd.s32 $0xFFFFD800  }
0xfb: {  	[spmem:s3] =	stream.indirect.scatter.add.f32 [tilespmem:s21], [sflag:$0x6], $0x80, s14, s19, $0xb8;
	[tilespmem:$0x1F880] =	vst v63  }
0xfc: {  	_ =	swait.ge [sflag:s25], $0x2800  }
0xfd: {  	[sflag:s25] =	ssyncset.done $0x0  }
0xfe: {  	[sflag:s25] =	ssyncadd.s32 $0xFFFFD800  }
0xff: {  	[tilespmem:s21], [sflag:$0x2] =	stream.indirect.gather [hbm4b:s2+s19], $0x80, s30, s19, $0xb8;
	[tilespmem:$0x1F880] =	vst v63  }
0x100: {  	_ =	swait.ge [sflag:s28], $0x2800  }
0x101: {  	[sflag:s28] =	ssyncset.done $0x0  }
0x102: {  	[sflag:s28] =	ssyncadd.s32 $0xFFFFD800  }
0x103: {  	[spmem:s3] =	stream.indirect.scatter.add.f32 [tilespmem:s22], [sflag:$0x6], $0x80, s31, s19, $0xb8;
	[tilespmem:$0x1F880] =	vst v63  }
0x104: {  	_ =	swait.ge [sflag:s25], $0x2800  }
0x105: {  	[sflag:s25] =	ssyncset.done $0x0  }
0x106: {  	[sflag:s25] =	ssyncadd.s32 $0xFFFFD800  }
0x107: {  	[tilespmem:s22], [sflag:$0x3] =	stream.indirect.gather [hbm4b:s2+s19], $0x80, s1, s19, $0xb8;
	[tilespmem:$0x1F880] =	vst v63  }
0x108: {  	_ =	swait.ge [sflag:s29], $0x2800  }
0x109: {  	[sflag:s29] =	ssyncset.done $0x0  }
0x10a: {  	[sflag:s29] =	ssyncadd.s32 $0xFFFFD800  }
0x10b: {  	[spmem:s3] =	stream.indirect.scatter.add.f32 [tilespmem:s23], [sflag:$0x5], $0x80, s0, s19, $0xb8;
	[tilespmem:$0x1F880] =	vst v63  }
0x10c: {  	_ =	swait.ge [sflag:s15], $0x2800  }
0x10d: {  	[sflag:s15] =	ssyncset.done $0x0  }
0x10e: {  	[sflag:s15] =	ssyncadd.s32 $0xFFFFD800  }
0x10f: {  	[tilespmem:s23], [sflag:$0x4] =	stream.indirect.gather [hbm4b:s2+s19], $0x80, s6, s19, $0xb8;
	[tilespmem:$0x1F880] =	vst v63  }
0x110: {  	_ =	swait.ge [sflag:s24], $0x2800  }
0x111: {  	[sflag:s24] =	ssyncset.done $0x0  }
0x112: {  	[sflag:s24] =	ssyncadd.s32 $0xFFFFD800  }
0x113: {  	[spmem:s3] =	stream.indirect.scatter.add.f32 [tilespmem:s20], [sflag:$0x6], $0x80, s8, s19, $0xb8;
	[tilespmem:$0x1F880] =	vst v63  }
0x114: {  	_ =	swait.ge [sflag:s25], $0x2800  }
0x115: {  	[sflag:s25] =	ssyncset.done $0x0  }
0x116: {  	[sflag:s25] =	ssyncadd.s32 $0xFFFFD800  }
0x117: {  	[tilespmem:s20], [sflag:$0x1] =	stream.indirect.gather [hbm4b:s2+s19], $0x80, s5, s19, $0xb8;
	[tilespmem:$0x1F880] =	vst v63  }
0x118: {  	_ =	swait.ge [sflag:s26], $0x2800  }
0x119: {  	[sflag:s26] =	ssyncset.done $0x0  }
0x11a: {  	[sflag:s26] =	ssyncadd.s32 $0xFFFFD800  }
0x11b: {  	[spmem:s3] =	stream.indirect.scatter.add.f32 [tilespmem:s21], [sflag:$0x6], $0x80, s16, s19, $0xb8;
	[tilespmem:$0x1F880] =	vst v63  }
0x11c: {  	_ =	swait.ge [sflag:s25], $0x2800  }
0x11d: {  	[sflag:s25] =	ssyncset.done $0x0  }
0x11e: {  	[sflag:s25] =	ssyncadd.s32 $0xFFFFD800  }
0x11f: {  	_ =	swait.ge [sflag:s28], $0x2800  }
0x120: {  	[sflag:s28] =	ssyncset.done $0x0  }
0x121: {  	[sflag:s28] =	ssyncadd.s32 $0xFFFFD800  }
0x122: {  	[spmem:s3] =	stream.indirect.scatter.add.f32 [tilespmem:s22], [sflag:$0x6], $0x80, s9, s19, $0xb8;
	[tilespmem:$0x1F880] =	vst v63  }
0x123: {  	_ =	swait.ge [sflag:s25], $0x2800  }
0x124: {  	[sflag:s25] =	ssyncset.done $0x0  }
0x125: {  	[sflag:s25] =	ssyncadd.s32 $0xFFFFD800  }
0x126: {  	_ =	swait.ge [sflag:s29], $0x2800  }
0x127: {  	[sflag:s29] =	ssyncset.done $0x0  }
0x128: {  	[sflag:s29] =	ssyncadd.s32 $0xFFFFD800  }
0x129: {  	[spmem:s3] =	stream.indirect.scatter.add.f32 [tilespmem:s23], [sflag:$0x5], $0x80, s10, s19, $0xb8;
	[tilespmem:$0x1F880] =	vst v63  }
0x12a: {  	_ =	swait.ge [sflag:s15], $0x2800  }
0x12b: {  	[sflag:s15] =	ssyncset.done $0x0  }
0x12c: {  	[sflag:s15] =	ssyncadd.s32 $0xFFFFD800  }
0x12d: {  	_ =	swait.ge [sflag:s24], $0x2800  }
0x12e: {  	[sflag:s24] =	ssyncset.done $0x0  }
0x12f: {  	[sflag:s24] =	ssyncadd.s32 $0xFFFFD800  }
0x130: {  	[spmem:s3] =	stream.indirect.scatter.add.f32 [tilespmem:s20], [sflag:$0x6], $0x80, s11, s19, $0xb8;
	[tilespmem:$0x1F880] =	vst v63  }
0x131: {  	s12 =	simm.s32 $0x400;
	_ =	swait.ge [sflag:s25], $0x2800  }
0x132: {  	s13 =	simm.s32 $0x200;
	s14 =	rddreg [dreg:$0x5];
	[sflag:s25] =	ssyncset.done $0x0  }
.LBB2_6:
0x133: {  	[sflag:s25] =	ssyncadd.s32 $0xFFFFD800;
	s14 =	sadd.s32 s13, s14  }
0x134: {  	[tilespmem:s17], [sflag:$0x5] =	stream.linear.gather [hbm4b:s14+s4], $0xC80, $0x38;
	[tilespmem:$0x1F880] =	vst v63  }
0x135: {  	_ =	swait.ge [sflag:s15], $0xC80  }
0x136: {  	s14 =	rddreg [dreg:$0x4];
	[sflag:s15] =	ssyncset.done $0x0  }
0x137: {  	[sflag:s15] =	ssyncadd.s32 $0xFFFFF380;
	s14 =	sadd.s32 s13, s14  }
0x138: {  	[tilespmem:s18], [sflag:$0x5] =	stream.linear.gather [hbm4b:s14+s4], $0xC80, $0x38;
	[tilespmem:$0x1F880] =	vst v63  }
0x139: {  	_ =	swait.ge [sflag:s15], $0xC80  }
0x13a: {  	[sflag:s15] =	ssyncset.done $0x0  }
0x13b: {  	s7 =	smov.u32 s12;
	[sflag:s15] =	ssyncadd.s32 $0xFFFFF380  }
0x13c: {  	[tilespmem:s20], [sflag:$0x1] =	stream.indirect.gather [hbm4b:s2+s19], $0x80, s17, s19, $0xb8;
	[tilespmem:$0x1F880] =	vst v63  }
0x13d: {  	s13 =	smov.u32 s7;
	s7 =	rddreg [dreg:$0x6]  }
0x13e: {  	[tilespmem:s21], [sflag:$0x2] =	stream.indirect.gather [hbm4b:s2+s19], $0x80, s7, s19, $0xb8;
	[tilespmem:$0x1F880] =	vst v63  }
0x13f: {  	s14 =	rddreg [dreg:$0x7]  }
0x140: {  	[tilespmem:s22], [sflag:$0x3] =	stream.indirect.gather [hbm4b:s2+s19], $0x80, s14, s19, $0xb8;
	[tilespmem:$0x1F880] =	vst v63  }
0x141: {  	s7 =	rddreg [dreg:$0x8]  }
0x142: {  	[tilespmem:s23], [sflag:$0x4] =	stream.indirect.gather [hbm4b:s2+s19], $0x80, s7, s19, $0xb8;
	[tilespmem:$0x1F880] =	vst v63  }
0x143: {  	_ =	swait.ge [sflag:s24], $0x2800  }
0x144: {  	[sflag:s24] =	ssyncset.done $0x0  }
0x145: {  	[sflag:s24] =	ssyncadd.s32 $0xFFFFD800  }
0x146: {  	[spmem:s3] =	stream.indirect.scatter.add.f32 [tilespmem:s20], [sflag:$0x6], $0x80, s18, s19, $0xb8;
	[tilespmem:$0x1F880] =	vst v63  }
0x147: {  	_ =	swait.ge [sflag:s25], $0x2800  }
0x148: {  	[sflag:s25] =	ssyncset.done $0x0  }
0x149: {  	s14 =	rddreg [dreg:$0x9];
	[sflag:s25] =	ssyncadd.s32 $0xFFFFD800  }
0x14a: {  	[tilespmem:s20], [sflag:$0x1] =	stream.indirect.gather [hbm4b:s2+s19], $0x80, s14, s19, $0xb8;
	[tilespmem:$0x1F880] =	vst v63  }
0x14b: {  	_ =	swait.ge [sflag:s26], $0x2800  }
0x14c: {  	[sflag:s26] =	ssyncset.done $0x0  }
0x14d: {  	s14 =	rddreg [dreg:$0xa];
	[sflag:s26] =	ssyncadd.s32 $0xFFFFD800  }
0x14e: {  	[spmem:s3] =	stream.indirect.scatter.add.f32 [tilespmem:s21], [sflag:$0x6], $0x80, s14, s19, $0xb8;
	[tilespmem:$0x1F880] =	vst v63  }
0x14f: {  	_ =	swait.ge [sflag:s25], $0x2800  }
0x150: {  	[sflag:s25] =	ssyncset.done $0x0  }
0x151: {  	s14 =	rddreg [dreg:$0xb];
	[sflag:s25] =	ssyncadd.s32 $0xFFFFD800  }
0x152: {  	[tilespmem:s21], [sflag:$0x2] =	stream.indirect.gather [hbm4b:s2+s19], $0x80, s14, s19, $0xb8;
	[tilespmem:$0x1F880] =	vst v63  }
0x153: {  	_ =	swait.ge [sflag:s28], $0x2800  }
0x154: {  	[sflag:s28] =	ssyncset.done $0x0  }
0x155: {  	s14 =	rddreg [dreg:$0xc];
	[sflag:s28] =	ssyncadd.s32 $0xFFFFD800  }
0x156: {  	[spmem:s3] =	stream.indirect.scatter.add.f32 [tilespmem:s22], [sflag:$0x6], $0x80, s14, s19, $0xb8;
	[tilespmem:$0x1F880] =	vst v63  }
0x157: {  	_ =	swait.ge [sflag:s25], $0x2800  }
0x158: {  	[sflag:s25] =	ssyncset.done $0x0  }
0x159: {  	s14 =	rddreg [dreg:$0xd];
	[sflag:s25] =	ssyncadd.s32 $0xFFFFD800  }
0x15a: {  	[tilespmem:s22], [sflag:$0x3] =	stream.indirect.gather [hbm4b:s2+s19], $0x80, s14, s19, $0xb8;
	[tilespmem:$0x1F880] =	vst v63  }
0x15b: {  	_ =	swait.ge [sflag:s29], $0x2800  }
0x15c: {  	[sflag:s29] =	ssyncset.done $0x0  }
0x15d: {  	s14 =	rddreg [dreg:$0xe];
	[sflag:s29] =	ssyncadd.s32 $0xFFFFD800  }
0x15e: {  	[spmem:s3] =	stream.indirect.scatter.add.f32 [tilespmem:s23], [sflag:$0x5], $0x80, s14, s19, $0xb8;
	[tilespmem:$0x1F880] =	vst v63  }
0x15f: {  	_ =	swait.ge [sflag:s15], $0x2800  }
0x160: {  	[sflag:s15] =	ssyncset.done $0x0  }
0x161: {  	s14 =	rddreg [dreg:$0xf];
	[sflag:s15] =	ssyncadd.s32 $0xFFFFD800  }
0x162: {  	[tilespmem:s23], [sflag:$0x4] =	stream.indirect.gather [hbm4b:s2+s19], $0x80, s14, s19, $0xb8;
	[tilespmem:$0x1F880] =	vst v63  }
0x163: {  	_ =	swait.ge [sflag:s24], $0x2800  }
0x164: {  	[sflag:s24] =	ssyncset.done $0x0  }
0x165: {  	s14 =	rddreg [dreg:$0x10];
	[sflag:s24] =	ssyncadd.s32 $0xFFFFD800  }
0x166: {  	[spmem:s3] =	stream.indirect.scatter.add.f32 [tilespmem:s20], [sflag:$0x6], $0x80, s14, s19, $0xb8;
	[tilespmem:$0x1F880] =	vst v63  }
0x167: {  	_ =	swait.ge [sflag:s25], $0x2800  }
0x168: {  	[sflag:s25] =	ssyncset.done $0x0  }
0x169: {  	s14 =	rddreg [dreg:$0x11];
	[sflag:s25] =	ssyncadd.s32 $0xFFFFD800  }
0x16a: {  	[tilespmem:s20], [sflag:$0x1] =	stream.indirect.gather [hbm4b:s2+s19], $0x80, s14, s19, $0xb8;
	[tilespmem:$0x1F880] =	vst v63  }
0x16b: {  	_ =	swait.ge [sflag:s26], $0x2800  }
0x16c: {  	[sflag:s26] =	ssyncset.done $0x0  }
0x16d: {  	s14 =	rddreg [dreg:$0x12];
	[sflag:s26] =	ssyncadd.s32 $0xFFFFD800  }
0x16e: {  	[spmem:s3] =	stream.indirect.scatter.add.f32 [tilespmem:s21], [sflag:$0x6], $0x80, s14, s19, $0xb8;
	[tilespmem:$0x1F880] =	vst v63  }
0x16f: {  	_ =	swait.ge [sflag:s25], $0x2800  }
0x170: {  	[sflag:s25] =	ssyncset.done $0x0  }
0x171: {  	s14 =	rddreg [dreg:$0x13];
	[sflag:s25] =	ssyncadd.s32 $0xFFFFD800  }
0x172: {  	[tilespmem:s21], [sflag:$0x2] =	stream.indirect.gather [hbm4b:s2+s19], $0x80, s14, s19, $0xb8;
	[tilespmem:$0x1F880] =	vst v63  }
0x173: {  	_ =	swait.ge [sflag:s28], $0x2800  }
0x174: {  	[sflag:s28] =	ssyncset.done $0x0  }
0x175: {  	s14 =	rddreg [dreg:$0x14];
	[sflag:s28] =	ssyncadd.s32 $0xFFFFD800  }
0x176: {  	[spmem:s3] =	stream.indirect.scatter.add.f32 [tilespmem:s22], [sflag:$0x6], $0x80, s14, s19, $0xb8;
	[tilespmem:$0x1F880] =	vst v63  }
0x177: {  	_ =	swait.ge [sflag:s25], $0x2800  }
0x178: {  	[sflag:s25] =	ssyncset.done $0x0  }
0x179: {  	s14 =	rddreg [dreg:$0x15];
	[sflag:s25] =	ssyncadd.s32 $0xFFFFD800  }
0x17a: {  	[tilespmem:s22], [sflag:$0x3] =	stream.indirect.gather [hbm4b:s2+s19], $0x80, s14, s19, $0xb8;
	[tilespmem:$0x1F880] =	vst v63  }
0x17b: {  	_ =	swait.ge [sflag:s29], $0x2800  }
0x17c: {  	[sflag:s29] =	ssyncset.done $0x0  }
0x17d: {  	s14 =	rddreg [dreg:$0x16];
	[sflag:s29] =	ssyncadd.s32 $0xFFFFD800  }
0x17e: {  	[spmem:s3] =	stream.indirect.scatter.add.f32 [tilespmem:s23], [sflag:$0x5], $0x80, s14, s19, $0xb8;
	[tilespmem:$0x1F880] =	vst v63  }
0x17f: {  	_ =	swait.ge [sflag:s15], $0x2800  }
0x180: {  	[sflag:s15] =	ssyncset.done $0x0  }
0x181: {  	s14 =	rddreg [dreg:$0x17];
	[sflag:s15] =	ssyncadd.s32 $0xFFFFD800  }
0x182: {  	[tilespmem:s23], [sflag:$0x4] =	stream.indirect.gather [hbm4b:s2+s19], $0x80, s14, s19, $0xb8;
	[tilespmem:$0x1F880] =	vst v63  }
0x183: {  	_ =	swait.ge [sflag:s24], $0x2800  }
0x184: {  	[sflag:s24] =	ssyncset.done $0x0  }
0x185: {  	s14 =	rddreg [dreg:$0x18];
	[sflag:s24] =	ssyncadd.s32 $0xFFFFD800  }
0x186: {  	[spmem:s3] =	stream.indirect.scatter.add.f32 [tilespmem:s20], [sflag:$0x6], $0x80, s14, s19, $0xb8;
	[tilespmem:$0x1F880] =	vst v63  }
0x187: {  	_ =	swait.ge [sflag:s25], $0x2800  }
0x188: {  	[sflag:s25] =	ssyncset.done $0x0  }
0x189: {  	s14 =	rddreg [dreg:$0x19];
	[sflag:s25] =	ssyncadd.s32 $0xFFFFD800  }
0x18a: {  	[tilespmem:s20], [sflag:$0x1] =	stream.indirect.gather [hbm4b:s2+s19], $0x80, s14, s19, $0xb8;
	[tilespmem:$0x1F880] =	vst v63  }
0x18b: {  	_ =	swait.ge [sflag:s26], $0x2800  }
0x18c: {  	[sflag:s26] =	ssyncset.done $0x0  }
0x18d: {  	s14 =	rddreg [dreg:$0x1a];
	[sflag:s26] =	ssyncadd.s32 $0xFFFFD800  }
0x18e: {  	[spmem:s3] =	stream.indirect.scatter.add.f32 [tilespmem:s21], [sflag:$0x6], $0x80, s14, s19, $0xb8;
	[tilespmem:$0x1F880] =	vst v63  }
0x18f: {  	_ =	swait.ge [sflag:s25], $0x2800  }
0x190: {  	[sflag:s25] =	ssyncset.done $0x0  }
0x191: {  	s14 =	rddreg [dreg:$0x1b];
	[sflag:s25] =	ssyncadd.s32 $0xFFFFD800  }
0x192: {  	[tilespmem:s21], [sflag:$0x2] =	stream.indirect.gather [hbm4b:s2+s19], $0x80, s14, s19, $0xb8;
	[tilespmem:$0x1F880] =	vst v63  }
0x193: {  	_ =	swait.ge [sflag:s28], $0x2800  }
0x194: {  	[sflag:s28] =	ssyncset.done $0x0  }
0x195: {  	s14 =	rddreg [dreg:$0x1c];
	[sflag:s28] =	ssyncadd.s32 $0xFFFFD800  }
0x196: {  	[spmem:s3] =	stream.indirect.scatter.add.f32 [tilespmem:s22], [sflag:$0x6], $0x80, s14, s19, $0xb8;
	[tilespmem:$0x1F880] =	vst v63  }
0x197: {  	_ =	swait.ge [sflag:s25], $0x2800  }
0x198: {  	[sflag:s25] =	ssyncset.done $0x0  }
0x199: {  	s14 =	rddreg [dreg:$0x1d];
	[sflag:s25] =	ssyncadd.s32 $0xFFFFD800  }
0x19a: {  	[tilespmem:s22], [sflag:$0x3] =	stream.indirect.gather [hbm4b:s2+s19], $0x80, s14, s19, $0xb8;
	[tilespmem:$0x1F880] =	vst v63  }
0x19b: {  	_ =	swait.ge [sflag:s29], $0x2800  }
0x19c: {  	[sflag:s29] =	ssyncset.done $0x0  }
0x19d: {  	s14 =	rddreg [dreg:$0x1e];
	[sflag:s29] =	ssyncadd.s32 $0xFFFFD800  }
0x19e: {  	[spmem:s3] =	stream.indirect.scatter.add.f32 [tilespmem:s23], [sflag:$0x5], $0x80, s14, s19, $0xb8;
	[tilespmem:$0x1F880] =	vst v63  }
0x19f: {  	_ =	swait.ge [sflag:s15], $0x2800  }
0x1a0: {  	[sflag:s15] =	ssyncset.done $0x0  }
0x1a1: {  	s14 =	rddreg [dreg:$0x1f];
	[sflag:s15] =	ssyncadd.s32 $0xFFFFD800  }
0x1a2: {  	[tilespmem:s23], [sflag:$0x4] =	stream.indirect.gather [hbm4b:s2+s19], $0x80, s14, s19, $0xb8;
	[tilespmem:$0x1F880] =	vst v63  }
0x1a3: {  	_ =	swait.ge [sflag:s24], $0x2800  }
0x1a4: {  	s14 =	sld [smem:$0x7F0]  }
0x1a5: {  	[sflag:s24] =	ssyncset.done $0x0  }
0x1a6: {  	[sflag:s24] =	ssyncadd.s32 $0xFFFFD800  }
0x1a7: {  	[spmem:s3] =	stream.indirect.scatter.add.f32 [tilespmem:s20], [sflag:$0x6], $0x80, s14, s19, $0xb8;
	[tilespmem:$0x1F880] =	vst v63  }
0x1a8: {  	_ =	swait.ge [sflag:s25], $0x2800  }
0x1a9: {  	s14 =	sld [smem:$0x7F3]  }
0x1aa: {  	[sflag:s25] =	ssyncset.done $0x0  }
0x1ab: {  	[sflag:s25] =	ssyncadd.s32 $0xFFFFD800  }
0x1ac: {  	[tilespmem:s20], [sflag:$0x1] =	stream.indirect.gather [hbm4b:s2+s19], $0x80, s14, s19, $0xb8;
	[tilespmem:$0x1F880] =	vst v63  }
0x1ad: {  	_ =	swait.ge [sflag:s26], $0x2800  }
0x1ae: {  	s14 =	sld [smem:$0x7F4]  }
0x1af: {  	[sflag:s26] =	ssyncset.done $0x0  }
0x1b0: {  	[sflag:s26] =	ssyncadd.s32 $0xFFFFD800  }
0x1b1: {  	[spmem:s3] =	stream.indirect.scatter.add.f32 [tilespmem:s21], [sflag:$0x6], $0x80, s14, s19, $0xb8;
	[tilespmem:$0x1F880] =	vst v63  }
0x1b2: {  	_ =	swait.ge [sflag:s25], $0x2800  }
0x1b3: {  	s14 =	sld [smem:$0x7F5]  }
0x1b4: {  	[sflag:s25] =	ssyncset.done $0x0  }
0x1b5: {  	[sflag:s25] =	ssyncadd.s32 $0xFFFFD800  }
0x1b6: {  	[tilespmem:s21], [sflag:$0x2] =	stream.indirect.gather [hbm4b:s2+s19], $0x80, s14, s19, $0xb8;
	[tilespmem:$0x1F880] =	vst v63  }
0x1b7: {  	_ =	swait.ge [sflag:s28], $0x2800  }
0x1b8: {  	s14 =	sld [smem:$0x7F6]  }
0x1b9: {  	[sflag:s28] =	ssyncset.done $0x0  }
0x1ba: {  	[sflag:s28] =	ssyncadd.s32 $0xFFFFD800  }
0x1bb: {  	[spmem:s3] =	stream.indirect.scatter.add.f32 [tilespmem:s22], [sflag:$0x6], $0x80, s14, s19, $0xb8;
	[tilespmem:$0x1F880] =	vst v63  }
0x1bc: {  	_ =	swait.ge [sflag:s25], $0x2800  }
0x1bd: {  	s14 =	sld [smem:$0x7F7]  }
0x1be: {  	[sflag:s25] =	ssyncset.done $0x0  }
0x1bf: {  	[sflag:s25] =	ssyncadd.s32 $0xFFFFD800  }
0x1c0: {  	[tilespmem:s22], [sflag:$0x3] =	stream.indirect.gather [hbm4b:s2+s19], $0x80, s14, s19, $0xb8;
	[tilespmem:$0x1F880] =	vst v63  }
0x1c1: {  	_ =	swait.ge [sflag:s29], $0x2800  }
0x1c2: {  	s14 =	sld [smem:$0x7F8]  }
0x1c3: {  	[sflag:s29] =	ssyncset.done $0x0  }
0x1c4: {  	[sflag:s29] =	ssyncadd.s32 $0xFFFFD800  }
0x1c5: {  	[spmem:s3] =	stream.indirect.scatter.add.f32 [tilespmem:s23], [sflag:$0x5], $0x80, s14, s19, $0xb8;
	[tilespmem:$0x1F880] =	vst v63  }
0x1c6: {  	_ =	swait.ge [sflag:s15], $0x2800  }
0x1c7: {  	s14 =	sld [smem:$0x7F9]  }
0x1c8: {  	[sflag:s15] =	ssyncset.done $0x0  }
0x1c9: {  	[sflag:s15] =	ssyncadd.s32 $0xFFFFD800  }
0x1ca: {  	[tilespmem:s23], [sflag:$0x4] =	stream.indirect.gather [hbm4b:s2+s19], $0x80, s14, s19, $0xb8;
	[tilespmem:$0x1F880] =	vst v63  }
0x1cb: {  	_ =	swait.ge [sflag:s24], $0x2800  }
0x1cc: {  	s14 =	sld [smem:$0x7FA]  }
0x1cd: {  	[sflag:s24] =	ssyncset.done $0x0  }
0x1ce: {  	[sflag:s24] =	ssyncadd.s32 $0xFFFFD800  }
0x1cf: {  	[spmem:s3] =	stream.indirect.scatter.add.f32 [tilespmem:s20], [sflag:$0x6], $0x80, s14, s19, $0xb8;
	[tilespmem:$0x1F880] =	vst v63  }
0x1d0: {  	_ =	swait.ge [sflag:s25], $0x2800  }
0x1d1: {  	s14 =	sld [smem:$0x7FB]  }
0x1d2: {  	[sflag:s25] =	ssyncset.done $0x0  }
0x1d3: {  	[sflag:s25] =	ssyncadd.s32 $0xFFFFD800  }
0x1d4: {  	[tilespmem:s20], [sflag:$0x1] =	stream.indirect.gather [hbm4b:s2+s19], $0x80, s14, s19, $0xb8;
	[tilespmem:$0x1F880] =	vst v63  }
0x1d5: {  	_ =	swait.ge [sflag:s26], $0x2800  }
0x1d6: {  	s14 =	sld [smem:$0x7FC]  }
0x1d7: {  	[sflag:s26] =	ssyncset.done $0x0  }
0x1d8: {  	[sflag:s26] =	ssyncadd.s32 $0xFFFFD800  }
0x1d9: {  	[spmem:s3] =	stream.indirect.scatter.add.f32 [tilespmem:s21], [sflag:$0x6], $0x80, s14, s19, $0xb8;
	[tilespmem:$0x1F880] =	vst v63  }
0x1da: {  	_ =	swait.ge [sflag:s25], $0x2800  }
0x1db: {  	[sflag:s25] =	ssyncset.done $0x0  }
0x1dc: {  	[sflag:s25] =	ssyncadd.s32 $0xFFFFD800  }
0x1dd: {  	[tilespmem:s21], [sflag:$0x2] =	stream.indirect.gather [hbm4b:s2+s19], $0x80, s30, s19, $0xb8;
	[tilespmem:$0x1F880] =	vst v63  }
0x1de: {  	_ =	swait.ge [sflag:s28], $0x2800  }
0x1df: {  	[sflag:s28] =	ssyncset.done $0x0  }
0x1e0: {  	[sflag:s28] =	ssyncadd.s32 $0xFFFFD800  }
0x1e1: {  	[spmem:s3] =	stream.indirect.scatter.add.f32 [tilespmem:s22], [sflag:$0x6], $0x80, s31, s19, $0xb8;
	[tilespmem:$0x1F880] =	vst v63  }
0x1e2: {  	_ =	swait.ge [sflag:s25], $0x2800  }
0x1e3: {  	[sflag:s25] =	ssyncset.done $0x0  }
0x1e4: {  	[sflag:s25] =	ssyncadd.s32 $0xFFFFD800  }
0x1e5: {  	[tilespmem:s22], [sflag:$0x3] =	stream.indirect.gather [hbm4b:s2+s19], $0x80, s1, s19, $0xb8;
	[tilespmem:$0x1F880] =	vst v63  }
0x1e6: {  	_ =	swait.ge [sflag:s29], $0x2800  }
0x1e7: {  	[sflag:s29] =	ssyncset.done $0x0  }
0x1e8: {  	[sflag:s29] =	ssyncadd.s32 $0xFFFFD800  }
0x1e9: {  	[spmem:s3] =	stream.indirect.scatter.add.f32 [tilespmem:s23], [sflag:$0x5], $0x80, s0, s19, $0xb8;
	[tilespmem:$0x1F880] =	vst v63  }
0x1ea: {  	_ =	swait.ge [sflag:s15], $0x2800  }
0x1eb: {  	[sflag:s15] =	ssyncset.done $0x0  }
0x1ec: {  	[sflag:s15] =	ssyncadd.s32 $0xFFFFD800  }
0x1ed: {  	[tilespmem:s23], [sflag:$0x4] =	stream.indirect.gather [hbm4b:s2+s19], $0x80, s6, s19, $0xb8;
	[tilespmem:$0x1F880] =	vst v63  }
0x1ee: {  	_ =	swait.ge [sflag:s24], $0x2800  }
0x1ef: {  	[sflag:s24] =	ssyncset.done $0x0  }
0x1f0: {  	[sflag:s24] =	ssyncadd.s32 $0xFFFFD800  }
0x1f1: {  	[spmem:s3] =	stream.indirect.scatter.add.f32 [tilespmem:s20], [sflag:$0x6], $0x80, s8, s19, $0xb8;
	[tilespmem:$0x1F880] =	vst v63  }
0x1f2: {  	_ =	swait.ge [sflag:s25], $0x2800  }
0x1f3: {  	[sflag:s25] =	ssyncset.done $0x0  }
0x1f4: {  	[sflag:s25] =	ssyncadd.s32 $0xFFFFD800  }
0x1f5: {  	[tilespmem:s20], [sflag:$0x1] =	stream.indirect.gather [hbm4b:s2+s19], $0x80, s5, s19, $0xb8;
	[tilespmem:$0x1F880] =	vst v63  }
0x1f6: {  	_ =	swait.ge [sflag:s26], $0x2800  }
0x1f7: {  	[sflag:s26] =	ssyncset.done $0x0  }
0x1f8: {  	[sflag:s26] =	ssyncadd.s32 $0xFFFFD800  }
0x1f9: {  	[spmem:s3] =	stream.indirect.scatter.add.f32 [tilespmem:s21], [sflag:$0x6], $0x80, s16, s19, $0xb8;
	[tilespmem:$0x1F880] =	vst v63  }
0x1fa: {  	_ =	swait.ge [sflag:s25], $0x2800  }
0x1fb: {  	[sflag:s25] =	ssyncset.done $0x0  }
0x1fc: {  	[sflag:s25] =	ssyncadd.s32 $0xFFFFD800  }
0x1fd: {  	_ =	swait.ge [sflag:s28], $0x2800  }
0x1fe: {  	[sflag:s28] =	ssyncset.done $0x0  }
0x1ff: {  	[sflag:s28] =	ssyncadd.s32 $0xFFFFD800  }
0x200: {  	[spmem:s3] =	stream.indirect.scatter.add.f32 [tilespmem:s22], [sflag:$0x6], $0x80, s9, s19, $0xb8;
	[tilespmem:$0x1F880] =	vst v63  }
0x201: {  	_ =	swait.ge [sflag:s25], $0x2800  }
0x202: {  	[sflag:s25] =	ssyncset.done $0x0  }
0x203: {  	[sflag:s25] =	ssyncadd.s32 $0xFFFFD800  }
0x204: {  	_ =	swait.ge [sflag:s29], $0x2800  }
0x205: {  	[sflag:s29] =	ssyncset.done $0x0  }
0x206: {  	[sflag:s29] =	ssyncadd.s32 $0xFFFFD800  }
0x207: {  	[spmem:s3] =	stream.indirect.scatter.add.f32 [tilespmem:s23], [sflag:$0x5], $0x80, s10, s19, $0xb8;
	[tilespmem:$0x1F880] =	vst v63  }
0x208: {  	_ =	swait.ge [sflag:s15], $0x2800  }
0x209: {  	[sflag:s15] =	ssyncset.done $0x0  }
0x20a: {  	[sflag:s15] =	ssyncadd.s32 $0xFFFFD800  }
0x20b: {  	p3 =	sne.s32 s12, $0x800;
	_ =	swait.ge [sflag:s24], $0x2800  }
.Ltmp4:
0x20c: {  	[sflag:s24] =	ssyncset.done $0x0;
	(pc) =	sbr.rel @p3 .LBB2_6-.Ltmp4, $4  }
0x20d: {  	[sflag:s24] =	ssyncadd.s32 $0xFFFFD800  }
0x20e: {  	[spmem:s3] =	stream.indirect.scatter.add.f32 [tilespmem:s20], [sflag:$0x6], $0x80, s11, s19, $0xb8;
	[tilespmem:$0x1F880] =	vst v63  }
0x20f: {  	_ =	swait.ge [sflag:s25], $0x2800  }
0x210: {  	s12 =	sadd.s32 $0x200, s12;
	s14 =	rddreg [dreg:$0x5];
	[sflag:s25] =	ssyncset.done $0x0  }
0x211: {  	[sflag:s25] =	ssyncadd.s32 $0xFFFFD800;
	s7 =	sadd.s32 s13, s14  }
0x212: {  	[tilespmem:s17], [sflag:$0x5] =	stream.linear.gather [hbm4b:s7+s4], $0xC80, $0x38;
	[tilespmem:$0x1F880] =	vst v63  }
0x213: {  	_ =	swait.ge [sflag:s15], $0xC80  }
0x214: {  	s12 =	rddreg [dreg:$0x4];
	[sflag:s15] =	ssyncset.done $0x0  }
0x215: {  	[sflag:s15] =	ssyncadd.s32 $0xFFFFF380;
	s7 =	sadd.s32 s13, s12  }
0x216: {  	[tilespmem:s18], [sflag:$0x5] =	stream.linear.gather [hbm4b:s7+s4], $0xC80, $0x38;
	[tilespmem:$0x1F880] =	vst v63  }
0x217: {  	_ =	swait.ge [sflag:s15], $0xC80  }
0x218: {  	[sflag:s15] =	ssyncset.done $0x0  }
0x219: {  	[sflag:s15] =	ssyncadd.s32 $0xFFFFF380  }
0x21a: {  	[tilespmem:s20], [sflag:$0x1] =	stream.indirect.gather [hbm4b:s2+s19], $0x80, s17, s19, $0xb8;
	[tilespmem:$0x1F880] =	vst v63  }
0x21b: {  	s14 =	rddreg [dreg:$0x6]  }
0x21c: {  	[tilespmem:s21], [sflag:$0x2] =	stream.indirect.gather [hbm4b:s2+s19], $0x80, s14, s19, $0xb8;
	[tilespmem:$0x1F880] =	vst v63  }
0x21d: {  	s12 =	rddreg [dreg:$0x7]  }
0x21e: {  	[tilespmem:s22], [sflag:$0x3] =	stream.indirect.gather [hbm4b:s2+s19], $0x80, s12, s19, $0xb8;
	[tilespmem:$0x1F880] =	vst v63  }
0x21f: {  	s13 =	rddreg [dreg:$0x8]  }
0x220: {  	[tilespmem:s23], [sflag:$0x4] =	stream.indirect.gather [hbm4b:s2+s19], $0x80, s13, s19, $0xb8;
	[tilespmem:$0x1F880] =	vst v63  }
0x221: {  	_ =	swait.ge [sflag:s24], $0x2800  }
0x222: {  	[sflag:s24] =	ssyncset.done $0x0  }
0x223: {  	[sflag:s24] =	ssyncadd.s32 $0xFFFFD800  }
0x224: {  	[spmem:s3] =	stream.indirect.scatter.add.f32 [tilespmem:s20], [sflag:$0x6], $0x80, s18, s19, $0xb8;
	[tilespmem:$0x1F880] =	vst v63  }
0x225: {  	_ =	swait.ge [sflag:s25], $0x2800  }
0x226: {  	[sflag:s25] =	ssyncset.done $0x0  }
0x227: {  	s14 =	rddreg [dreg:$0x9];
	[sflag:s25] =	ssyncadd.s32 $0xFFFFD800  }
0x228: {  	[tilespmem:s20], [sflag:$0x1] =	stream.indirect.gather [hbm4b:s2+s19], $0x80, s14, s19, $0xb8;
	[tilespmem:$0x1F880] =	vst v63  }
0x229: {  	_ =	swait.ge [sflag:s26], $0x2800  }
0x22a: {  	[sflag:s26] =	ssyncset.done $0x0  }
0x22b: {  	s12 =	rddreg [dreg:$0xa];
	[sflag:s26] =	ssyncadd.s32 $0xFFFFD800  }
0x22c: {  	[spmem:s3] =	stream.indirect.scatter.add.f32 [tilespmem:s21], [sflag:$0x6], $0x80, s12, s19, $0xb8;
	[tilespmem:$0x1F880] =	vst v63  }
0x22d: {  	_ =	swait.ge [sflag:s25], $0x2800  }
0x22e: {  	[sflag:s25] =	ssyncset.done $0x0  }
0x22f: {  	s13 =	rddreg [dreg:$0xb];
	[sflag:s25] =	ssyncadd.s32 $0xFFFFD800  }
0x230: {  	[tilespmem:s21], [sflag:$0x2] =	stream.indirect.gather [hbm4b:s2+s19], $0x80, s13, s19, $0xb8;
	[tilespmem:$0x1F880] =	vst v63  }
0x231: {  	_ =	swait.ge [sflag:s28], $0x2800  }
0x232: {  	[sflag:s28] =	ssyncset.done $0x0  }
0x233: {  	s14 =	rddreg [dreg:$0xc];
	[sflag:s28] =	ssyncadd.s32 $0xFFFFD800  }
0x234: {  	[spmem:s3] =	stream.indirect.scatter.add.f32 [tilespmem:s22], [sflag:$0x6], $0x80, s14, s19, $0xb8;
	[tilespmem:$0x1F880] =	vst v63  }
0x235: {  	_ =	swait.ge [sflag:s25], $0x2800  }
0x236: {  	[sflag:s25] =	ssyncset.done $0x0  }
0x237: {  	s12 =	rddreg [dreg:$0xd];
	[sflag:s25] =	ssyncadd.s32 $0xFFFFD800  }
0x238: {  	[tilespmem:s22], [sflag:$0x3] =	stream.indirect.gather [hbm4b:s2+s19], $0x80, s12, s19, $0xb8;
	[tilespmem:$0x1F880] =	vst v63  }
0x239: {  	_ =	swait.ge [sflag:s29], $0x2800  }
0x23a: {  	[sflag:s29] =	ssyncset.done $0x0  }
0x23b: {  	s13 =	rddreg [dreg:$0xe];
	[sflag:s29] =	ssyncadd.s32 $0xFFFFD800  }
0x23c: {  	[spmem:s3] =	stream.indirect.scatter.add.f32 [tilespmem:s23], [sflag:$0x5], $0x80, s13, s19, $0xb8;
	[tilespmem:$0x1F880] =	vst v63  }
0x23d: {  	_ =	swait.ge [sflag:s15], $0x2800  }
0x23e: {  	[sflag:s15] =	ssyncset.done $0x0  }
0x23f: {  	s14 =	rddreg [dreg:$0xf];
	[sflag:s15] =	ssyncadd.s32 $0xFFFFD800  }
0x240: {  	[tilespmem:s23], [sflag:$0x4] =	stream.indirect.gather [hbm4b:s2+s19], $0x80, s14, s19, $0xb8;
	[tilespmem:$0x1F880] =	vst v63  }
0x241: {  	_ =	swait.ge [sflag:s24], $0x2800  }
0x242: {  	[sflag:s24] =	ssyncset.done $0x0  }
0x243: {  	s12 =	rddreg [dreg:$0x10];
	[sflag:s24] =	ssyncadd.s32 $0xFFFFD800  }
0x244: {  	[spmem:s3] =	stream.indirect.scatter.add.f32 [tilespmem:s20], [sflag:$0x6], $0x80, s12, s19, $0xb8;
	[tilespmem:$0x1F880] =	vst v63  }
0x245: {  	_ =	swait.ge [sflag:s25], $0x2800  }
0x246: {  	[sflag:s25] =	ssyncset.done $0x0  }
0x247: {  	s13 =	rddreg [dreg:$0x11];
	[sflag:s25] =	ssyncadd.s32 $0xFFFFD800  }
0x248: {  	[tilespmem:s20], [sflag:$0x1] =	stream.indirect.gather [hbm4b:s2+s19], $0x80, s13, s19, $0xb8;
	[tilespmem:$0x1F880] =	vst v63  }
0x249: {  	_ =	swait.ge [sflag:s26], $0x2800  }
0x24a: {  	[sflag:s26] =	ssyncset.done $0x0  }
0x24b: {  	s14 =	rddreg [dreg:$0x12];
	[sflag:s26] =	ssyncadd.s32 $0xFFFFD800  }
0x24c: {  	[spmem:s3] =	stream.indirect.scatter.add.f32 [tilespmem:s21], [sflag:$0x6], $0x80, s14, s19, $0xb8;
	[tilespmem:$0x1F880] =	vst v63  }
0x24d: {  	_ =	swait.ge [sflag:s25], $0x2800  }
0x24e: {  	[sflag:s25] =	ssyncset.done $0x0  }
0x24f: {  	s12 =	rddreg [dreg:$0x13];
	[sflag:s25] =	ssyncadd.s32 $0xFFFFD800  }
0x250: {  	[tilespmem:s21], [sflag:$0x2] =	stream.indirect.gather [hbm4b:s2+s19], $0x80, s12, s19, $0xb8;
	[tilespmem:$0x1F880] =	vst v63  }
0x251: {  	_ =	swait.ge [sflag:s28], $0x2800  }
0x252: {  	[sflag:s28] =	ssyncset.done $0x0  }
0x253: {  	s13 =	rddreg [dreg:$0x14];
	[sflag:s28] =	ssyncadd.s32 $0xFFFFD800  }
0x254: {  	[spmem:s3] =	stream.indirect.scatter.add.f32 [tilespmem:s22], [sflag:$0x6], $0x80, s13, s19, $0xb8;
	[tilespmem:$0x1F880] =	vst v63  }
0x255: {  	_ =	swait.ge [sflag:s25], $0x2800  }
0x256: {  	[sflag:s25] =	ssyncset.done $0x0  }
0x257: {  	s14 =	rddreg [dreg:$0x15];
	[sflag:s25] =	ssyncadd.s32 $0xFFFFD800  }
0x258: {  	[tilespmem:s22], [sflag:$0x3] =	stream.indirect.gather [hbm4b:s2+s19], $0x80, s14, s19, $0xb8;
	[tilespmem:$0x1F880] =	vst v63  }
0x259: {  	_ =	swait.ge [sflag:s29], $0x2800  }
0x25a: {  	[sflag:s29] =	ssyncset.done $0x0  }
0x25b: {  	s12 =	rddreg [dreg:$0x16];
	[sflag:s29] =	ssyncadd.s32 $0xFFFFD800  }
0x25c: {  	[spmem:s3] =	stream.indirect.scatter.add.f32 [tilespmem:s23], [sflag:$0x5], $0x80, s12, s19, $0xb8;
	[tilespmem:$0x1F880] =	vst v63  }
0x25d: {  	_ =	swait.ge [sflag:s15], $0x2800  }
0x25e: {  	[sflag:s15] =	ssyncset.done $0x0  }
0x25f: {  	s13 =	rddreg [dreg:$0x17];
	[sflag:s15] =	ssyncadd.s32 $0xFFFFD800  }
0x260: {  	[tilespmem:s23], [sflag:$0x4] =	stream.indirect.gather [hbm4b:s2+s19], $0x80, s13, s19, $0xb8;
	[tilespmem:$0x1F880] =	vst v63  }
0x261: {  	_ =	swait.ge [sflag:s24], $0x2800  }
0x262: {  	[sflag:s24] =	ssyncset.done $0x0  }
0x263: {  	s14 =	rddreg [dreg:$0x18];
	[sflag:s24] =	ssyncadd.s32 $0xFFFFD800  }
0x264: {  	[spmem:s3] =	stream.indirect.scatter.add.f32 [tilespmem:s20], [sflag:$0x6], $0x80, s14, s19, $0xb8;
	[tilespmem:$0x1F880] =	vst v63  }
0x265: {  	_ =	swait.ge [sflag:s25], $0x2800  }
0x266: {  	[sflag:s25] =	ssyncset.done $0x0  }
0x267: {  	s12 =	rddreg [dreg:$0x19];
	[sflag:s25] =	ssyncadd.s32 $0xFFFFD800  }
0x268: {  	[tilespmem:s20], [sflag:$0x1] =	stream.indirect.gather [hbm4b:s2+s19], $0x80, s12, s19, $0xb8;
	[tilespmem:$0x1F880] =	vst v63  }
0x269: {  	_ =	swait.ge [sflag:s26], $0x2800  }
0x26a: {  	[sflag:s26] =	ssyncset.done $0x0  }
0x26b: {  	s13 =	rddreg [dreg:$0x1a];
	[sflag:s26] =	ssyncadd.s32 $0xFFFFD800  }
0x26c: {  	[spmem:s3] =	stream.indirect.scatter.add.f32 [tilespmem:s21], [sflag:$0x6], $0x80, s13, s19, $0xb8;
	[tilespmem:$0x1F880] =	vst v63  }
0x26d: {  	_ =	swait.ge [sflag:s25], $0x2800  }
0x26e: {  	[sflag:s25] =	ssyncset.done $0x0  }
0x26f: {  	s14 =	rddreg [dreg:$0x1b];
	[sflag:s25] =	ssyncadd.s32 $0xFFFFD800  }
0x270: {  	[tilespmem:s21], [sflag:$0x2] =	stream.indirect.gather [hbm4b:s2+s19], $0x80, s14, s19, $0xb8;
	[tilespmem:$0x1F880] =	vst v63  }
0x271: {  	_ =	swait.ge [sflag:s28], $0x2800  }
0x272: {  	[sflag:s28] =	ssyncset.done $0x0  }
0x273: {  	s12 =	rddreg [dreg:$0x1c];
	[sflag:s28] =	ssyncadd.s32 $0xFFFFD800  }
0x274: {  	[spmem:s3] =	stream.indirect.scatter.add.f32 [tilespmem:s22], [sflag:$0x6], $0x80, s12, s19, $0xb8;
	[tilespmem:$0x1F880] =	vst v63  }
0x275: {  	_ =	swait.ge [sflag:s25], $0x2800  }
0x276: {  	[sflag:s25] =	ssyncset.done $0x0  }
0x277: {  	s13 =	rddreg [dreg:$0x1d];
	[sflag:s25] =	ssyncadd.s32 $0xFFFFD800  }
0x278: {  	[tilespmem:s22], [sflag:$0x3] =	stream.indirect.gather [hbm4b:s2+s19], $0x80, s13, s19, $0xb8;
	[tilespmem:$0x1F880] =	vst v63  }
0x279: {  	_ =	swait.ge [sflag:s29], $0x2800  }
0x27a: {  	[sflag:s29] =	ssyncset.done $0x0  }
0x27b: {  	s14 =	rddreg [dreg:$0x1e];
	[sflag:s29] =	ssyncadd.s32 $0xFFFFD800  }
0x27c: {  	[spmem:s3] =	stream.indirect.scatter.add.f32 [tilespmem:s23], [sflag:$0x5], $0x80, s14, s19, $0xb8;
	[tilespmem:$0x1F880] =	vst v63  }
0x27d: {  	_ =	swait.ge [sflag:s15], $0x2800  }
0x27e: {  	[sflag:s15] =	ssyncset.done $0x0  }
0x27f: {  	s12 =	rddreg [dreg:$0x1f];
	[sflag:s15] =	ssyncadd.s32 $0xFFFFD800  }
0x280: {  	[tilespmem:s23], [sflag:$0x4] =	stream.indirect.gather [hbm4b:s2+s19], $0x80, s12, s19, $0xb8;
	[tilespmem:$0x1F880] =	vst v63  }
0x281: {  	_ =	swait.ge [sflag:s24], $0x2800  }
0x282: {  	s13 =	sld [smem:$0x7F0]  }
0x283: {  	[sflag:s24] =	ssyncset.done $0x0  }
0x284: {  	[sflag:s24] =	ssyncadd.s32 $0xFFFFD800  }
0x285: {  	[spmem:s3] =	stream.indirect.scatter.add.f32 [tilespmem:s20], [sflag:$0x6], $0x80, s13, s19, $0xb8;
	[tilespmem:$0x1F880] =	vst v63  }
0x286: {  	_ =	swait.ge [sflag:s25], $0x2800  }
0x287: {  	s14 =	sld [smem:$0x7F3]  }
0x288: {  	[sflag:s25] =	ssyncset.done $0x0  }
0x289: {  	[sflag:s25] =	ssyncadd.s32 $0xFFFFD800  }
0x28a: {  	[tilespmem:s20], [sflag:$0x1] =	stream.indirect.gather [hbm4b:s2+s19], $0x80, s14, s19, $0xb8;
	[tilespmem:$0x1F880] =	vst v63  }
0x28b: {  	_ =	swait.ge [sflag:s26], $0x2800  }
0x28c: {  	s12 =	sld [smem:$0x7F4]  }
0x28d: {  	[sflag:s26] =	ssyncset.done $0x0  }
0x28e: {  	[sflag:s26] =	ssyncadd.s32 $0xFFFFD800  }
0x28f: {  	[spmem:s3] =	stream.indirect.scatter.add.f32 [tilespmem:s21], [sflag:$0x6], $0x80, s12, s19, $0xb8;
	[tilespmem:$0x1F880] =	vst v63  }
0x290: {  	_ =	swait.ge [sflag:s25], $0x2800  }
0x291: {  	s13 =	sld [smem:$0x7F5]  }
0x292: {  	[sflag:s25] =	ssyncset.done $0x0  }
0x293: {  	[sflag:s25] =	ssyncadd.s32 $0xFFFFD800  }
0x294: {  	[tilespmem:s21], [sflag:$0x2] =	stream.indirect.gather [hbm4b:s2+s19], $0x80, s13, s19, $0xb8;
	[tilespmem:$0x1F880] =	vst v63  }
0x295: {  	_ =	swait.ge [sflag:s28], $0x2800  }
0x296: {  	s14 =	sld [smem:$0x7F6]  }
0x297: {  	[sflag:s28] =	ssyncset.done $0x0  }
0x298: {  	[sflag:s28] =	ssyncadd.s32 $0xFFFFD800  }
0x299: {  	[spmem:s3] =	stream.indirect.scatter.add.f32 [tilespmem:s22], [sflag:$0x6], $0x80, s14, s19, $0xb8;
	[tilespmem:$0x1F880] =	vst v63  }
0x29a: {  	_ =	swait.ge [sflag:s25], $0x2800  }
0x29b: {  	s12 =	sld [smem:$0x7F7]  }
0x29c: {  	[sflag:s25] =	ssyncset.done $0x0  }
0x29d: {  	[sflag:s25] =	ssyncadd.s32 $0xFFFFD800  }
0x29e: {  	[tilespmem:s22], [sflag:$0x3] =	stream.indirect.gather [hbm4b:s2+s19], $0x80, s12, s19, $0xb8;
	[tilespmem:$0x1F880] =	vst v63  }
0x29f: {  	_ =	swait.ge [sflag:s29], $0x2800  }
0x2a0: {  	s13 =	sld [smem:$0x7F8]  }
0x2a1: {  	[sflag:s29] =	ssyncset.done $0x0  }
0x2a2: {  	[sflag:s29] =	ssyncadd.s32 $0xFFFFD800  }
0x2a3: {  	[spmem:s3] =	stream.indirect.scatter.add.f32 [tilespmem:s23], [sflag:$0x5], $0x80, s13, s19, $0xb8;
	[tilespmem:$0x1F880] =	vst v63  }
0x2a4: {  	_ =	swait.ge [sflag:s15], $0x2800  }
0x2a5: {  	s14 =	sld [smem:$0x7F9]  }
0x2a6: {  	[sflag:s15] =	ssyncset.done $0x0  }
0x2a7: {  	[sflag:s15] =	ssyncadd.s32 $0xFFFFD800  }
0x2a8: {  	[tilespmem:s23], [sflag:$0x4] =	stream.indirect.gather [hbm4b:s2+s19], $0x80, s14, s19, $0xb8;
	[tilespmem:$0x1F880] =	vst v63  }
0x2a9: {  	_ =	swait.ge [sflag:s24], $0x2800  }
0x2aa: {  	s12 =	sld [smem:$0x7FA]  }
0x2ab: {  	[sflag:s24] =	ssyncset.done $0x0  }
0x2ac: {  	[sflag:s24] =	ssyncadd.s32 $0xFFFFD800  }
0x2ad: {  	[spmem:s3] =	stream.indirect.scatter.add.f32 [tilespmem:s20], [sflag:$0x6], $0x80, s12, s19, $0xb8;
	[tilespmem:$0x1F880] =	vst v63  }
0x2ae: {  	_ =	swait.ge [sflag:s25], $0x2800  }
0x2af: {  	s13 =	sld [smem:$0x7FB]  }
0x2b0: {  	[sflag:s25] =	ssyncset.done $0x0  }
0x2b1: {  	[sflag:s25] =	ssyncadd.s32 $0xFFFFD800  }
0x2b2: {  	[tilespmem:s20], [sflag:$0x1] =	stream.indirect.gather [hbm4b:s2+s19], $0x80, s13, s19, $0xb8;
	[tilespmem:$0x1F880] =	vst v63  }
0x2b3: {  	_ =	swait.ge [sflag:s26], $0x2800  }
0x2b4: {  	s14 =	sld [smem:$0x7FC]  }
0x2b5: {  	[sflag:s26] =	ssyncset.done $0x0  }
0x2b6: {  	[sflag:s26] =	ssyncadd.s32 $0xFFFFD800  }
0x2b7: {  	[spmem:s3] =	stream.indirect.scatter.add.f32 [tilespmem:s21], [sflag:$0x6], $0x80, s14, s19, $0xb8;
	[tilespmem:$0x1F880] =	vst v63  }
0x2b8: {  	_ =	swait.ge [sflag:s25], $0x2800  }
0x2b9: {  	[sflag:s25] =	ssyncset.done $0x0  }
0x2ba: {  	[sflag:s25] =	ssyncadd.s32 $0xFFFFD800  }
0x2bb: {  	[tilespmem:s21], [sflag:$0x2] =	stream.indirect.gather [hbm4b:s2+s19], $0x80, s30, s19, $0xb8;
	[tilespmem:$0x1F880] =	vst v63  }
0x2bc: {  	_ =	swait.ge [sflag:s28], $0x2800  }
0x2bd: {  	[sflag:s28] =	ssyncset.done $0x0  }
0x2be: {  	[sflag:s28] =	ssyncadd.s32 $0xFFFFD800  }
0x2bf: {  	[spmem:s3] =	stream.indirect.scatter.add.f32 [tilespmem:s22], [sflag:$0x6], $0x80, s31, s19, $0xb8;
	[tilespmem:$0x1F880] =	vst v63  }
0x2c0: {  	_ =	swait.ge [sflag:s25], $0x2800  }
0x2c1: {  	[sflag:s25] =	ssyncset.done $0x0  }
0x2c2: {  	[sflag:s25] =	ssyncadd.s32 $0xFFFFD800  }
0x2c3: {  	[tilespmem:s22], [sflag:$0x3] =	stream.indirect.gather [hbm4b:s2+s19], $0x80, s1, s19, $0xb8;
	[tilespmem:$0x1F880] =	vst v63  }
0x2c4: {  	_ =	swait.ge [sflag:s29], $0x2800  }
0x2c5: {  	[sflag:s29] =	ssyncset.done $0x0  }
0x2c6: {  	[sflag:s29] =	ssyncadd.s32 $0xFFFFD800  }
0x2c7: {  	[spmem:s3] =	stream.indirect.scatter.add.f32 [tilespmem:s23], [sflag:$0x5], $0x80, s0, s19, $0xb8;
	[tilespmem:$0x1F880] =	vst v63  }
0x2c8: {  	_ =	swait.ge [sflag:s15], $0x2800  }
0x2c9: {  	[sflag:s15] =	ssyncset.done $0x0  }
0x2ca: {  	[sflag:s15] =	ssyncadd.s32 $0xFFFFD800  }
0x2cb: {  	[tilespmem:s23], [sflag:$0x4] =	stream.indirect.gather [hbm4b:s2+s19], $0x80, s6, s19, $0xb8;
	[tilespmem:$0x1F880] =	vst v63  }
0x2cc: {  	_ =	swait.ge [sflag:s24], $0x2800  }
0x2cd: {  	[sflag:s24] =	ssyncset.done $0x0  }
0x2ce: {  	[sflag:s24] =	ssyncadd.s32 $0xFFFFD800  }
0x2cf: {  	[spmem:s3] =	stream.indirect.scatter.add.f32 [tilespmem:s20], [sflag:$0x6], $0x80, s8, s19, $0xb8;
	[tilespmem:$0x1F880] =	vst v63  }
0x2d0: {  	_ =	swait.ge [sflag:s25], $0x2800  }
0x2d1: {  	[sflag:s25] =	ssyncset.done $0x0  }
0x2d2: {  	[sflag:s25] =	ssyncadd.s32 $0xFFFFD800  }
0x2d3: {  	[tilespmem:s20], [sflag:$0x1] =	stream.indirect.gather [hbm4b:s2+s19], $0x80, s5, s19, $0xb8;
	[tilespmem:$0x1F880] =	vst v63  }
0x2d4: {  	_ =	swait.ge [sflag:s26], $0x2800  }
0x2d5: {  	[sflag:s26] =	ssyncset.done $0x0  }
0x2d6: {  	[sflag:s26] =	ssyncadd.s32 $0xFFFFD800  }
0x2d7: {  	[spmem:s3] =	stream.indirect.scatter.add.f32 [tilespmem:s21], [sflag:$0x6], $0x80, s16, s19, $0xb8;
	[tilespmem:$0x1F880] =	vst v63  }
0x2d8: {  	_ =	swait.ge [sflag:s25], $0x2800  }
0x2d9: {  	[sflag:s25] =	ssyncset.done $0x0  }
0x2da: {  	[sflag:s25] =	ssyncadd.s32 $0xFFFFD800  }
0x2db: {  	_ =	swait.ge [sflag:s28], $0x2800  }
0x2dc: {  	[sflag:s28] =	ssyncset.done $0x0  }
0x2dd: {  	[sflag:s28] =	ssyncadd.s32 $0xFFFFD800  }
0x2de: {  	[spmem:s3] =	stream.indirect.scatter.add.f32 [tilespmem:s22], [sflag:$0x6], $0x80, s9, s19, $0xb8;
	[tilespmem:$0x1F880] =	vst v63  }
0x2df: {  	_ =	swait.ge [sflag:s25], $0x2800  }
0x2e0: {  	[sflag:s25] =	ssyncset.done $0x0  }
0x2e1: {  	[sflag:s25] =	ssyncadd.s32 $0xFFFFD800  }
0x2e2: {  	_ =	swait.ge [sflag:s29], $0x2800  }
0x2e3: {  	[sflag:s29] =	ssyncset.done $0x0  }
0x2e4: {  	[sflag:s29] =	ssyncadd.s32 $0xFFFFD800  }
0x2e5: {  	[spmem:s3] =	stream.indirect.scatter.add.f32 [tilespmem:s23], [sflag:$0x5], $0x80, s10, s19, $0xb8;
	[tilespmem:$0x1F880] =	vst v63  }
0x2e6: {  	_ =	swait.ge [sflag:s15], $0x2800  }
0x2e7: {  	[sflag:s15] =	ssyncset.done $0x0  }
0x2e8: {  	[sflag:s15] =	ssyncadd.s32 $0xFFFFD800  }
0x2e9: {  	_ =	swait.ge [sflag:s24], $0x2800  }
0x2ea: {  	[sflag:s24] =	ssyncset.done $0x0  }
0x2eb: {  	[sflag:s24] =	ssyncadd.s32 $0xFFFFD800  }
0x2ec: {  	[spmem:s3] =	stream.indirect.scatter.add.f32 [tilespmem:s20], [sflag:$0x6], $0x80, s11, s19, $0xb8;
	[tilespmem:$0x1F880] =	vst v63  }
0x2ed: {  	_ =	swait.ge [sflag:s25], $0x2800  }
0x2ee: {  	[sflag:s25] =	ssyncset.done $0x0  }
0x2ef: {  	[sflag:s25] =	ssyncadd.s32 $0xFFFFD800  }
0x2f0: {  	[bflag:$0x0] =	sbarrier.arrive $0xFFFF  }
0x2f1: {  	s12 =	sld [smem:$0x7EE]  }
0x2f2: {  	s13 =	sld [smem:$0x7EB]  }
0x2f3: {  	s14 =	sld [smem:$0x7FD];
	_ =	sdelay $0x1  }
0x2f4: {  	s7 =	sor.u32 $0x1C05, s12  }
0x2f5: {  	[hbm:s13], [sflag:s7] =	dma.local [spmem:s14], $0x2700  }
0x2f6: {  	_ =	swait.ge [sflag:s15], $0x2700  }
0x2f7: {  	s12 =	sld [smem:$0x7F1]  }
0x2f8: {  	s13 =	sld [smem:$0x7EC]  }
0x2f9: {  	[sflag:s15] =	ssyncset.done $0x0  }
0x2fa: {  	[sflag:s15] =	ssyncadd.s32 $0xFFFFD900;
	s12 =	sshrl.u32 @!p1 s12, $0x3  }
0x2fb: {  	[hbm:s13], [sflag:s7] =	dma.local @!p1 [spmem:s12], $0x100  }
0x2fc: {  	s7 =	simm.s32 @!p1 $0x5  }
0x2fd: {  	_ =	swait.ge @!p1 [sflag:s7], $0x100  }
0x2fe: {  	s12 =	sld [smem:$0x7E7];
	_ =	sdelay $0x2  }
0x2ff: {  	s13 =	sadd.s32 $0x1, s12;
	s12 =	sld [smem:$0x7ED];
	_ =	sdelay $0x2  }
0x300: {  	p3 =	sne.s32 s13, s12  }
.Ltmp5:
0x301: {  	_ = 	snop;
	(pc) =	sbr.rel @p3 .LBB2_1-.Ltmp5, $3  }
0x302: {  	_ =	sdelay $0x1  }
0x303: {  	[sflag:s7] =	ssyncset.done @!p1 $0x0  }
0x304: {  	[sflag:s7] =	ssyncadd.s32 @!p1 $0xFFFFFF00  }
0x305: {  	_ =	sfence.sel $0x180000  }
0x306: {  	[bflag:$0x0] =	sbarrier.arrive $0xFFFF  }
0x307: {  	_ =	strace $0x90000047  }
0x308: {  	s0 =	stileid.u32;
	[bflag:$0x2] =	sbarrier.arrive $0xFFFF  }
0x309: {  	p0 =	sne.s32 s0, $0x0;
	s0 =	rddreg [dreg:$0x3]  }
0x30a: {  	s0 =	sadd.s32 @!p0 $0x100000, s0  }
0x30b: {  	[sflag:s0] =	ssyncadd.tile.s32 @!p0 $0x1;
	_ =	shalt  }
.Lfunc_end2:
_tile_overlayer_lowered:
.L_overlay_start_2:
0x30c: {  	(tag) =	ssettag $0x2  }
0x30d: {  	s0 =	rddreg [dreg:$0x0];
	s2 =	stileid.u32  }
0x30e: {  	s1 =	rddreg [dreg:$0x1];
	p0 =	sne.s32 s2, $0x0  }
0x30f: {  	s3 =	rddreg [dreg:$0x2];
	[bflag:$0x3] =	sbarrier.arrive $0xFFFF;
	s2 =	simm.s32 @!p0 $0x1C05  }
0x310: {  	[timem:s3], [sflag:s2] =	dma.local @!p0 [hbm:s0], s1  }
0x311: {  	s0 =	simm.s32 @!p0 $0x5  }
0x312: {  	_ =	swait.ge @!p0 [sflag:s0], s1  }
0x313: {  	s1 =	ssub.s32 @!p0 $0x0, s1;
	[sflag:s0] =	ssyncset.done @!p0 $0x0  }
0x314: {  	[sflag:s0] =	ssyncadd.s32 @!p0 s1  }
0x315: {  	[bflag:$0x3] =	sbarrier.arrive $0xFFFF  }
0x316: {  	_ =	shalt  }

</sc_bundles>
